<compile_context>
chip_gen: v7x
topology: tpu7x:2x2x1
jax: 0.10.2.dev20260603
libtpu: 0.0.44.dev20260713+nightly
codegen_flags: <defaults>
</compile_context>

<pallas_src>
import functools

import jax
import jax.numpy as jnp
import numpy as np
from jax import lax
from jax.experimental import pallas as pl
from jax.experimental.pallas import tpu as pltpu
from jax.experimental.pallas import tpu_sc as plsc

N_SAMPLES = 128
MIN_D = 0.1
MAX_D = 6.0
DZ = (MAX_D - MIN_D) / (N_SAMPLES - 1)
BLOCK_R = 4096
SC_CHUNK = 256
SC_UNROLL = 8


def _threefry2x32_np(k0, k1, x0, x1):
    def rotl(x, d):
        return (x << np.uint32(d)) | (x >> np.uint32(32 - d))

    rots = ((13, 15, 26, 6), (17, 29, 16, 24))
    ks = (k0, k1, k0 ^ k1 ^ np.uint32(0x1BD11BDA))
    x0 = x0 + ks[0]
    x1 = x1 + ks[1]
    for i in range(5):
        for r in rots[i % 2]:
            x0 = x0 + x1
            x1 = rotl(x1, r)
            x1 = x0 ^ x1
        x0 = x0 + ks[(i + 1) % 3]
        x1 = x1 + ks[(i + 2) % 3] + np.uint32(i + 1)
    return x0, x1


@functools.cache
def _u_const(n_rays: int):
    size = n_rays * N_SAMPLES
    with np.errstate(over="ignore"):
        b0, b1 = _threefry2x32_np(
            np.uint32(0), np.uint32(42),
            np.zeros(size, np.uint32), np.arange(size, dtype=np.uint32),
        )
    bits = b0 ^ b1
    u = ((bits >> np.uint32(9)) | np.uint32(0x3F800000)).view(np.float32)
    u = np.maximum(np.float32(0.0), u - np.float32(1.0))
    return u.reshape(n_rays, N_SAMPLES)


@functools.cache
def _bcast_mat():
    e = np.zeros((3, 3 * N_SAMPLES), np.float32)
    for k in range(3):
        e[k, k * N_SAMPLES:(k + 1) * N_SAMPLES] = 1.0
    return jnp.asarray(e)




def _sc_body(dens_hbm, u_hbm, z_hbm, dens_v, u_v, cdf_v, z_v):
    n = N_SAMPLES
    c_rays = SC_CHUNK
    info = plsc.get_sparse_core_info()
    nw = info.num_cores * info.num_subcores
    wid = lax.axis_index("s") * info.num_cores + lax.axis_index("c")
    n_rays = dens_hbm.shape[0]
    per_w = n_rays // nw
    base = wid * per_w

    def chunk_body(ci, carry_unused):
        start = base + ci * c_rays
        pltpu.sync_copy(dens_hbm.at[pl.ds(start, c_rays), :], dens_v)
        pltpu.sync_copy(u_hbm.at[pl.ds(start, c_rays), :], u_v)

        @plsc.parallel_loop(0, c_rays, unroll=SC_UNROLL)
        def ray_body(r):
            run = jnp.float32(0.0)
            for j in range(n // 16):
                dv = dens_v[r, pl.ds(16 * j, 16)] + jnp.float32(1e-5)
                cj = plsc.cumsum(dv) + run
                cdf_v[pl.ds(r * n + 16 * j, 16)] = cj
                run = cj[15]
            rbase = jnp.full((16,), r * n - 1, jnp.int32)
            for j in range(n // 16):
                t = u_v[r, pl.ds(16 * j, 16)] * run
                lo = rbase
                for step in (64, 32, 16, 8, 4, 2, 1):
                    cg = plsc.load_gather(cdf_v, [lo + step])
                    lo = lo + jnp.where(cg <= t, step, 0)
                idx = jnp.minimum(lo - rbase, n - 1)
                zf = (idx.astype(jnp.float32)
                      * jnp.float32(DZ) + jnp.float32(MIN_D))
                z_v[r, pl.ds(16 * j, 16)] = zf
        pltpu.sync_copy(z_v, z_hbm.at[pl.ds(start, c_rays), :])
        return carry_unused

    lax.fori_loop(0, per_w // c_rays, chunk_body, 0)


def _sc_depths(dens, u):
    n_rays = dens.shape[0]
    n = N_SAMPLES
    mesh = plsc.VectorSubcoreMesh(core_axis_name="c", subcore_axis_name="s")
    return pl.kernel(
        _sc_body,
        out_type=jax.ShapeDtypeStruct((n_rays, n), jnp.float32),
        mesh=mesh,
        scratch_types=[
            pltpu.VMEM((SC_CHUNK, n), jnp.float32),
            pltpu.VMEM((SC_CHUNK, n), jnp.float32),
            pltpu.VMEM((SC_CHUNK * n,), jnp.float32),
            pltpu.VMEM((SC_CHUNK, n), jnp.float32),
        ],
        compiler_params=pltpu.CompilerParams(needs_layout_passes=False),
    )(dens, u)




def _tc_body(z_ref, org_ref, dir_ref, e3_ref, pts_ref):
    n = N_SAMPLES
    z = z_ref[...]
    o_b = jnp.dot(org_ref[...], e3_ref[...], preferred_element_type=jnp.float32)
    d_b = jnp.dot(dir_ref[...], e3_ref[...], preferred_element_type=jnp.float32)
    for k in range(3):
        pts_ref[k] = o_b[:, k * n:(k + 1) * n] + z * d_b[:, k * n:(k + 1) * n]


def _tc_points(z, origins, directions):
    n_rays = z.shape[0]
    n = N_SAMPLES
    r = BLOCK_R
    return pl.pallas_call(
        _tc_body,
        grid=(n_rays // r,),
        in_specs=[
            pl.BlockSpec((r, n), lambda i: (i, 0)),
            pl.BlockSpec((r, 3), lambda i: (i, 0)),
            pl.BlockSpec((r, 3), lambda i: (i, 0)),
            pl.BlockSpec((3, 3 * n), lambda i: (0, 0)),
        ],
        out_specs=pl.BlockSpec((3, r, n), lambda i: (0, i, 0)),
        out_shape=jax.ShapeDtypeStruct((3, n_rays, n), jnp.float32),
        compiler_params=pltpu.CompilerParams(
            dimension_semantics=("parallel",),
        ),
    )(z, origins, directions, _bcast_mat())


def kernel(origins, directions, density):
    n_rays = origins.shape[0]
    n = N_SAMPLES
    dens = jnp.squeeze(density, -1)
    u = _u_const(n_rays)
    z = _sc_depths(dens, u)
    pts = _tc_points(z, origins, directions)
    return pts.transpose(1, 2, 0), z.reshape(n_rays, n, 1)

# --- scband reference (transcript-rebuilt; emitter-appended) ---
"""Pipeline reference for scband-stratified-raysampler-58557584114079 (READ-ONLY COPY).

The authoritative reference and input builder live on the scoring server;
editing this copy changes nothing except your own understanding.
"""

import jax, jax.numpy as jnp
import numpy as np

N_PTS = 128
MIN_DEPTH = 0.1
MAX_DEPTH = 6.0
O_RAYS = 65536


def setup_inputs(seed: int = 0) -> dict:
    key = jax.random.key(seed)
    k1, k2, k3 = jax.random.split(key, 3)
    origins = jax.random.normal(k1, (O_RAYS, 3), dtype=jnp.float32)
    directions = jax.random.normal(k2, (O_RAYS, 3), dtype=jnp.float32)
    density = jax.random.uniform(k3, (O_RAYS, N_PTS, 1), dtype=jnp.float32)
    return {"origins": origins, "directions": directions, "density": density}


def reference(origins, directions, density):
    O = origins.shape[0]
    N = N_PTS
    z_vals_uniform = jnp.linspace(MIN_DEPTH, MAX_DEPTH, N, dtype=jnp.float32)
    z_vals_uniform = jnp.broadcast_to(z_vals_uniform[None, :, None], (O, N, 1))
    d = jnp.squeeze(density, -1) + 1e-05
    pdf = d / jnp.sum(d, axis=-1, keepdims=True)
    cdf = jnp.cumsum(pdf, axis=-1)
    cdf = jnp.concatenate([jnp.zeros_like(cdf[:, :1]), cdf], axis=-1)
    # torch.rand inside forward -> deterministic jax equivalent with fixed key
    u = jax.random.uniform(jax.random.key(42), (O, N), dtype=jnp.float32)
    indices = jax.vmap(lambda c, uu: jnp.searchsorted(c, uu, side='right'))(cdf, u)
    indices = jnp.clip(indices, 1, N) - 1
    z_vals = jnp.take_along_axis(z_vals_uniform, indices[..., None], axis=1)
    sample_points = origins[:, None, :] + z_vals * directions[:, None, :]
    sample_lengths = z_vals * jnp.ones_like(sample_points[..., :1])
    return sample_points, sample_lengths

if __name__ == "__main__":
    import jax
    _d = setup_inputs()
    print(jax.jit(kernel)(*tuple(_d.values())))

</pallas_src>

<mosaic_0001>
#map = affine_map<(d0, d1) -> (0, 0)>
module attributes {stable_mosaic.version = 14 : i64} {
  func.func @_sc_body(%arg0: i32, %arg1: i32, %arg2: memref<65536x128xf32, #tpu.memory_space<hbm>>, %arg3: memref<65536x128xf32, #tpu.memory_space<hbm>>, %arg4: memref<65536x128xf32, #tpu.memory_space<hbm>>, %arg5: memref<256x128xf32, #tpu.memory_space<vmem>>, %arg6: memref<256x128xf32, #tpu.memory_space<vmem>>, %arg7: memref<32768xf32, #tpu.memory_space<vmem>>, %arg8: memref<256x128xf32, #tpu.memory_space<vmem>>) attributes {dimension_semantics = [#tpu.dimension_semantics<core_parallel>, #tpu.dimension_semantics<subcore_parallel>], iteration_bounds = array<i64: 2, 16>, scalar_prefetch = 0 : i64, scratch_operands = 4 : i64, tpu.core_type = #tpu.core_type<sc_vector_subcore>, window_params = [{transform_indices = #map}, {transform_indices = #map}, {transform_indices = #map}]} {
    %mul3A = arith.constant 2 : i32
    %mul3A_0 = arith.muli %arg1, %mul3A : i32
    %add3A = arith.addi %mul3A_0, %arg0 : i32
    %mul3A_1 = arith.constant 2048 : i32
    %mul3A_2 = arith.muli %add3A, %mul3A_1 : i32
    %scan3A = arith.constant 0 : i32
    %scan3A_3 = arith.constant 0 : i32
    %scan3A_4 = arith.constant 8 : i32
    %scan3A_5 = arith.addi %scan3A_3, %scan3A_4 : i32
    %scan3A_6 = arith.constant 1 : i32
    scf.for %scan3A_8 = %scan3A_3 to %scan3A_5 step %scan3A_6  : i32 {
      %mul3A_9 = arith.constant 256 : i32
      %mul3A_10 = arith.muli %scan3A_8, %mul3A_9 : i32
      %add3A_11 = arith.addi %mul3A_2, %mul3A_10 : i32
      "tpu.region"() ({
        %run_scoped3A = tpu.sem_alloc : memref<!tpu.dma_semaphore, #tpu.memory_space<semaphore_mem>>
        %dma_start3A = arith.constant 0 : i32
        %dma_start3A_14 = tpu.memref_slice %arg2[%add3A_11, %dma_start3A] : memref<65536x128xf32, #tpu.memory_space<hbm>> -> memref<256x128xf32, #tpu.memory_space<hbm>>
        %dma_start3A_15 = arith.constant 0 : i32
        %dma_start3A_16 = tpu.memref_slice %arg2[%add3A_11, %dma_start3A_15] : memref<65536x128xf32, #tpu.memory_space<hbm>> -> memref<256x128xf32, #tpu.memory_space<hbm>>
        tpu.enqueue_dma source(%dma_start3A_16 : memref<256x128xf32, #tpu.memory_space<hbm>>) target(%arg5 : memref<256x128xf32, #tpu.memory_space<vmem>>) target_semaphore(%run_scoped3A : memref<!tpu.dma_semaphore, #tpu.memory_space<semaphore_mem>>)
        %dma_wait3A = arith.constant 0 : i32
        %dma_wait3A_17 = tpu.memref_slice %arg2[%add3A_11, %dma_wait3A] : memref<65536x128xf32, #tpu.memory_space<hbm>> -> memref<256x128xf32, #tpu.memory_space<hbm>>
        %dma_wait3A_18 = arith.constant 0 : i32
        %dma_wait3A_19 = tpu.memref_slice %arg2[%add3A_11, %dma_wait3A_18] : memref<65536x128xf32, #tpu.memory_space<hbm>> -> memref<256x128xf32, #tpu.memory_space<hbm>>
        tpu.wait_dma2 semaphore(%run_scoped3A : memref<!tpu.dma_semaphore, #tpu.memory_space<semaphore_mem>>) src(%dma_wait3A_19 : memref<256x128xf32, #tpu.memory_space<hbm>>) dst(%arg5 : memref<256x128xf32, #tpu.memory_space<vmem>>)
        tpu.yield
      }) : () -> ()
      "tpu.region"() ({
        %run_scoped3A = tpu.sem_alloc : memref<!tpu.dma_semaphore, #tpu.memory_space<semaphore_mem>>
        %dma_start3A = arith.constant 0 : i32
        %dma_start3A_14 = tpu.memref_slice %arg3[%add3A_11, %dma_start3A] : memref<65536x128xf32, #tpu.memory_space<hbm>> -> memref<256x128xf32, #tpu.memory_space<hbm>>
        %dma_start3A_15 = arith.constant 0 : i32
        %dma_start3A_16 = tpu.memref_slice %arg3[%add3A_11, %dma_start3A_15] : memref<65536x128xf32, #tpu.memory_space<hbm>> -> memref<256x128xf32, #tpu.memory_space<hbm>>
        tpu.enqueue_dma source(%dma_start3A_16 : memref<256x128xf32, #tpu.memory_space<hbm>>) target(%arg6 : memref<256x128xf32, #tpu.memory_space<vmem>>) target_semaphore(%run_scoped3A : memref<!tpu.dma_semaphore, #tpu.memory_space<semaphore_mem>>)
        %dma_wait3A = arith.constant 0 : i32
        %dma_wait3A_17 = tpu.memref_slice %arg3[%add3A_11, %dma_wait3A] : memref<65536x128xf32, #tpu.memory_space<hbm>> -> memref<256x128xf32, #tpu.memory_space<hbm>>
        %dma_wait3A_18 = arith.constant 0 : i32
        %dma_wait3A_19 = tpu.memref_slice %arg3[%add3A_11, %dma_wait3A_18] : memref<65536x128xf32, #tpu.memory_space<hbm>> -> memref<256x128xf32, #tpu.memory_space<hbm>>
        tpu.wait_dma2 semaphore(%run_scoped3A : memref<!tpu.dma_semaphore, #tpu.memory_space<semaphore_mem>>) src(%dma_wait3A_19 : memref<256x128xf32, #tpu.memory_space<hbm>>) dst(%arg6 : memref<256x128xf32, #tpu.memory_space<vmem>>)
        tpu.yield
      }) : () -> ()
      %parallel_loop3A = arith.constant 0 : i32
      %parallel_loop3A_12 = arith.constant 256 : i32
      %parallel_loop3A_13 = arith.constant 1 : i32
      scf.for %parallel_loop3A_14 = %parallel_loop3A to %parallel_loop3A_12 step %parallel_loop3A_13  : i32 {
        %parallel_loop3A_15 = arith.index_cast %parallel_loop3A_14 : i32 to index
        %parallel_loop3A_16 = arith.constant 0 : index
        %parallel_loop3A_17 = tpu.vector_load %arg5[%parallel_loop3A_15, %parallel_loop3A_16] {strides = array<i32>} : memref<256x128xf32, #tpu.memory_space<vmem>>, vector<16xf32>,
        %parallel_loop3A_18 = arith.constant 9.99999974E-6 : f32
        %parallel_loop3A_19 = vector.broadcast %parallel_loop3A_18 : f32 to vector<16xf32>
        %parallel_loop3A_20 = arith.addf %parallel_loop3A_17, %parallel_loop3A_19 : vector<16xf32>
        %parallel_loop3A_21 = arith.constant true
        %parallel_loop3A_22 = vector.broadcast %parallel_loop3A_21 : i1 to vector<16xi1>
        %parallel_loop3A_23 = tpu.scan <sum>, %parallel_loop3A_20 masked %parallel_loop3A_22 : vector<16xf32>, vector<16xi1> -> vector<16xf32>
        %parallel_loop3A_24 = arith.constant 0.000000e+00 : f32
        %parallel_loop3A_25 = vector.broadcast %parallel_loop3A_24 : f32 to vector<16xf32>
        %parallel_loop3A_26 = arith.addf %parallel_loop3A_23, %parallel_loop3A_25 : vector<16xf32>
        %parallel_loop3A_27 = arith.constant 128 : i32
        %parallel_loop3A_28 = arith.muli %parallel_loop3A_14, %parallel_loop3A_27 : i32
        %parallel_loop3A_29 = arith.constant 0 : i32
        %parallel_loop3A_30 = arith.addi %parallel_loop3A_28, %parallel_loop3A_29 : i32
        %parallel_loop3A_31 = arith.index_cast %parallel_loop3A_30 : i32 to index
        %parallel_loop3A_32 = tpu.vector_load %arg7[%parallel_loop3A_31] {strides = array<i32>} : memref<32768xf32, #tpu.memory_space<vmem>>, vector<16xf32>,
        tpu.vector_store %arg7[%parallel_loop3A_31], %parallel_loop3A_26 {strides = array<i32>} : memref<32768xf32, #tpu.memory_space<vmem>>, vector<16xf32>,
        %parallel_loop3A_33 = vector.extract_strided_slice %parallel_loop3A_26 {offsets = [15], sizes = [1], strides = [1]} : vector<16xf32> to vector<1xf32>
        %parallel_loop3A_34 = vector.extract %parallel_loop3A_33[0] : f32 from vector<1xf32>
        %parallel_loop3A_35 = arith.index_cast %parallel_loop3A_14 : i32 to index
        %parallel_loop3A_36 = arith.constant 16 : index
        %parallel_loop3A_37 = tpu.vector_load %arg5[%parallel_loop3A_35, %parallel_loop3A_36] {strides = array<i32>} : memref<256x128xf32, #tpu.memory_space<vmem>>, vector<16xf32>,
        %parallel_loop3A_38 = arith.constant 9.99999974E-6 : f32
        %parallel_loop3A_39 = vector.broadcast %parallel_loop3A_38 : f32 to vector<16xf32>
        %parallel_loop3A_40 = arith.addf %parallel_loop3A_37, %parallel_loop3A_39 : vector<16xf32>
        %parallel_loop3A_41 = arith.constant true
        %parallel_loop3A_42 = vector.broadcast %parallel_loop3A_41 : i1 to vector<16xi1>
        %parallel_loop3A_43 = tpu.scan <sum>, %parallel_loop3A_40 masked %parallel_loop3A_42 : vector<16xf32>, vector<16xi1> -> vector<16xf32>
        %parallel_loop3A_44 = vector.broadcast %parallel_loop3A_34 : f32 to vector<16xf32>
        %parallel_loop3A_45 = arith.addf %parallel_loop3A_43, %parallel_loop3A_44 : vector<16xf32>
        %parallel_loop3A_46 = arith.constant 128 : i32
        %parallel_loop3A_47 = arith.muli %parallel_loop3A_14, %parallel_loop3A_46 : i32
        %parallel_loop3A_48 = arith.constant 16 : i32
        %parallel_loop3A_49 = arith.addi %parallel_loop3A_47, %parallel_loop3A_48 : i32
        %parallel_loop3A_50 = arith.index_cast %parallel_loop3A_49 : i32 to index
        %parallel_loop3A_51 = tpu.vector_load %arg7[%parallel_loop3A_50] {strides = array<i32>} : memref<32768xf32, #tpu.memory_space<vmem>>, vector<16xf32>,
        tpu.vector_store %arg7[%parallel_loop3A_50], %parallel_loop3A_45 {strides = array<i32>} : memref<32768xf32, #tpu.memory_space<vmem>>, vector<16xf32>,
        %parallel_loop3A_52 = vector.extract_strided_slice %parallel_loop3A_45 {offsets = [15], sizes = [1], strides = [1]} : vector<16xf32> to vector<1xf32>
        %parallel_loop3A_53 = vector.extract %parallel_loop3A_52[0] : f32 from vector<1xf32>
        %parallel_loop3A_54 = arith.index_cast %parallel_loop3A_14 : i32 to index
        %parallel_loop3A_55 = arith.constant 32 : index
        %parallel_loop3A_56 = tpu.vector_load %arg5[%parallel_loop3A_54, %parallel_loop3A_55] {strides = array<i32>} : memref<256x128xf32, #tpu.memory_space<vmem>>, vector<16xf32>,
        %parallel_loop3A_57 = arith.constant 9.99999974E-6 : f32
        %parallel_loop3A_58 = vector.broadcast %parallel_loop3A_57 : f32 to vector<16xf32>
        %parallel_loop3A_59 = arith.addf %parallel_loop3A_56, %parallel_loop3A_58 : vector<16xf32>
        %parallel_loop3A_60 = arith.constant true
        %parallel_loop3A_61 = vector.broadcast %parallel_loop3A_60 : i1 to vector<16xi1>
        %parallel_loop3A_62 = tpu.scan <sum>, %parallel_loop3A_59 masked %parallel_loop3A_61 : vector<16xf32>, vector<16xi1> -> vector<16xf32>
        %parallel_loop3A_63 = vector.broadcast %parallel_loop3A_53 : f32 to vector<16xf32>
        %parallel_loop3A_64 = arith.addf %parallel_loop3A_62, %parallel_loop3A_63 : vector<16xf32>
        %parallel_loop3A_65 = arith.constant 128 : i32
        %parallel_loop3A_66 = arith.muli %parallel_loop3A_14, %parallel_loop3A_65 : i32
        %parallel_loop3A_67 = arith.constant 32 : i32
        %parallel_loop3A_68 = arith.addi %parallel_loop3A_66, %parallel_loop3A_67 : i32
        %parallel_loop3A_69 = arith.index_cast %parallel_loop3A_68 : i32 to index
        %parallel_loop3A_70 = tpu.vector_load %arg7[%parallel_loop3A_69] {strides = array<i32>} : memref<32768xf32, #tpu.memory_space<vmem>>, vector<16xf32>,
        tpu.vector_store %arg7[%parallel_loop3A_69], %parallel_loop3A_64 {strides = array<i32>} : memref<32768xf32, #tpu.memory_space<vmem>>, vector<16xf32>,
        %parallel_loop3A_71 = vector.extract_strided_slice %parallel_loop3A_64 {offsets = [15], sizes = [1], strides = [1]} : vector<16xf32> to vector<1xf32>
        %parallel_loop3A_72 = vector.extract %parallel_loop3A_71[0] : f32 from vector<1xf32>
        %parallel_loop3A_73 = arith.index_cast %parallel_loop3A_14 : i32 to index
        %parallel_loop3A_74 = arith.constant 48 : index
        %parallel_loop3A_75 = tpu.vector_load %arg5[%parallel_loop3A_73, %parallel_loop3A_74] {strides = array<i32>} : memref<256x128xf32, #tpu.memory_space<vmem>>, vector<16xf32>,
        %parallel_loop3A_76 = arith.constant 9.99999974E-6 : f32
        %parallel_loop3A_77 = vector.broadcast %parallel_loop3A_76 : f32 to vector<16xf32>
        %parallel_loop3A_78 = arith.addf %parallel_loop3A_75, %parallel_loop3A_77 : vector<16xf32>
        %parallel_loop3A_79 = arith.constant true
        %parallel_loop3A_80 = vector.broadcast %parallel_loop3A_79 : i1 to vector<16xi1>
        %parallel_loop3A_81 = tpu.scan <sum>, %parallel_loop3A_78 masked %parallel_loop3A_80 : vector<16xf32>, vector<16xi1> -> vector<16xf32>
        %parallel_loop3A_82 = vector.broadcast %parallel_loop3A_72 : f32 to vector<16xf32>
        %parallel_loop3A_83 = arith.addf %parallel_loop3A_81, %parallel_loop3A_82 : vector<16xf32>
        %parallel_loop3A_84 = arith.constant 128 : i32
        %parallel_loop3A_85 = arith.muli %parallel_loop3A_14, %parallel_loop3A_84 : i32
        %parallel_loop3A_86 = arith.constant 48 : i32
        %parallel_loop3A_87 = arith.addi %parallel_loop3A_85, %parallel_loop3A_86 : i32
        %parallel_loop3A_88 = arith.index_cast %parallel_loop3A_87 : i32 to index
        %parallel_loop3A_89 = tpu.vector_load %arg7[%parallel_loop3A_88] {strides = array<i32>} : memref<32768xf32, #tpu.memory_space<vmem>>, vector<16xf32>,
        tpu.vector_store %arg7[%parallel_loop3A_88], %parallel_loop3A_83 {strides = array<i32>} : memref<32768xf32, #tpu.memory_space<vmem>>, vector<16xf32>,
        %parallel_loop3A_90 = vector.extract_strided_slice %parallel_loop3A_83 {offsets = [15], sizes = [1], strides = [1]} : vector<16xf32> to vector<1xf32>
        %parallel_loop3A_91 = vector.extract %parallel_loop3A_90[0] : f32 from vector<1xf32>
        %parallel_loop3A_92 = arith.index_cast %parallel_loop3A_14 : i32 to index
        %parallel_loop3A_93 = arith.constant 64 : index
        %parallel_loop3A_94 = tpu.vector_load %arg5[%parallel_loop3A_92, %parallel_loop3A_93] {strides = array<i32>} : memref<256x128xf32, #tpu.memory_space<vmem>>, vector<16xf32>,
        %parallel_loop3A_95 = arith.constant 9.99999974E-6 : f32
        %parallel_loop3A_96 = vector.broadcast %parallel_loop3A_95 : f32 to vector<16xf32>
        %parallel_loop3A_97 = arith.addf %parallel_loop3A_94, %parallel_loop3A_96 : vector<16xf32>
        %parallel_loop3A_98 = arith.constant true
        %parallel_loop3A_99 = vector.broadcast %parallel_loop3A_98 : i1 to vector<16xi1>
        %parallel_loop3A_100 = tpu.scan <sum>, %parallel_loop3A_97 masked %parallel_loop3A_99 : vector<16xf32>, vector<16xi1> -> vector<16xf32>
        %parallel_loop3A_101 = vector.broadcast %parallel_loop3A_91 : f32 to vector<16xf32>
        %parallel_loop3A_102 = arith.addf %parallel_loop3A_100, %parallel_loop3A_101 : vector<16xf32>
        %parallel_loop3A_103 = arith.constant 128 : i32
        %parallel_loop3A_104 = arith.muli %parallel_loop3A_14, %parallel_loop3A_103 : i32
        %parallel_loop3A_105 = arith.constant 64 : i32
        %parallel_loop3A_106 = arith.addi %parallel_loop3A_104, %parallel_loop3A_105 : i32
        %parallel_loop3A_107 = arith.index_cast %parallel_loop3A_106 : i32 to index
        %parallel_loop3A_108 = tpu.vector_load %arg7[%parallel_loop3A_107] {strides = array<i32>} : memref<32768xf32, #tpu.memory_space<vmem>>, vector<16xf32>,
        tpu.vector_store %arg7[%parallel_loop3A_107], %parallel_loop3A_102 {strides = array<i32>} : memref<32768xf32, #tpu.memory_space<vmem>>, vector<16xf32>,
        %parallel_loop3A_109 = vector.extract_strided_slice %parallel_loop3A_102 {offsets = [15], sizes = [1], strides = [1]} : vector<16xf32> to vector<1xf32>
        %parallel_loop3A_110 = vector.extract %parallel_loop3A_109[0] : f32 from vector<1xf32>
        %parallel_loop3A_111 = arith.index_cast %parallel_loop3A_14 : i32 to index
        %parallel_loop3A_112 = arith.constant 80 : index
        %parallel_loop3A_113 = tpu.vector_load %arg5[%parallel_loop3A_111, %parallel_loop3A_112] {strides = array<i32>} : memref<256x128xf32, #tpu.memory_space<vmem>>, vector<16xf32>,
        %parallel_loop3A_114 = arith.constant 9.99999974E-6 : f32
        %parallel_loop3A_115 = vector.broadcast %parallel_loop3A_114 : f32 to vector<16xf32>
        %parallel_loop3A_116 = arith.addf %parallel_loop3A_113, %parallel_loop3A_115 : vector<16xf32>
        %parallel_loop3A_117 = arith.constant true
        %parallel_loop3A_118 = vector.broadcast %parallel_loop3A_117 : i1 to vector<16xi1>
        %parallel_loop3A_119 = tpu.scan <sum>, %parallel_loop3A_116 masked %parallel_loop3A_118 : vector<16xf32>, vector<16xi1> -> vector<16xf32>
        %parallel_loop3A_120 = vector.broadcast %parallel_loop3A_110 : f32 to vector<16xf32>
        %parallel_loop3A_121 = arith.addf %parallel_loop3A_119, %parallel_loop3A_120 : vector<16xf32>
        %parallel_loop3A_122 = arith.constant 128 : i32
        %parallel_loop3A_123 = arith.muli %parallel_loop3A_14, %parallel_loop3A_122 : i32
        %parallel_loop3A_124 = arith.constant 80 : i32
        %parallel_loop3A_125 = arith.addi %parallel_loop3A_123, %parallel_loop3A_124 : i32
        %parallel_loop3A_126 = arith.index_cast %parallel_loop3A_125 : i32 to index
        %parallel_loop3A_127 = tpu.vector_load %arg7[%parallel_loop3A_126] {strides = array<i32>} : memref<32768xf32, #tpu.memory_space<vmem>>, vector<16xf32>,
        tpu.vector_store %arg7[%parallel_loop3A_126], %parallel_loop3A_121 {strides = array<i32>} : memref<32768xf32, #tpu.memory_space<vmem>>, vector<16xf32>,
        %parallel_loop3A_128 = vector.extract_strided_slice %parallel_loop3A_121 {offsets = [15], sizes = [1], strides = [1]} : vector<16xf32> to vector<1xf32>
        %parallel_loop3A_129 = vector.extract %parallel_loop3A_128[0] : f32 from vector<1xf32>
        %parallel_loop3A_130 = arith.index_cast %parallel_loop3A_14 : i32 to index
        %parallel_loop3A_131 = arith.constant 96 : index
        %parallel_loop3A_132 = tpu.vector_load %arg5[%parallel_loop3A_130, %parallel_loop3A_131] {strides = array<i32>} : memref<256x128xf32, #tpu.memory_space<vmem>>, vector<16xf32>,
        %parallel_loop3A_133 = arith.constant 9.99999974E-6 : f32
        %parallel_loop3A_134 = vector.broadcast %parallel_loop3A_133 : f32 to vector<16xf32>
        %parallel_loop3A_135 = arith.addf %parallel_loop3A_132, %parallel_loop3A_134 : vector<16xf32>
        %parallel_loop3A_136 = arith.constant true
        %parallel_loop3A_137 = vector.broadcast %parallel_loop3A_136 : i1 to vector<16xi1>
        %parallel_loop3A_138 = tpu.scan <sum>, %parallel_loop3A_135 masked %parallel_loop3A_137 : vector<16xf32>, vector<16xi1> -> vector<16xf32>
        %parallel_loop3A_139 = vector.broadcast %parallel_loop3A_129 : f32 to vector<16xf32>
        %parallel_loop3A_140 = arith.addf %parallel_loop3A_138, %parallel_loop3A_139 : vector<16xf32>
        %parallel_loop3A_141 = arith.constant 128 : i32
        %parallel_loop3A_142 = arith.muli %parallel_loop3A_14, %parallel_loop3A_141 : i32
        %parallel_loop3A_143 = arith.constant 96 : i32
        %parallel_loop3A_144 = arith.addi %parallel_loop3A_142, %parallel_loop3A_143 : i32
        %parallel_loop3A_145 = arith.index_cast %parallel_loop3A_144 : i32 to index
        %parallel_loop3A_146 = tpu.vector_load %arg7[%parallel_loop3A_145] {strides = array<i32>} : memref<32768xf32, #tpu.memory_space<vmem>>, vector<16xf32>,
        tpu.vector_store %arg7[%parallel_loop3A_145], %parallel_loop3A_140 {strides = array<i32>} : memref<32768xf32, #tpu.memory_space<vmem>>, vector<16xf32>,
        %parallel_loop3A_147 = vector.extract_strided_slice %parallel_loop3A_140 {offsets = [15], sizes = [1], strides = [1]} : vector<16xf32> to vector<1xf32>
        %parallel_loop3A_148 = vector.extract %parallel_loop3A_147[0] : f32 from vector<1xf32>
        %parallel_loop3A_149 = arith.index_cast %parallel_loop3A_14 : i32 to index
        %parallel_loop3A_150 = arith.constant 112 : index
        %parallel_loop3A_151 = tpu.vector_load %arg5[%parallel_loop3A_149, %parallel_loop3A_150] {strides = array<i32>} : memref<256x128xf32, #tpu.memory_space<vmem>>, vector<16xf32>,
        %parallel_loop3A_152 = arith.constant 9.99999974E-6 : f32
        %parallel_loop3A_153 = vector.broadcast %parallel_loop3A_152 : f32 to vector<16xf32>
        %parallel_loop3A_154 = arith.addf %parallel_loop3A_151, %parallel_loop3A_153 : vector<16xf32>
        %parallel_loop3A_155 = arith.constant true
        %parallel_loop3A_156 = vector.broadcast %parallel_loop3A_155 : i1 to vector<16xi1>
        %parallel_loop3A_157 = tpu.scan <sum>, %parallel_loop3A_154 masked %parallel_loop3A_156 : vector<16xf32>, vector<16xi1> -> vector<16xf32>
        %parallel_loop3A_158 = vector.broadcast %parallel_loop3A_148 : f32 to vector<16xf32>
        %parallel_loop3A_159 = arith.addf %parallel_loop3A_157, %parallel_loop3A_158 : vector<16xf32>
        %parallel_loop3A_160 = arith.constant 128 : i32
        %parallel_loop3A_161 = arith.muli %parallel_loop3A_14, %parallel_loop3A_160 : i32
        %parallel_loop3A_162 = arith.constant 112 : i32
        %parallel_loop3A_163 = arith.addi %parallel_loop3A_161, %parallel_loop3A_162 : i32
        %parallel_loop3A_164 = arith.index_cast %parallel_loop3A_163 : i32 to index
        %parallel_loop3A_165 = tpu.vector_load %arg7[%parallel_loop3A_164] {strides = array<i32>} : memref<32768xf32, #tpu.memory_space<vmem>>, vector<16xf32>,
        tpu.vector_store %arg7[%parallel_loop3A_164], %parallel_loop3A_159 {strides = array<i32>} : memref<32768xf32, #tpu.memory_space<vmem>>, vector<16xf32>,
        %parallel_loop3A_166 = vector.extract_strided_slice %parallel_loop3A_159 {offsets = [15], sizes = [1], strides = [1]} : vector<16xf32> to vector<1xf32>
        %parallel_loop3A_167 = vector.extract %parallel_loop3A_166[0] : f32 from vector<1xf32>
        %parallel_loop3A_168 = arith.constant 128 : i32
        %parallel_loop3A_169 = arith.muli %parallel_loop3A_14, %parallel_loop3A_168 : i32
        %parallel_loop3A_170 = arith.constant 1 : i32
        %parallel_loop3A_171 = arith.subi %parallel_loop3A_169, %parallel_loop3A_170 : i32
        %parallel_loop3A_172 = vector.broadcast %parallel_loop3A_171 : i32 to vector<16xi32>
        %parallel_loop3A_173 = arith.index_cast %parallel_loop3A_14 : i32 to index
        %parallel_loop3A_174 = arith.constant 0 : index
        %parallel_loop3A_175 = tpu.vector_load %arg6[%parallel_loop3A_173, %parallel_loop3A_174] {strides = array<i32>} : memref<256x128xf32, #tpu.memory_space<vmem>>, vector<16xf32>,
        %parallel_loop3A_176 = vector.broadcast %parallel_loop3A_167 : f32 to vector<16xf32>
        %parallel_loop3A_177 = arith.mulf %parallel_loop3A_175, %parallel_loop3A_176 : vector<16xf32>
        %parallel_loop3A_178 = arith.constant 64 : i32
        %parallel_loop3A_179 = vector.broadcast %parallel_loop3A_178 : i32 to vector<16xi32>
        %parallel_loop3A_180 = arith.addi %parallel_loop3A_172, %parallel_loop3A_179 : vector<16xi32>
        %parallel_loop3A_181 = tpu.vector_load_idx %arg7[%parallel_loop3A_180] : memref<32768xf32, #tpu.memory_space<vmem>>[vector<16xi32>], vector<16xf32>,
        %parallel_loop3A_182 = arith.cmpf ole, %parallel_loop3A_181, %parallel_loop3A_177 : vector<16xf32>
        %parallel_loop3A_183 = arith.constant 64 : i32
        %parallel_loop3A_184 = arith.constant 0 : i32
        %parallel_loop3A_185 = vector.broadcast %parallel_loop3A_183 : i32 to vector<16xi32>
        %parallel_loop3A_186 = vector.broadcast %parallel_loop3A_184 : i32 to vector<16xi32>
        %parallel_loop3A_187 = arith.select %parallel_loop3A_182, %parallel_loop3A_185, %parallel_loop3A_186 : vector<16xi1>, vector<16xi32>
        %parallel_loop3A_188 = arith.addi %parallel_loop3A_172, %parallel_loop3A_187 : vector<16xi32>
        %parallel_loop3A_189 = arith.constant 32 : i32
        %parallel_loop3A_190 = vector.broadcast %parallel_loop3A_189 : i32 to vector<16xi32>
        %parallel_loop3A_191 = arith.addi %parallel_loop3A_188, %parallel_loop3A_190 : vector<16xi32>
        %parallel_loop3A_192 = tpu.vector_load_idx %arg7[%parallel_loop3A_191] : memref<32768xf32, #tpu.memory_space<vmem>>[vector<16xi32>], vector<16xf32>,
        %parallel_loop3A_193 = arith.cmpf ole, %parallel_loop3A_192, %parallel_loop3A_177 : vector<16xf32>
        %parallel_loop3A_194 = arith.constant 32 : i32
        %parallel_loop3A_195 = arith.constant 0 : i32
        %parallel_loop3A_196 = vector.broadcast %parallel_loop3A_194 : i32 to vector<16xi32>
        %parallel_loop3A_197 = vector.broadcast %parallel_loop3A_195 : i32 to vector<16xi32>
        %parallel_loop3A_198 = arith.select %parallel_loop3A_193, %parallel_loop3A_196, %parallel_loop3A_197 : vector<16xi1>, vector<16xi32>
        %parallel_loop3A_199 = arith.addi %parallel_loop3A_188, %parallel_loop3A_198 : vector<16xi32>
        %parallel_loop3A_200 = arith.constant 16 : i32
        %parallel_loop3A_201 = vector.broadcast %parallel_loop3A_200 : i32 to vector<16xi32>
        %parallel_loop3A_202 = arith.addi %parallel_loop3A_199, %parallel_loop3A_201 : vector<16xi32>
        %parallel_loop3A_203 = tpu.vector_load_idx %arg7[%parallel_loop3A_202] : memref<32768xf32, #tpu.memory_space<vmem>>[vector<16xi32>], vector<16xf32>,
        %parallel_loop3A_204 = arith.cmpf ole, %parallel_loop3A_203, %parallel_loop3A_177 : vector<16xf32>
        %parallel_loop3A_205 = arith.constant 16 : i32
        %parallel_loop3A_206 = arith.constant 0 : i32
        %parallel_loop3A_207 = vector.broadcast %parallel_loop3A_205 : i32 to vector<16xi32>
        %parallel_loop3A_208 = vector.broadcast %parallel_loop3A_206 : i32 to vector<16xi32>
        %parallel_loop3A_209 = arith.select %parallel_loop3A_204, %parallel_loop3A_207, %parallel_loop3A_208 : vector<16xi1>, vector<16xi32>
        %parallel_loop3A_210 = arith.addi %parallel_loop3A_199, %parallel_loop3A_209 : vector<16xi32>
        %parallel_loop3A_211 = arith.constant 8 : i32
        %parallel_loop3A_212 = vector.broadcast %parallel_loop3A_211 : i32 to vector<16xi32>
        %parallel_loop3A_213 = arith.addi %parallel_loop3A_210, %parallel_loop3A_212 : vector<16xi32>
        %parallel_loop3A_214 = tpu.vector_load_idx %arg7[%parallel_loop3A_213] : memref<32768xf32, #tpu.memory_space<vmem>>[vector<16xi32>], vector<16xf32>,
        %parallel_loop3A_215 = arith.cmpf ole, %parallel_loop3A_214, %parallel_loop3A_177 : vector<16xf32>
        %parallel_loop3A_216 = arith.constant 8 : i32
        %parallel_loop3A_217 = arith.constant 0 : i32
        %parallel_loop3A_218 = vector.broadcast %parallel_loop3A_216 : i32 to vector<16xi32>
        %parallel_loop3A_219 = vector.broadcast %parallel_loop3A_217 : i32 to vector<16xi32>
        %parallel_loop3A_220 = arith.select %parallel_loop3A_215, %parallel_loop3A_218, %parallel_loop3A_219 : vector<16xi1>, vector<16xi32>
        %parallel_loop3A_221 = arith.addi %parallel_loop3A_210, %parallel_loop3A_220 : vector<16xi32>
        %parallel_loop3A_222 = arith.constant 4 : i32
        %parallel_loop3A_223 = vector.broadcast %parallel_loop3A_222 : i32 to vector<16xi32>
        %parallel_loop3A_224 = arith.addi %parallel_loop3A_221, %parallel_loop3A_223 : vector<16xi32>
        %parallel_loop3A_225 = tpu.vector_load_idx %arg7[%parallel_loop3A_224] : memref<32768xf32, #tpu.memory_space<vmem>>[vector<16xi32>], vector<16xf32>,
        %parallel_loop3A_226 = arith.cmpf ole, %parallel_loop3A_225, %parallel_loop3A_177 : vector<16xf32>
        %parallel_loop3A_227 = arith.constant 4 : i32
        %parallel_loop3A_228 = arith.constant 0 : i32
        %parallel_loop3A_229 = vector.broadcast %parallel_loop3A_227 : i32 to vector<16xi32>
        %parallel_loop3A_230 = vector.broadcast %parallel_loop3A_228 : i32 to vector<16xi32>
        %parallel_loop3A_231 = arith.select %parallel_loop3A_226, %parallel_loop3A_229, %parallel_loop3A_230 : vector<16xi1>, vector<16xi32>
        %parallel_loop3A_232 = arith.addi %parallel_loop3A_221, %parallel_loop3A_231 : vector<16xi32>
        %parallel_loop3A_233 = arith.constant 2 : i32
        %parallel_loop3A_234 = vector.broadcast %parallel_loop3A_233 : i32 to vector<16xi32>
        %parallel_loop3A_235 = arith.addi %parallel_loop3A_232, %parallel_loop3A_234 : vector<16xi32>
        %parallel_loop3A_236 = tpu.vector_load_idx %arg7[%parallel_loop3A_235] : memref<32768xf32, #tpu.memory_space<vmem>>[vector<16xi32>], vector<16xf32>,
        %parallel_loop3A_237 = arith.cmpf ole, %parallel_loop3A_236, %parallel_loop3A_177 : vector<16xf32>
        %parallel_loop3A_238 = arith.constant 2 : i32
        %parallel_loop3A_239 = arith.constant 0 : i32
        %parallel_loop3A_240 = vector.broadcast %parallel_loop3A_238 : i32 to vector<16xi32>
        %parallel_loop3A_241 = vector.broadcast %parallel_loop3A_239 : i32 to vector<16xi32>
        %parallel_loop3A_242 = arith.select %parallel_loop3A_237, %parallel_loop3A_240, %parallel_loop3A_241 : vector<16xi1>, vector<16xi32>
        %parallel_loop3A_243 = arith.addi %parallel_loop3A_232, %parallel_loop3A_242 : vector<16xi32>
        %parallel_loop3A_244 = arith.constant 1 : i32
        %parallel_loop3A_245 = vector.broadcast %parallel_loop3A_244 : i32 to vector<16xi32>
        %parallel_loop3A_246 = arith.addi %parallel_loop3A_243, %parallel_loop3A_245 : vector<16xi32>
        %parallel_loop3A_247 = tpu.vector_load_idx %arg7[%parallel_loop3A_246] : memref<32768xf32, #tpu.memory_space<vmem>>[vector<16xi32>], vector<16xf32>,
        %parallel_loop3A_248 = arith.cmpf ole, %parallel_loop3A_247, %parallel_loop3A_177 : vector<16xf32>
        %parallel_loop3A_249 = arith.constant 1 : i32
        %parallel_loop3A_250 = arith.constant 0 : i32
        %parallel_loop3A_251 = vector.broadcast %parallel_loop3A_249 : i32 to vector<16xi32>
        %parallel_loop3A_252 = vector.broadcast %parallel_loop3A_250 : i32 to vector<16xi32>
        %parallel_loop3A_253 = arith.select %parallel_loop3A_248, %parallel_loop3A_251, %parallel_loop3A_252 : vector<16xi1>, vector<16xi32>
        %parallel_loop3A_254 = arith.addi %parallel_loop3A_243, %parallel_loop3A_253 : vector<16xi32>
        %parallel_loop3A_255 = arith.subi %parallel_loop3A_254, %parallel_loop3A_172 : vector<16xi32>
        %parallel_loop3A_256 = arith.constant 127 : i32
        %parallel_loop3A_257 = vector.broadcast %parallel_loop3A_256 : i32 to vector<16xi32>
        %parallel_loop3A_258 = arith.minsi %parallel_loop3A_255, %parallel_loop3A_257 : vector<16xi32>
        %parallel_loop3A_259 = arith.sitofp %parallel_loop3A_258 : vector<16xi32> to vector<16xf32>
        %parallel_loop3A_260 = arith.constant 0.0464566946 : f32
        %parallel_loop3A_261 = vector.broadcast %parallel_loop3A_260 : f32 to vector<16xf32>
        %parallel_loop3A_262 = arith.mulf %parallel_loop3A_259, %parallel_loop3A_261 : vector<16xf32>
        %parallel_loop3A_263 = arith.constant 1.000000e-01 : f32
        %parallel_loop3A_264 = vector.broadcast %parallel_loop3A_263 : f32 to vector<16xf32>
        %parallel_loop3A_265 = arith.addf %parallel_loop3A_262, %parallel_loop3A_264 : vector<16xf32>
        %parallel_loop3A_266 = arith.index_cast %parallel_loop3A_14 : i32 to index
        %parallel_loop3A_267 = arith.constant 0 : index
        %parallel_loop3A_268 = tpu.vector_load %arg8[%parallel_loop3A_266, %parallel_loop3A_267] {strides = array<i32>} : memref<256x128xf32, #tpu.memory_space<vmem>>, vector<16xf32>,
        tpu.vector_store %arg8[%parallel_loop3A_266, %parallel_loop3A_267], %parallel_loop3A_265 {strides = array<i32>} : memref<256x128xf32, #tpu.memory_space<vmem>>, vector<16xf32>,
        %parallel_loop3A_269 = arith.index_cast %parallel_loop3A_14 : i32 to index
        %parallel_loop3A_270 = arith.constant 16 : index
        %parallel_loop3A_271 = tpu.vector_load %arg6[%parallel_loop3A_269, %parallel_loop3A_270] {strides = array<i32>} : memref<256x128xf32, #tpu.memory_space<vmem>>, vector<16xf32>,
        %parallel_loop3A_272 = vector.broadcast %parallel_loop3A_167 : f32 to vector<16xf32>
        %parallel_loop3A_273 = arith.mulf %parallel_loop3A_271, %parallel_loop3A_272 : vector<16xf32>
        %parallel_loop3A_274 = arith.constant 64 : i32
        %parallel_loop3A_275 = vector.broadcast %parallel_loop3A_274 : i32 to vector<16xi32>
        %parallel_loop3A_276 = arith.addi %parallel_loop3A_172, %parallel_loop3A_275 : vector<16xi32>
        %parallel_loop3A_277 = tpu.vector_load_idx %arg7[%parallel_loop3A_276] : memref<32768xf32, #tpu.memory_space<vmem>>[vector<16xi32>], vector<16xf32>,
        %parallel_loop3A_278 = arith.cmpf ole, %parallel_loop3A_277, %parallel_loop3A_273 : vector<16xf32>
        %parallel_loop3A_279 = arith.constant 64 : i32
        %parallel_loop3A_280 = arith.constant 0 : i32
        %parallel_loop3A_281 = vector.broadcast %parallel_loop3A_279 : i32 to vector<16xi32>
        %parallel_loop3A_282 = vector.broadcast %parallel_loop3A_280 : i32 to vector<16xi32>
        %parallel_loop3A_283 = arith.select %parallel_loop3A_278, %parallel_loop3A_281, %parallel_loop3A_282 : vector<16xi1>, vector<16xi32>
        %parallel_loop3A_284 = arith.addi %parallel_loop3A_172, %parallel_loop3A_283 : vector<16xi32>
        %parallel_loop3A_285 = arith.constant 32 : i32
        %parallel_loop3A_286 = vector.broadcast %parallel_loop3A_285 : i32 to vector<16xi32>
        %parallel_loop3A_287 = arith.addi %parallel_loop3A_284, %parallel_loop3A_286 : vector<16xi32>
        %parallel_loop3A_288 = tpu.vector_load_idx %arg7[%parallel_loop3A_287] : memref<32768xf32, #tpu.memory_space<vmem>>[vector<16xi32>], vector<16xf32>,
        %parallel_loop3A_289 = arith.cmpf ole, %parallel_loop3A_288, %parallel_loop3A_273 : vector<16xf32>
        %parallel_loop3A_290 = arith.constant 32 : i32
        %parallel_loop3A_291 = arith.constant 0 : i32
        %parallel_loop3A_292 = vector.broadcast %parallel_loop3A_290 : i32 to vector<16xi32>
        %parallel_loop3A_293 = vector.broadcast %parallel_loop3A_291 : i32 to vector<16xi32>
        %parallel_loop3A_294 = arith.select %parallel_loop3A_289, %parallel_loop3A_292, %parallel_loop3A_293 : vector<16xi1>, vector<16xi32>
        %parallel_loop3A_295 = arith.addi %parallel_loop3A_284, %parallel_loop3A_294 : vector<16xi32>
        %parallel_loop3A_296 = arith.constant 16 : i32
        %parallel_loop3A_297 = vector.broadcast %parallel_loop3A_296 : i32 to vector<16xi32>
        %parallel_loop3A_298 = arith.addi %parallel_loop3A_295, %parallel_loop3A_297 : vector<16xi32>
        %parallel_loop3A_299 = tpu.vector_load_idx %arg7[%parallel_loop3A_298] : memref<32768xf32, #tpu.memory_space<vmem>>[vector<16xi32>], vector<16xf32>,
        %parallel_loop3A_300 = arith.cmpf ole, %parallel_loop3A_299, %parallel_loop3A_273 : vector<16xf32>
        %parallel_loop3A_301 = arith.constant 16 : i32
        %parallel_loop3A_302 = arith.constant 0 : i32
        %parallel_loop3A_303 = vector.broadcast %parallel_loop3A_301 : i32 to vector<16xi32>
        %parallel_loop3A_304 = vector.broadcast %parallel_loop3A_302 : i32 to vector<16xi32>
        %parallel_loop3A_305 = arith.select %parallel_loop3A_300, %parallel_loop3A_303, %parallel_loop3A_304 : vector<16xi1>, vector<16xi32>
        %parallel_loop3A_306 = arith.addi %parallel_loop3A_295, %parallel_loop3A_305 : vector<16xi32>
        %parallel_loop3A_307 = arith.constant 8 : i32
        %parallel_loop3A_308 = vector.broadcast %parallel_loop3A_307 : i32 to vector<16xi32>
        %parallel_loop3A_309 = arith.addi %parallel_loop3A_306, %parallel_loop3A_308 : vector<16xi32>
        %parallel_loop3A_310 = tpu.vector_load_idx %arg7[%parallel_loop3A_309] : memref<32768xf32, #tpu.memory_space<vmem>>[vector<16xi32>], vector<16xf32>,
        %parallel_loop3A_311 = arith.cmpf ole, %parallel_loop3A_310, %parallel_loop3A_273 : vector<16xf32>
        %parallel_loop3A_312 = arith.constant 8 : i32
        %parallel_loop3A_313 = arith.constant 0 : i32
        %parallel_loop3A_314 = vector.broadcast %parallel_loop3A_312 : i32 to vector<16xi32>
        %parallel_loop3A_315 = vector.broadcast %parallel_loop3A_313 : i32 to vector<16xi32>
        %parallel_loop3A_316 = arith.select %parallel_loop3A_311, %parallel_loop3A_314, %parallel_loop3A_315 : vector<16xi1>, vector<16xi32>
        %parallel_loop3A_317 = arith.addi %parallel_loop3A_306, %parallel_loop3A_316 : vector<16xi32>
        %parallel_loop3A_318 = arith.constant 4 : i32
        %parallel_loop3A_319 = vector.broadcast %parallel_loop3A_318 : i32 to vector<16xi32>
        %parallel_loop3A_320 = arith.addi %parallel_loop3A_317, %parallel_loop3A_319 : vector<16xi32>
        %parallel_loop3A_321 = tpu.vector_load_idx %arg7[%parallel_loop3A_320] : memref<32768xf32, #tpu.memory_space<vmem>>[vector<16xi32>], vector<16xf32>,
        %parallel_loop3A_322 = arith.cmpf ole, %parallel_loop3A_321, %parallel_loop3A_273 : vector<16xf32>
        %parallel_loop3A_323 = arith.constant 4 : i32
        %parallel_loop3A_324 = arith.constant 0 : i32
        %parallel_loop3A_325 = vector.broadcast %parallel_loop3A_323 : i32 to vector<16xi32>
        %parallel_loop3A_326 = vector.broadcast %parallel_loop3A_324 : i32 to vector<16xi32>
        %parallel_loop3A_327 = arith.select %parallel_loop3A_322, %parallel_loop3A_325, %parallel_loop3A_326 : vector<16xi1>, vector<16xi32>
        %parallel_loop3A_328 = arith.addi %parallel_loop3A_317, %parallel_loop3A_327 : vector<16xi32>
        %parallel_loop3A_329 = arith.constant 2 : i32
        %parallel_loop3A_330 = vector.broadcast %parallel_loop3A_329 : i32 to vector<16xi32>
        %parallel_loop3A_331 = arith.addi %parallel_loop3A_328, %parallel_loop3A_330 : vector<16xi32>
        %parallel_loop3A_332 = tpu.vector_load_idx %arg7[%parallel_loop3A_331] : memref<32768xf32, #tpu.memory_space<vmem>>[vector<16xi32>], vector<16xf32>,
        %parallel_loop3A_333 = arith.cmpf ole, %parallel_loop3A_332, %parallel_loop3A_273 : vector<16xf32>
        %parallel_loop3A_334 = arith.constant 2 : i32
        %parallel_loop3A_335 = arith.constant 0 : i32
        %parallel_loop3A_336 = vector.broadcast %parallel_loop3A_334 : i32 to vector<16xi32>
        %parallel_loop3A_337 = vector.broadcast %parallel_loop3A_335 : i32 to vector<16xi32>
        %parallel_loop3A_338 = arith.select %parallel_loop3A_333, %parallel_loop3A_336, %parallel_loop3A_337 : vector<16xi1>, vector<16xi32>
        %parallel_loop3A_339 = arith.addi %parallel_loop3A_328, %parallel_loop3A_338 : vector<16xi32>
        %parallel_loop3A_340 = arith.constant 1 : i32
        %parallel_loop3A_341 = vector.broadcast %parallel_loop3A_340 : i32 to vector<16xi32>
        %parallel_loop3A_342 = arith.addi %parallel_loop3A_339, %parallel_loop3A_341 : vector<16xi32>
        %parallel_loop3A_343 = tpu.vector_load_idx %arg7[%parallel_loop3A_342] : memref<32768xf32, #tpu.memory_space<vmem>>[vector<16xi32>], vector<16xf32>,
        %parallel_loop3A_344 = arith.cmpf ole, %parallel_loop3A_343, %parallel_loop3A_273 : vector<16xf32>
        %parallel_loop3A_345 = arith.constant 1 : i32
        %parallel_loop3A_346 = arith.constant 0 : i32
        %parallel_loop3A_347 = vector.broadcast %parallel_loop3A_345 : i32 to vector<16xi32>
        %parallel_loop3A_348 = vector.broadcast %parallel_loop3A_346 : i32 to vector<16xi32>
        %parallel_loop3A_349 = arith.select %parallel_loop3A_344, %parallel_loop3A_347, %parallel_loop3A_348 : vector<16xi1>, vector<16xi32>
        %parallel_loop3A_350 = arith.addi %parallel_loop3A_339, %parallel_loop3A_349 : vector<16xi32>
        %parallel_loop3A_351 = arith.subi %parallel_loop3A_350, %parallel_loop3A_172 : vector<16xi32>
        %parallel_loop3A_352 = arith.constant 127 : i32
        %parallel_loop3A_353 = vector.broadcast %parallel_loop3A_352 : i32 to vector<16xi32>
        %parallel_loop3A_354 = arith.minsi %parallel_loop3A_351, %parallel_loop3A_353 : vector<16xi32>
        %parallel_loop3A_355 = arith.sitofp %parallel_loop3A_354 : vector<16xi32> to vector<16xf32>
        %parallel_loop3A_356 = arith.constant 0.0464566946 : f32
        %parallel_loop3A_357 = vector.broadcast %parallel_loop3A_356 : f32 to vector<16xf32>
        %parallel_loop3A_358 = arith.mulf %parallel_loop3A_355, %parallel_loop3A_357 : vector<16xf32>
        %parallel_loop3A_359 = arith.constant 1.000000e-01 : f32
        %parallel_loop3A_360 = vector.broadcast %parallel_loop3A_359 : f32 to vector<16xf32>
        %parallel_loop3A_361 = arith.addf %parallel_loop3A_358, %parallel_loop3A_360 : vector<16xf32>
        %parallel_loop3A_362 = arith.index_cast %parallel_loop3A_14 : i32 to index
        %parallel_loop3A_363 = arith.constant 16 : index
        %parallel_loop3A_364 = tpu.vector_load %arg8[%parallel_loop3A_362, %parallel_loop3A_363] {strides = array<i32>} : memref<256x128xf32, #tpu.memory_space<vmem>>, vector<16xf32>,
        tpu.vector_store %arg8[%parallel_loop3A_362, %parallel_loop3A_363], %parallel_loop3A_361 {strides = array<i32>} : memref<256x128xf32, #tpu.memory_space<vmem>>, vector<16xf32>,
        %parallel_loop3A_365 = arith.index_cast %parallel_loop3A_14 : i32 to index
        %parallel_loop3A_366 = arith.constant 32 : index
        %parallel_loop3A_367 = tpu.vector_load %arg6[%parallel_loop3A_365, %parallel_loop3A_366] {strides = array<i32>} : memref<256x128xf32, #tpu.memory_space<vmem>>, vector<16xf32>,
        %parallel_loop3A_368 = vector.broadcast %parallel_loop3A_167 : f32 to vector<16xf32>
        %parallel_loop3A_369 = arith.mulf %parallel_loop3A_367, %parallel_loop3A_368 : vector<16xf32>
        %parallel_loop3A_370 = arith.constant 64 : i32
        %parallel_loop3A_371 = vector.broadcast %parallel_loop3A_370 : i32 to vector<16xi32>
        %parallel_loop3A_372 = arith.addi %parallel_loop3A_172, %parallel_loop3A_371 : vector<16xi32>
        %parallel_loop3A_373 = tpu.vector_load_idx %arg7[%parallel_loop3A_372] : memref<32768xf32, #tpu.memory_space<vmem>>[vector<16xi32>], vector<16xf32>,
        %parallel_loop3A_374 = arith.cmpf ole, %parallel_loop3A_373, %parallel_loop3A_369 : vector<16xf32>
        %parallel_loop3A_375 = arith.constant 64 : i32
        %parallel_loop3A_376 = arith.constant 0 : i32
        %parallel_loop3A_377 = vector.broadcast %parallel_loop3A_375 : i32 to vector<16xi32>
        %parallel_loop3A_378 = vector.broadcast %parallel_loop3A_376 : i32 to vector<16xi32>
        %parallel_loop3A_379 = arith.select %parallel_loop3A_374, %parallel_loop3A_377, %parallel_loop3A_378 : vector<16xi1>, vector<16xi32>
        %parallel_loop3A_380 = arith.addi %parallel_loop3A_172, %parallel_loop3A_379 : vector<16xi32>
        %parallel_loop3A_381 = arith.constant 32 : i32
        %parallel_loop3A_382 = vector.broadcast %parallel_loop3A_381 : i32 to vector<16xi32>
        %parallel_loop3A_383 = arith.addi %parallel_loop3A_380, %parallel_loop3A_382 : vector<16xi32>
        %parallel_loop3A_384 = tpu.vector_load_idx %arg7[%parallel_loop3A_383] : memref<32768xf32, #tpu.memory_space<vmem>>[vector<16xi32>], vector<16xf32>,
        %parallel_loop3A_385 = arith.cmpf ole, %parallel_loop3A_384, %parallel_loop3A_369 : vector<16xf32>
        %parallel_loop3A_386 = arith.constant 32 : i32
        %parallel_loop3A_387 = arith.constant 0 : i32
        %parallel_loop3A_388 = vector.broadcast %parallel_loop3A_386 : i32 to vector<16xi32>
        %parallel_loop3A_389 = vector.broadcast %parallel_loop3A_387 : i32 to vector<16xi32>
        %parallel_loop3A_390 = arith.select %parallel_loop3A_385, %parallel_loop3A_388, %parallel_loop3A_389 : vector<16xi1>, vector<16xi32>
        %parallel_loop3A_391 = arith.addi %parallel_loop3A_380, %parallel_loop3A_390 : vector<16xi32>
        %parallel_loop3A_392 = arith.constant 16 : i32
        %parallel_loop3A_393 = vector.broadcast %parallel_loop3A_392 : i32 to vector<16xi32>
        %parallel_loop3A_394 = arith.addi %parallel_loop3A_391, %parallel_loop3A_393 : vector<16xi32>
        %parallel_loop3A_395 = tpu.vector_load_idx %arg7[%parallel_loop3A_394] : memref<32768xf32, #tpu.memory_space<vmem>>[vector<16xi32>], vector<16xf32>,
        %parallel_loop3A_396 = arith.cmpf ole, %parallel_loop3A_395, %parallel_loop3A_369 : vector<16xf32>
        %parallel_loop3A_397 = arith.constant 16 : i32
        %parallel_loop3A_398 = arith.constant 0 : i32
        %parallel_loop3A_399 = vector.broadcast %parallel_loop3A_397 : i32 to vector<16xi32>
        %parallel_loop3A_400 = vector.broadcast %parallel_loop3A_398 : i32 to vector<16xi32>
        %parallel_loop3A_401 = arith.select %parallel_loop3A_396, %parallel_loop3A_399, %parallel_loop3A_400 : vector<16xi1>, vector<16xi32>
        %parallel_loop3A_402 = arith.addi %parallel_loop3A_391, %parallel_loop3A_401 : vector<16xi32>
        %parallel_loop3A_403 = arith.constant 8 : i32
        %parallel_loop3A_404 = vector.broadcast %parallel_loop3A_403 : i32 to vector<16xi32>
        %parallel_loop3A_405 = arith.addi %parallel_loop3A_402, %parallel_loop3A_404 : vector<16xi32>
        %parallel_loop3A_406 = tpu.vector_load_idx %arg7[%parallel_loop3A_405] : memref<32768xf32, #tpu.memory_space<vmem>>[vector<16xi32>], vector<16xf32>,
        %parallel_loop3A_407 = arith.cmpf ole, %parallel_loop3A_406, %parallel_loop3A_369 : vector<16xf32>
        %parallel_loop3A_408 = arith.constant 8 : i32
        %parallel_loop3A_409 = arith.constant 0 : i32
        %parallel_loop3A_410 = vector.broadcast %parallel_loop3A_408 : i32 to vector<16xi32>
        %parallel_loop3A_411 = vector.broadcast %parallel_loop3A_409 : i32 to vector<16xi32>
        %parallel_loop3A_412 = arith.select %parallel_loop3A_407, %parallel_loop3A_410, %parallel_loop3A_411 : vector<16xi1>, vector<16xi32>
        %parallel_loop3A_413 = arith.addi %parallel_loop3A_402, %parallel_loop3A_412 : vector<16xi32>
        %parallel_loop3A_414 = arith.constant 4 : i32
        %parallel_loop3A_415 = vector.broadcast %parallel_loop3A_414 : i32 to vector<16xi32>
        %parallel_loop3A_416 = arith.addi %parallel_loop3A_413, %parallel_loop3A_415 : vector<16xi32>
        %parallel_loop3A_417 = tpu.vector_load_idx %arg7[%parallel_loop3A_416] : memref<32768xf32, #tpu.memory_space<vmem>>[vector<16xi32>], vector<16xf32>,
        %parallel_loop3A_418 = arith.cmpf ole, %parallel_loop3A_417, %parallel_loop3A_369 : vector<16xf32>
        %parallel_loop3A_419 = arith.constant 4 : i32
        %parallel_loop3A_420 = arith.constant 0 : i32
        %parallel_loop3A_421 = vector.broadcast %parallel_loop3A_419 : i32 to vector<16xi32>
        %parallel_loop3A_422 = vector.broadcast %parallel_loop3A_420 : i32 to vector<16xi32>
        %parallel_loop3A_423 = arith.select %parallel_loop3A_418, %parallel_loop3A_421, %parallel_loop3A_422 : vector<16xi1>, vector<16xi32>
        %parallel_loop3A_424 = arith.addi %parallel_loop3A_413, %parallel_loop3A_423 : vector<16xi32>
        %parallel_loop3A_425 = arith.constant 2 : i32
        %parallel_loop3A_426 = vector.broadcast %parallel_loop3A_425 : i32 to vector<16xi32>
        %parallel_loop3A_427 = arith.addi %parallel_loop3A_424, %parallel_loop3A_426 : vector<16xi32>
        %parallel_loop3A_428 = tpu.vector_load_idx %arg7[%parallel_loop3A_427] : memref<32768xf32, #tpu.memory_space<vmem>>[vector<16xi32>], vector<16xf32>,
        %parallel_loop3A_429 = arith.cmpf ole, %parallel_loop3A_428, %parallel_loop3A_369 : vector<16xf32>
        %parallel_loop3A_430 = arith.constant 2 : i32
        %parallel_loop3A_431 = arith.constant 0 : i32
        %parallel_loop3A_432 = vector.broadcast %parallel_loop3A_430 : i32 to vector<16xi32>
        %parallel_loop3A_433 = vector.broadcast %parallel_loop3A_431 : i32 to vector<16xi32>
        %parallel_loop3A_434 = arith.select %parallel_loop3A_429, %parallel_loop3A_432, %parallel_loop3A_433 : vector<16xi1>, vector<16xi32>
        %parallel_loop3A_435 = arith.addi %parallel_loop3A_424, %parallel_loop3A_434 : vector<16xi32>
        %parallel_loop3A_436 = arith.constant 1 : i32
        %parallel_loop3A_437 = vector.broadcast %parallel_loop3A_436 : i32 to vector<16xi32>
        %parallel_loop3A_438 = arith.addi %parallel_loop3A_435, %parallel_loop3A_437 : vector<16xi32>
        %parallel_loop3A_439 = tpu.vector_load_idx %arg7[%parallel_loop3A_438] : memref<32768xf32, #tpu.memory_space<vmem>>[vector<16xi32>], vector<16xf32>,
        %parallel_loop3A_440 = arith.cmpf ole, %parallel_loop3A_439, %parallel_loop3A_369 : vector<16xf32>
        %parallel_loop3A_441 = arith.constant 1 : i32
        %parallel_loop3A_442 = arith.constant 0 : i32
        %parallel_loop3A_443 = vector.broadcast %parallel_loop3A_441 : i32 to vector<16xi32>
        %parallel_loop3A_444 = vector.broadcast %parallel_loop3A_442 : i32 to vector<16xi32>
        %parallel_loop3A_445 = arith.select %parallel_loop3A_440, %parallel_loop3A_443, %parallel_loop3A_444 : vector<16xi1>, vector<16xi32>
        %parallel_loop3A_446 = arith.addi %parallel_loop3A_435, %parallel_loop3A_445 : vector<16xi32>
        %parallel_loop3A_447 = arith.subi %parallel_loop3A_446, %parallel_loop3A_172 : vector<16xi32>
        %parallel_loop3A_448 = arith.constant 127 : i32
        %parallel_loop3A_449 = vector.broadcast %parallel_loop3A_448 : i32 to vector<16xi32>
        %parallel_loop3A_450 = arith.minsi %parallel_loop3A_447, %parallel_loop3A_449 : vector<16xi32>
        %parallel_loop3A_451 = arith.sitofp %parallel_loop3A_450 : vector<16xi32> to vector<16xf32>
        %parallel_loop3A_452 = arith.constant 0.0464566946 : f32
        %parallel_loop3A_453 = vector.broadcast %parallel_loop3A_452 : f32 to vector<16xf32>
        %parallel_loop3A_454 = arith.mulf %parallel_loop3A_451, %parallel_loop3A_453 : vector<16xf32>
        %parallel_loop3A_455 = arith.constant 1.000000e-01 : f32
        %parallel_loop3A_456 = vector.broadcast %parallel_loop3A_455 : f32 to vector<16xf32>
        %parallel_loop3A_457 = arith.addf %parallel_loop3A_454, %parallel_loop3A_456 : vector<16xf32>
        %parallel_loop3A_458 = arith.index_cast %parallel_loop3A_14 : i32 to index
        %parallel_loop3A_459 = arith.constant 32 : index
        %parallel_loop3A_460 = tpu.vector_load %arg8[%parallel_loop3A_458, %parallel_loop3A_459] {strides = array<i32>} : memref<256x128xf32, #tpu.memory_space<vmem>>, vector<16xf32>,
        tpu.vector_store %arg8[%parallel_loop3A_458, %parallel_loop3A_459], %parallel_loop3A_457 {strides = array<i32>} : memref<256x128xf32, #tpu.memory_space<vmem>>, vector<16xf32>,
        %parallel_loop3A_461 = arith.index_cast %parallel_loop3A_14 : i32 to index
        %parallel_loop3A_462 = arith.constant 48 : index
        %parallel_loop3A_463 = tpu.vector_load %arg6[%parallel_loop3A_461, %parallel_loop3A_462] {strides = array<i32>} : memref<256x128xf32, #tpu.memory_space<vmem>>, vector<16xf32>,
        %parallel_loop3A_464 = vector.broadcast %parallel_loop3A_167 : f32 to vector<16xf32>
        %parallel_loop3A_465 = arith.mulf %parallel_loop3A_463, %parallel_loop3A_464 : vector<16xf32>
        %parallel_loop3A_466 = arith.constant 64 : i32
        %parallel_loop3A_467 = vector.broadcast %parallel_loop3A_466 : i32 to vector<16xi32>
        %parallel_loop3A_468 = arith.addi %parallel_loop3A_172, %parallel_loop3A_467 : vector<16xi32>
        %parallel_loop3A_469 = tpu.vector_load_idx %arg7[%parallel_loop3A_468] : memref<32768xf32, #tpu.memory_space<vmem>>[vector<16xi32>], vector<16xf32>,
        %parallel_loop3A_470 = arith.cmpf ole, %parallel_loop3A_469, %parallel_loop3A_465 : vector<16xf32>
        %parallel_loop3A_471 = arith.constant 64 : i32
        %parallel_loop3A_472 = arith.constant 0 : i32
        %parallel_loop3A_473 = vector.broadcast %parallel_loop3A_471 : i32 to vector<16xi32>
        %parallel_loop3A_474 = vector.broadcast %parallel_loop3A_472 : i32 to vector<16xi32>
        %parallel_loop3A_475 = arith.select %parallel_loop3A_470, %parallel_loop3A_473, %parallel_loop3A_474 : vector<16xi1>, vector<16xi32>
        %parallel_loop3A_476 = arith.addi %parallel_loop3A_172, %parallel_loop3A_475 : vector<16xi32>
        %parallel_loop3A_477 = arith.constant 32 : i32
        %parallel_loop3A_478 = vector.broadcast %parallel_loop3A_477 : i32 to vector<16xi32>
        %parallel_loop3A_479 = arith.addi %parallel_loop3A_476, %parallel_loop3A_478 : vector<16xi32>
        %parallel_loop3A_480 = tpu.vector_load_idx %arg7[%parallel_loop3A_479] : memref<32768xf32, #tpu.memory_space<vmem>>[vector<16xi32>], vector<16xf32>,
        %parallel_loop3A_481 = arith.cmpf ole, %parallel_loop3A_480, %parallel_loop3A_465 : vector<16xf32>
        %parallel_loop3A_482 = arith.constant 32 : i32
        %parallel_loop3A_483 = arith.constant 0 : i32
        %parallel_loop3A_484 = vector.broadcast %parallel_loop3A_482 : i32 to vector<16xi32>
        %parallel_loop3A_485 = vector.broadcast %parallel_loop3A_483 : i32 to vector<16xi32>
        %parallel_loop3A_486 = arith.select %parallel_loop3A_481, %parallel_loop3A_484, %parallel_loop3A_485 : vector<16xi1>, vector<16xi32>
        %parallel_loop3A_487 = arith.addi %parallel_loop3A_476, %parallel_loop3A_486 : vector<16xi32>
        %parallel_loop3A_488 = arith.constant 16 : i32
        %parallel_loop3A_489 = vector.broadcast %parallel_loop3A_488 : i32 to vector<16xi32>
        %parallel_loop3A_490 = arith.addi %parallel_loop3A_487, %parallel_loop3A_489 : vector<16xi32>
        %parallel_loop3A_491 = tpu.vector_load_idx %arg7[%parallel_loop3A_490] : memref<32768xf32, #tpu.memory_space<vmem>>[vector<16xi32>], vector<16xf32>,
        %parallel_loop3A_492 = arith.cmpf ole, %parallel_loop3A_491, %parallel_loop3A_465 : vector<16xf32>
        %parallel_loop3A_493 = arith.constant 16 : i32
        %parallel_loop3A_494 = arith.constant 0 : i32
        %parallel_loop3A_495 = vector.broadcast %parallel_loop3A_493 : i32 to vector<16xi32>
        %parallel_loop3A_496 = vector.broadcast %parallel_loop3A_494 : i32 to vector<16xi32>
        %parallel_loop3A_497 = arith.select %parallel_loop3A_492, %parallel_loop3A_495, %parallel_loop3A_496 : vector<16xi1>, vector<16xi32>
        %parallel_loop3A_498 = arith.addi %parallel_loop3A_487, %parallel_loop3A_497 : vector<16xi32>
        %parallel_loop3A_499 = arith.constant 8 : i32
        %parallel_loop3A_500 = vector.broadcast %parallel_loop3A_499 : i32 to vector<16xi32>
        %parallel_loop3A_501 = arith.addi %parallel_loop3A_498, %parallel_loop3A_500 : vector<16xi32>
        %parallel_loop3A_502 = tpu.vector_load_idx %arg7[%parallel_loop3A_501] : memref<32768xf32, #tpu.memory_space<vmem>>[vector<16xi32>], vector<16xf32>,
        %parallel_loop3A_503 = arith.cmpf ole, %parallel_loop3A_502, %parallel_loop3A_465 : vector<16xf32>
        %parallel_loop3A_504 = arith.constant 8 : i32
        %parallel_loop3A_505 = arith.constant 0 : i32
        %parallel_loop3A_506 = vector.broadcast %parallel_loop3A_504 : i32 to vector<16xi32>
        %parallel_loop3A_507 = vector.broadcast %parallel_loop3A_505 : i32 to vector<16xi32>
        %parallel_loop3A_508 = arith.select %parallel_loop3A_503, %parallel_loop3A_506, %parallel_loop3A_507 : vector<16xi1>, vector<16xi32>
        %parallel_loop3A_509 = arith.addi %parallel_loop3A_498, %parallel_loop3A_508 : vector<16xi32>
        %parallel_loop3A_510 = arith.constant 4 : i32
        %parallel_loop3A_511 = vector.broadcast %parallel_loop3A_510 : i32 to vector<16xi32>
        %parallel_loop3A_512 = arith.addi %parallel_loop3A_509, %parallel_loop3A_511 : vector<16xi32>
        %parallel_loop3A_513 = tpu.vector_load_idx %arg7[%parallel_loop3A_512] : memref<32768xf32, #tpu.memory_space<vmem>>[vector<16xi32>], vector<16xf32>,
        %parallel_loop3A_514 = arith.cmpf ole, %parallel_loop3A_513, %parallel_loop3A_465 : vector<16xf32>
        %parallel_loop3A_515 = arith.constant 4 : i32
        %parallel_loop3A_516 = arith.constant 0 : i32
        %parallel_loop3A_517 = vector.broadcast %parallel_loop3A_515 : i32 to vector<16xi32>
        %parallel_loop3A_518 = vector.broadcast %parallel_loop3A_516 : i32 to vector<16xi32>
        %parallel_loop3A_519 = arith.select %parallel_loop3A_514, %parallel_loop3A_517, %parallel_loop3A_518 : vector<16xi1>, vector<16xi32>
        %parallel_loop3A_520 = arith.addi %parallel_loop3A_509, %parallel_loop3A_519 : vector<16xi32>
        %parallel_loop3A_521 = arith.constant 2 : i32
        %parallel_loop3A_522 = vector.broadcast %parallel_loop3A_521 : i32 to vector<16xi32>
        %parallel_loop3A_523 = arith.addi %parallel_loop3A_520, %parallel_loop3A_522 : vector<16xi32>
        %parallel_loop3A_524 = tpu.vector_load_idx %arg7[%parallel_loop3A_523] : memref<32768xf32, #tpu.memory_space<vmem>>[vector<16xi32>], vector<16xf32>,
        %parallel_loop3A_525 = arith.cmpf ole, %parallel_loop3A_524, %parallel_loop3A_465 : vector<16xf32>
        %parallel_loop3A_526 = arith.constant 2 : i32
        %parallel_loop3A_527 = arith.constant 0 : i32
        %parallel_loop3A_528 = vector.broadcast %parallel_loop3A_526 : i32 to vector<16xi32>
        %parallel_loop3A_529 = vector.broadcast %parallel_loop3A_527 : i32 to vector<16xi32>
        %parallel_loop3A_530 = arith.select %parallel_loop3A_525, %parallel_loop3A_528, %parallel_loop3A_529 : vector<16xi1>, vector<16xi32>
        %parallel_loop3A_531 = arith.addi %parallel_loop3A_520, %parallel_loop3A_530 : vector<16xi32>
        %parallel_loop3A_532 = arith.constant 1 : i32
        %parallel_loop3A_533 = vector.broadcast %parallel_loop3A_532 : i32 to vector<16xi32>
        %parallel_loop3A_534 = arith.addi %parallel_loop3A_531, %parallel_loop3A_533 : vector<16xi32>
        %parallel_loop3A_535 = tpu.vector_load_idx %arg7[%parallel_loop3A_534] : memref<32768xf32, #tpu.memory_space<vmem>>[vector<16xi32>], vector<16xf32>,
        %parallel_loop3A_536 = arith.cmpf ole, %parallel_loop3A_535, %parallel_loop3A_465 : vector<16xf32>
        %parallel_loop3A_537 = arith.constant 1 : i32
        %parallel_loop3A_538 = arith.constant 0 : i32
        %parallel_loop3A_539 = vector.broadcast %parallel_loop3A_537 : i32 to vector<16xi32>
        %parallel_loop3A_540 = vector.broadcast %parallel_loop3A_538 : i32 to vector<16xi32>
        %parallel_loop3A_541 = arith.select %parallel_loop3A_536, %parallel_loop3A_539, %parallel_loop3A_540 : vector<16xi1>, vector<16xi32>
        %parallel_loop3A_542 = arith.addi %parallel_loop3A_531, %parallel_loop3A_541 : vector<16xi32>
        %parallel_loop3A_543 = arith.subi %parallel_loop3A_542, %parallel_loop3A_172 : vector<16xi32>
        %parallel_loop3A_544 = arith.constant 127 : i32
        %parallel_loop3A_545 = vector.broadcast %parallel_loop3A_544 : i32 to vector<16xi32>
        %parallel_loop3A_546 = arith.minsi %parallel_loop3A_543, %parallel_loop3A_545 : vector<16xi32>
        %parallel_loop3A_547 = arith.sitofp %parallel_loop3A_546 : vector<16xi32> to vector<16xf32>
        %parallel_loop3A_548 = arith.constant 0.0464566946 : f32
        %parallel_loop3A_549 = vector.broadcast %parallel_loop3A_548 : f32 to vector<16xf32>
        %parallel_loop3A_550 = arith.mulf %parallel_loop3A_547, %parallel_loop3A_549 : vector<16xf32>
        %parallel_loop3A_551 = arith.constant 1.000000e-01 : f32
        %parallel_loop3A_552 = vector.broadcast %parallel_loop3A_551 : f32 to vector<16xf32>
        %parallel_loop3A_553 = arith.addf %parallel_loop3A_550, %parallel_loop3A_552 : vector<16xf32>
        %parallel_loop3A_554 = arith.index_cast %parallel_loop3A_14 : i32 to index
        %parallel_loop3A_555 = arith.constant 48 : index
        %parallel_loop3A_556 = tpu.vector_load %arg8[%parallel_loop3A_554, %parallel_loop3A_555] {strides = array<i32>} : memref<256x128xf32, #tpu.memory_space<vmem>>, vector<16xf32>,
        tpu.vector_store %arg8[%parallel_loop3A_554, %parallel_loop3A_555], %parallel_loop3A_553 {strides = array<i32>} : memref<256x128xf32, #tpu.memory_space<vmem>>, vector<16xf32>,
        %parallel_loop3A_557 = arith.index_cast %parallel_loop3A_14 : i32 to index
        %parallel_loop3A_558 = arith.constant 64 : index
        %parallel_loop3A_559 = tpu.vector_load %arg6[%parallel_loop3A_557, %parallel_loop3A_558] {strides = array<i32>} : memref<256x128xf32, #tpu.memory_space<vmem>>, vector<16xf32>,
        %parallel_loop3A_560 = vector.broadcast %parallel_loop3A_167 : f32 to vector<16xf32>
        %parallel_loop3A_561 = arith.mulf %parallel_loop3A_559, %parallel_loop3A_560 : vector<16xf32>
        %parallel_loop3A_562 = arith.constant 64 : i32
        %parallel_loop3A_563 = vector.broadcast %parallel_loop3A_562 : i32 to vector<16xi32>
        %parallel_loop3A_564 = arith.addi %parallel_loop3A_172, %parallel_loop3A_563 : vector<16xi32>
        %parallel_loop3A_565 = tpu.vector_load_idx %arg7[%parallel_loop3A_564] : memref<32768xf32, #tpu.memory_space<vmem>>[vector<16xi32>], vector<16xf32>,
        %parallel_loop3A_566 = arith.cmpf ole, %parallel_loop3A_565, %parallel_loop3A_561 : vector<16xf32>
        %parallel_loop3A_567 = arith.constant 64 : i32
        %parallel_loop3A_568 = arith.constant 0 : i32
        %parallel_loop3A_569 = vector.broadcast %parallel_loop3A_567 : i32 to vector<16xi32>
        %parallel_loop3A_570 = vector.broadcast %parallel_loop3A_568 : i32 to vector<16xi32>
        %parallel_loop3A_571 = arith.select %parallel_loop3A_566, %parallel_loop3A_569, %parallel_loop3A_570 : vector<16xi1>, vector<16xi32>
        %parallel_loop3A_572 = arith.addi %parallel_loop3A_172, %parallel_loop3A_571 : vector<16xi32>
        %parallel_loop3A_573 = arith.constant 32 : i32
        %parallel_loop3A_574 = vector.broadcast %parallel_loop3A_573 : i32 to vector<16xi32>
        %parallel_loop3A_575 = arith.addi %parallel_loop3A_572, %parallel_loop3A_574 : vector<16xi32>
        %parallel_loop3A_576 = tpu.vector_load_idx %arg7[%parallel_loop3A_575] : memref<32768xf32, #tpu.memory_space<vmem>>[vector<16xi32>], vector<16xf32>,
        %parallel_loop3A_577 = arith.cmpf ole, %parallel_loop3A_576, %parallel_loop3A_561 : vector<16xf32>
        %parallel_loop3A_578 = arith.constant 32 : i32
        %parallel_loop3A_579 = arith.constant 0 : i32
        %parallel_loop3A_580 = vector.broadcast %parallel_loop3A_578 : i32 to vector<16xi32>
        %parallel_loop3A_581 = vector.broadcast %parallel_loop3A_579 : i32 to vector<16xi32>
        %parallel_loop3A_582 = arith.select %parallel_loop3A_577, %parallel_loop3A_580, %parallel_loop3A_581 : vector<16xi1>, vector<16xi32>
        %parallel_loop3A_583 = arith.addi %parallel_loop3A_572, %parallel_loop3A_582 : vector<16xi32>
        %parallel_loop3A_584 = arith.constant 16 : i32
        %parallel_loop3A_585 = vector.broadcast %parallel_loop3A_584 : i32 to vector<16xi32>
        %parallel_loop3A_586 = arith.addi %parallel_loop3A_583, %parallel_loop3A_585 : vector<16xi32>
        %parallel_loop3A_587 = tpu.vector_load_idx %arg7[%parallel_loop3A_586] : memref<32768xf32, #tpu.memory_space<vmem>>[vector<16xi32>], vector<16xf32>,
        %parallel_loop3A_588 = arith.cmpf ole, %parallel_loop3A_587, %parallel_loop3A_561 : vector<16xf32>
        %parallel_loop3A_589 = arith.constant 16 : i32
        %parallel_loop3A_590 = arith.constant 0 : i32
        %parallel_loop3A_591 = vector.broadcast %parallel_loop3A_589 : i32 to vector<16xi32>
        %parallel_loop3A_592 = vector.broadcast %parallel_loop3A_590 : i32 to vector<16xi32>
        %parallel_loop3A_593 = arith.select %parallel_loop3A_588, %parallel_loop3A_591, %parallel_loop3A_592 : vector<16xi1>, vector<16xi32>
        %parallel_loop3A_594 = arith.addi %parallel_loop3A_583, %parallel_loop3A_593 : vector<16xi32>
        %parallel_loop3A_595 = arith.constant 8 : i32
        %parallel_loop3A_596 = vector.broadcast %parallel_loop3A_595 : i32 to vector<16xi32>
        %parallel_loop3A_597 = arith.addi %parallel_loop3A_594, %parallel_loop3A_596 : vector<16xi32>
        %parallel_loop3A_598 = tpu.vector_load_idx %arg7[%parallel_loop3A_597] : memref<32768xf32, #tpu.memory_space<vmem>>[vector<16xi32>], vector<16xf32>,
        %parallel_loop3A_599 = arith.cmpf ole, %parallel_loop3A_598, %parallel_loop3A_561 : vector<16xf32>
        %parallel_loop3A_600 = arith.constant 8 : i32
        %parallel_loop3A_601 = arith.constant 0 : i32
        %parallel_loop3A_602 = vector.broadcast %parallel_loop3A_600 : i32 to vector<16xi32>
        %parallel_loop3A_603 = vector.broadcast %parallel_loop3A_601 : i32 to vector<16xi32>
        %parallel_loop3A_604 = arith.select %parallel_loop3A_599, %parallel_loop3A_602, %parallel_loop3A_603 : vector<16xi1>, vector<16xi32>
        %parallel_loop3A_605 = arith.addi %parallel_loop3A_594, %parallel_loop3A_604 : vector<16xi32>
        %parallel_loop3A_606 = arith.constant 4 : i32
        %parallel_loop3A_607 = vector.broadcast %parallel_loop3A_606 : i32 to vector<16xi32>
        %parallel_loop3A_608 = arith.addi %parallel_loop3A_605, %parallel_loop3A_607 : vector<16xi32>
        %parallel_loop3A_609 = tpu.vector_load_idx %arg7[%parallel_loop3A_608] : memref<32768xf32, #tpu.memory_space<vmem>>[vector<16xi32>], vector<16xf32>,
        %parallel_loop3A_610 = arith.cmpf ole, %parallel_loop3A_609, %parallel_loop3A_561 : vector<16xf32>
        %parallel_loop3A_611 = arith.constant 4 : i32
        %parallel_loop3A_612 = arith.constant 0 : i32
        %parallel_loop3A_613 = vector.broadcast %parallel_loop3A_611 : i32 to vector<16xi32>
        %parallel_loop3A_614 = vector.broadcast %parallel_loop3A_612 : i32 to vector<16xi32>
        %parallel_loop3A_615 = arith.select %parallel_loop3A_610, %parallel_loop3A_613, %parallel_loop3A_614 : vector<16xi1>, vector<16xi32>
        %parallel_loop3A_616 = arith.addi %parallel_loop3A_605, %parallel_loop3A_615 : vector<16xi32>
        %parallel_loop3A_617 = arith.constant 2 : i32
        %parallel_loop3A_618 = vector.broadcast %parallel_loop3A_617 : i32 to vector<16xi32>
        %parallel_loop3A_619 = arith.addi %parallel_loop3A_616, %parallel_loop3A_618 : vector<16xi32>
        %parallel_loop3A_620 = tpu.vector_load_idx %arg7[%parallel_loop3A_619] : memref<32768xf32, #tpu.memory_space<vmem>>[vector<16xi32>], vector<16xf32>,
        %parallel_loop3A_621 = arith.cmpf ole, %parallel_loop3A_620, %parallel_loop3A_561 : vector<16xf32>
        %parallel_loop3A_622 = arith.constant 2 : i32
        %parallel_loop3A_623 = arith.constant 0 : i32
        %parallel_loop3A_624 = vector.broadcast %parallel_loop3A_622 : i32 to vector<16xi32>
        %parallel_loop3A_625 = vector.broadcast %parallel_loop3A_623 : i32 to vector<16xi32>
        %parallel_loop3A_626 = arith.select %parallel_loop3A_621, %parallel_loop3A_624, %parallel_loop3A_625 : vector<16xi1>, vector<16xi32>
        %parallel_loop3A_627 = arith.addi %parallel_loop3A_616, %parallel_loop3A_626 : vector<16xi32>
        %parallel_loop3A_628 = arith.constant 1 : i32
        %parallel_loop3A_629 = vector.broadcast %parallel_loop3A_628 : i32 to vector<16xi32>
        %parallel_loop3A_630 = arith.addi %parallel_loop3A_627, %parallel_loop3A_629 : vector<16xi32>
        %parallel_loop3A_631 = tpu.vector_load_idx %arg7[%parallel_loop3A_630] : memref<32768xf32, #tpu.memory_space<vmem>>[vector<16xi32>], vector<16xf32>,
        %parallel_loop3A_632 = arith.cmpf ole, %parallel_loop3A_631, %parallel_loop3A_561 : vector<16xf32>
        %parallel_loop3A_633 = arith.constant 1 : i32
        %parallel_loop3A_634 = arith.constant 0 : i32
        %parallel_loop3A_635 = vector.broadcast %parallel_loop3A_633 : i32 to vector<16xi32>
        %parallel_loop3A_636 = vector.broadcast %parallel_loop3A_634 : i32 to vector<16xi32>
        %parallel_loop3A_637 = arith.select %parallel_loop3A_632, %parallel_loop3A_635, %parallel_loop3A_636 : vector<16xi1>, vector<16xi32>
        %parallel_loop3A_638 = arith.addi %parallel_loop3A_627, %parallel_loop3A_637 : vector<16xi32>
        %parallel_loop3A_639 = arith.subi %parallel_loop3A_638, %parallel_loop3A_172 : vector<16xi32>
        %parallel_loop3A_640 = arith.constant 127 : i32
        %parallel_loop3A_641 = vector.broadcast %parallel_loop3A_640 : i32 to vector<16xi32>
        %parallel_loop3A_642 = arith.minsi %parallel_loop3A_639, %parallel_loop3A_641 : vector<16xi32>
        %parallel_loop3A_643 = arith.sitofp %parallel_loop3A_642 : vector<16xi32> to vector<16xf32>
        %parallel_loop3A_644 = arith.constant 0.0464566946 : f32
        %parallel_loop3A_645 = vector.broadcast %parallel_loop3A_644 : f32 to vector<16xf32>
        %parallel_loop3A_646 = arith.mulf %parallel_loop3A_643, %parallel_loop3A_645 : vector<16xf32>
        %parallel_loop3A_647 = arith.constant 1.000000e-01 : f32
        %parallel_loop3A_648 = vector.broadcast %parallel_loop3A_647 : f32 to vector<16xf32>
        %parallel_loop3A_649 = arith.addf %parallel_loop3A_646, %parallel_loop3A_648 : vector<16xf32>
        %parallel_loop3A_650 = arith.index_cast %parallel_loop3A_14 : i32 to index
        %parallel_loop3A_651 = arith.constant 64 : index
        %parallel_loop3A_652 = tpu.vector_load %arg8[%parallel_loop3A_650, %parallel_loop3A_651] {strides = array<i32>} : memref<256x128xf32, #tpu.memory_space<vmem>>, vector<16xf32>,
        tpu.vector_store %arg8[%parallel_loop3A_650, %parallel_loop3A_651], %parallel_loop3A_649 {strides = array<i32>} : memref<256x128xf32, #tpu.memory_space<vmem>>, vector<16xf32>,
        %parallel_loop3A_653 = arith.index_cast %parallel_loop3A_14 : i32 to index
        %parallel_loop3A_654 = arith.constant 80 : index
        %parallel_loop3A_655 = tpu.vector_load %arg6[%parallel_loop3A_653, %parallel_loop3A_654] {strides = array<i32>} : memref<256x128xf32, #tpu.memory_space<vmem>>, vector<16xf32>,
        %parallel_loop3A_656 = vector.broadcast %parallel_loop3A_167 : f32 to vector<16xf32>
        %parallel_loop3A_657 = arith.mulf %parallel_loop3A_655, %parallel_loop3A_656 : vector<16xf32>
        %parallel_loop3A_658 = arith.constant 64 : i32
        %parallel_loop3A_659 = vector.broadcast %parallel_loop3A_658 : i32 to vector<16xi32>
        %parallel_loop3A_660 = arith.addi %parallel_loop3A_172, %parallel_loop3A_659 : vector<16xi32>
        %parallel_loop3A_661 = tpu.vector_load_idx %arg7[%parallel_loop3A_660] : memref<32768xf32, #tpu.memory_space<vmem>>[vector<16xi32>], vector<16xf32>,
        %parallel_loop3A_662 = arith.cmpf ole, %parallel_loop3A_661, %parallel_loop3A_657 : vector<16xf32>
        %parallel_loop3A_663 = arith.constant 64 : i32
        %parallel_loop3A_664 = arith.constant 0 : i32
        %parallel_loop3A_665 = vector.broadcast %parallel_loop3A_663 : i32 to vector<16xi32>
        %parallel_loop3A_666 = vector.broadcast %parallel_loop3A_664 : i32 to vector<16xi32>
        %parallel_loop3A_667 = arith.select %parallel_loop3A_662, %parallel_loop3A_665, %parallel_loop3A_666 : vector<16xi1>, vector<16xi32>
        %parallel_loop3A_668 = arith.addi %parallel_loop3A_172, %parallel_loop3A_667 : vector<16xi32>
        %parallel_loop3A_669 = arith.constant 32 : i32
        %parallel_loop3A_670 = vector.broadcast %parallel_loop3A_669 : i32 to vector<16xi32>
        %parallel_loop3A_671 = arith.addi %parallel_loop3A_668, %parallel_loop3A_670 : vector<16xi32>
        %parallel_loop3A_672 = tpu.vector_load_idx %arg7[%parallel_loop3A_671] : memref<32768xf32, #tpu.memory_space<vmem>>[vector<16xi32>], vector<16xf32>,
        %parallel_loop3A_673 = arith.cmpf ole, %parallel_loop3A_672, %parallel_loop3A_657 : vector<16xf32>
        %parallel_loop3A_674 = arith.constant 32 : i32
        %parallel_loop3A_675 = arith.constant 0 : i32
        %parallel_loop3A_676 = vector.broadcast %parallel_loop3A_674 : i32 to vector<16xi32>
        %parallel_loop3A_677 = vector.broadcast %parallel_loop3A_675 : i32 to vector<16xi32>
        %parallel_loop3A_678 = arith.select %parallel_loop3A_673, %parallel_loop3A_676, %parallel_loop3A_677 : vector<16xi1>, vector<16xi32>
        %parallel_loop3A_679 = arith.addi %parallel_loop3A_668, %parallel_loop3A_678 : vector<16xi32>
        %parallel_loop3A_680 = arith.constant 16 : i32
        %parallel_loop3A_681 = vector.broadcast %parallel_loop3A_680 : i32 to vector<16xi32>
        %parallel_loop3A_682 = arith.addi %parallel_loop3A_679, %parallel_loop3A_681 : vector<16xi32>
        %parallel_loop3A_683 = tpu.vector_load_idx %arg7[%parallel_loop3A_682] : memref<32768xf32, #tpu.memory_space<vmem>>[vector<16xi32>], vector<16xf32>,
        %parallel_loop3A_684 = arith.cmpf ole, %parallel_loop3A_683, %parallel_loop3A_657 : vector<16xf32>
        %parallel_loop3A_685 = arith.constant 16 : i32
        %parallel_loop3A_686 = arith.constant 0 : i32
        %parallel_loop3A_687 = vector.broadcast %parallel_loop3A_685 : i32 to vector<16xi32>
        %parallel_loop3A_688 = vector.broadcast %parallel_loop3A_686 : i32 to vector<16xi32>
        %parallel_loop3A_689 = arith.select %parallel_loop3A_684, %parallel_loop3A_687, %parallel_loop3A_688 : vector<16xi1>, vector<16xi32>
        %parallel_loop3A_690 = arith.addi %parallel_loop3A_679, %parallel_loop3A_689 : vector<16xi32>
        %parallel_loop3A_691 = arith.constant 8 : i32
        %parallel_loop3A_692 = vector.broadcast %parallel_loop3A_691 : i32 to vector<16xi32>
        %parallel_loop3A_693 = arith.addi %parallel_loop3A_690, %parallel_loop3A_692 : vector<16xi32>
        %parallel_loop3A_694 = tpu.vector_load_idx %arg7[%parallel_loop3A_693] : memref<32768xf32, #tpu.memory_space<vmem>>[vector<16xi32>], vector<16xf32>,
        %parallel_loop3A_695 = arith.cmpf ole, %parallel_loop3A_694, %parallel_loop3A_657 : vector<16xf32>
        %parallel_loop3A_696 = arith.constant 8 : i32
        %parallel_loop3A_697 = arith.constant 0 : i32
        %parallel_loop3A_698 = vector.broadcast %parallel_loop3A_696 : i32 to vector<16xi32>
        %parallel_loop3A_699 = vector.broadcast %parallel_loop3A_697 : i32 to vector<16xi32>
        %parallel_loop3A_700 = arith.select %parallel_loop3A_695, %parallel_loop3A_698, %parallel_loop3A_699 : vector<16xi1>, vector<16xi32>
        %parallel_loop3A_701 = arith.addi %parallel_loop3A_690, %parallel_loop3A_700 : vector<16xi32>
        %parallel_loop3A_702 = arith.constant 4 : i32
        %parallel_loop3A_703 = vector.broadcast %parallel_loop3A_702 : i32 to vector<16xi32>
        %parallel_loop3A_704 = arith.addi %parallel_loop3A_701, %parallel_loop3A_703 : vector<16xi32>
        %parallel_loop3A_705 = tpu.vector_load_idx %arg7[%parallel_loop3A_704] : memref<32768xf32, #tpu.memory_space<vmem>>[vector<16xi32>], vector<16xf32>,
        %parallel_loop3A_706 = arith.cmpf ole, %parallel_loop3A_705, %parallel_loop3A_657 : vector<16xf32>
        %parallel_loop3A_707 = arith.constant 4 : i32
        %parallel_loop3A_708 = arith.constant 0 : i32
        %parallel_loop3A_709 = vector.broadcast %parallel_loop3A_707 : i32 to vector<16xi32>
        %parallel_loop3A_710 = vector.broadcast %parallel_loop3A_708 : i32 to vector<16xi32>
        %parallel_loop3A_711 = arith.select %parallel_loop3A_706, %parallel_loop3A_709, %parallel_loop3A_710 : vector<16xi1>, vector<16xi32>
        %parallel_loop3A_712 = arith.addi %parallel_loop3A_701, %parallel_loop3A_711 : vector<16xi32>
        %parallel_loop3A_713 = arith.constant 2 : i32
        %parallel_loop3A_714 = vector.broadcast %parallel_loop3A_713 : i32 to vector<16xi32>
        %parallel_loop3A_715 = arith.addi %parallel_loop3A_712, %parallel_loop3A_714 : vector<16xi32>
        %parallel_loop3A_716 = tpu.vector_load_idx %arg7[%parallel_loop3A_715] : memref<32768xf32, #tpu.memory_space<vmem>>[vector<16xi32>], vector<16xf32>,
        %parallel_loop3A_717 = arith.cmpf ole, %parallel_loop3A_716, %parallel_loop3A_657 : vector<16xf32>
        %parallel_loop3A_718 = arith.constant 2 : i32
        %parallel_loop3A_719 = arith.constant 0 : i32
        %parallel_loop3A_720 = vector.broadcast %parallel_loop3A_718 : i32 to vector<16xi32>
        %parallel_loop3A_721 = vector.broadcast %parallel_loop3A_719 : i32 to vector<16xi32>
        %parallel_loop3A_722 = arith.select %parallel_loop3A_717, %parallel_loop3A_720, %parallel_loop3A_721 : vector<16xi1>, vector<16xi32>
        %parallel_loop3A_723 = arith.addi %parallel_loop3A_712, %parallel_loop3A_722 : vector<16xi32>
        %parallel_loop3A_724 = arith.constant 1 : i32
        %parallel_loop3A_725 = vector.broadcast %parallel_loop3A_724 : i32 to vector<16xi32>
        %parallel_loop3A_726 = arith.addi %parallel_loop3A_723, %parallel_loop3A_725 : vector<16xi32>
        %parallel_loop3A_727 = tpu.vector_load_idx %arg7[%parallel_loop3A_726] : memref<32768xf32, #tpu.memory_space<vmem>>[vector<16xi32>], vector<16xf32>,
        %parallel_loop3A_728 = arith.cmpf ole, %parallel_loop3A_727, %parallel_loop3A_657 : vector<16xf32>
        %parallel_loop3A_729 = arith.constant 1 : i32
        %parallel_loop3A_730 = arith.constant 0 : i32
        %parallel_loop3A_731 = vector.broadcast %parallel_loop3A_729 : i32 to vector<16xi32>
        %parallel_loop3A_732 = vector.broadcast %parallel_loop3A_730 : i32 to vector<16xi32>
        %parallel_loop3A_733 = arith.select %parallel_loop3A_728, %parallel_loop3A_731, %parallel_loop3A_732 : vector<16xi1>, vector<16xi32>
        %parallel_loop3A_734 = arith.addi %parallel_loop3A_723, %parallel_loop3A_733 : vector<16xi32>
        %parallel_loop3A_735 = arith.subi %parallel_loop3A_734, %parallel_loop3A_172 : vector<16xi32>
        %parallel_loop3A_736 = arith.constant 127 : i32
        %parallel_loop3A_737 = vector.broadcast %parallel_loop3A_736 : i32 to vector<16xi32>
        %parallel_loop3A_738 = arith.minsi %parallel_loop3A_735, %parallel_loop3A_737 : vector<16xi32>
        %parallel_loop3A_739 = arith.sitofp %parallel_loop3A_738 : vector<16xi32> to vector<16xf32>
        %parallel_loop3A_740 = arith.constant 0.0464566946 : f32
        %parallel_loop3A_741 = vector.broadcast %parallel_loop3A_740 : f32 to vector<16xf32>
        %parallel_loop3A_742 = arith.mulf %parallel_loop3A_739, %parallel_loop3A_741 : vector<16xf32>
        %parallel_loop3A_743 = arith.constant 1.000000e-01 : f32
        %parallel_loop3A_744 = vector.broadcast %parallel_loop3A_743 : f32 to vector<16xf32>
        %parallel_loop3A_745 = arith.addf %parallel_loop3A_742, %parallel_loop3A_744 : vector<16xf32>
        %parallel_loop3A_746 = arith.index_cast %parallel_loop3A_14 : i32 to index
        %parallel_loop3A_747 = arith.constant 80 : index
        %parallel_loop3A_748 = tpu.vector_load %arg8[%parallel_loop3A_746, %parallel_loop3A_747] {strides = array<i32>} : memref<256x128xf32, #tpu.memory_space<vmem>>, vector<16xf32>,
        tpu.vector_store %arg8[%parallel_loop3A_746, %parallel_loop3A_747], %parallel_loop3A_745 {strides = array<i32>} : memref<256x128xf32, #tpu.memory_space<vmem>>, vector<16xf32>,
        %parallel_loop3A_749 = arith.index_cast %parallel_loop3A_14 : i32 to index
        %parallel_loop3A_750 = arith.constant 96 : index
        %parallel_loop3A_751 = tpu.vector_load %arg6[%parallel_loop3A_749, %parallel_loop3A_750] {strides = array<i32>} : memref<256x128xf32, #tpu.memory_space<vmem>>, vector<16xf32>,
        %parallel_loop3A_752 = vector.broadcast %parallel_loop3A_167 : f32 to vector<16xf32>
        %parallel_loop3A_753 = arith.mulf %parallel_loop3A_751, %parallel_loop3A_752 : vector<16xf32>
        %parallel_loop3A_754 = arith.constant 64 : i32
        %parallel_loop3A_755 = vector.broadcast %parallel_loop3A_754 : i32 to vector<16xi32>
        %parallel_loop3A_756 = arith.addi %parallel_loop3A_172, %parallel_loop3A_755 : vector<16xi32>
        %parallel_loop3A_757 = tpu.vector_load_idx %arg7[%parallel_loop3A_756] : memref<32768xf32, #tpu.memory_space<vmem>>[vector<16xi32>], vector<16xf32>,
        %parallel_loop3A_758 = arith.cmpf ole, %parallel_loop3A_757, %parallel_loop3A_753 : vector<16xf32>
        %parallel_loop3A_759 = arith.constant 64 : i32
        %parallel_loop3A_760 = arith.constant 0 : i32
        %parallel_loop3A_761 = vector.broadcast %parallel_loop3A_759 : i32 to vector<16xi32>
        %parallel_loop3A_762 = vector.broadcast %parallel_loop3A_760 : i32 to vector<16xi32>
        %parallel_loop3A_763 = arith.select %parallel_loop3A_758, %parallel_loop3A_761, %parallel_loop3A_762 : vector<16xi1>, vector<16xi32>
        %parallel_loop3A_764 = arith.addi %parallel_loop3A_172, %parallel_loop3A_763 : vector<16xi32>
        %parallel_loop3A_765 = arith.constant 32 : i32
        %parallel_loop3A_766 = vector.broadcast %parallel_loop3A_765 : i32 to vector<16xi32>
        %parallel_loop3A_767 = arith.addi %parallel_loop3A_764, %parallel_loop3A_766 : vector<16xi32>
        %parallel_loop3A_768 = tpu.vector_load_idx %arg7[%parallel_loop3A_767] : memref<32768xf32, #tpu.memory_space<vmem>>[vector<16xi32>], vector<16xf32>,
        %parallel_loop3A_769 = arith.cmpf ole, %parallel_loop3A_768, %parallel_loop3A_753 : vector<16xf32>
        %parallel_loop3A_770 = arith.constant 32 : i32
        %parallel_loop3A_771 = arith.constant 0 : i32
        %parallel_loop3A_772 = vector.broadcast %parallel_loop3A_770 : i32 to vector<16xi32>
        %parallel_loop3A_773 = vector.broadcast %parallel_loop3A_771 : i32 to vector<16xi32>
        %parallel_loop3A_774 = arith.select %parallel_loop3A_769, %parallel_loop3A_772, %parallel_loop3A_773 : vector<16xi1>, vector<16xi32>
        %parallel_loop3A_775 = arith.addi %parallel_loop3A_764, %parallel_loop3A_774 : vector<16xi32>
        %parallel_loop3A_776 = arith.constant 16 : i32
        %parallel_loop3A_777 = vector.broadcast %parallel_loop3A_776 : i32 to vector<16xi32>
        %parallel_loop3A_778 = arith.addi %parallel_loop3A_775, %parallel_loop3A_777 : vector<16xi32>
        %parallel_loop3A_779 = tpu.vector_load_idx %arg7[%parallel_loop3A_778] : memref<32768xf32, #tpu.memory_space<vmem>>[vector<16xi32>], vector<16xf32>,
        %parallel_loop3A_780 = arith.cmpf ole, %parallel_loop3A_779, %parallel_loop3A_753 : vector<16xf32>
        %parallel_loop3A_781 = arith.constant 16 : i32
        %parallel_loop3A_782 = arith.constant 0 : i32
        %parallel_loop3A_783 = vector.broadcast %parallel_loop3A_781 : i32 to vector<16xi32>
        %parallel_loop3A_784 = vector.broadcast %parallel_loop3A_782 : i32 to vector<16xi32>
        %parallel_loop3A_785 = arith.select %parallel_loop3A_780, %parallel_loop3A_783, %parallel_loop3A_784 : vector<16xi1>, vector<16xi32>
        %parallel_loop3A_786 = arith.addi %parallel_loop3A_775, %parallel_loop3A_785 : vector<16xi32>
        %parallel_loop3A_787 = arith.constant 8 : i32
        %parallel_loop3A_788 = vector.broadcast %parallel_loop3A_787 : i32 to vector<16xi32>
        %parallel_loop3A_789 = arith.addi %parallel_loop3A_786, %parallel_loop3A_788 : vector<16xi32>
        %parallel_loop3A_790 = tpu.vector_load_idx %arg7[%parallel_loop3A_789] : memref<32768xf32, #tpu.memory_space<vmem>>[vector<16xi32>], vector<16xf32>,
        %parallel_loop3A_791 = arith.cmpf ole, %parallel_loop3A_790, %parallel_loop3A_753 : vector<16xf32>
        %parallel_loop3A_792 = arith.constant 8 : i32
        %parallel_loop3A_793 = arith.constant 0 : i32
        %parallel_loop3A_794 = vector.broadcast %parallel_loop3A_792 : i32 to vector<16xi32>
        %parallel_loop3A_795 = vector.broadcast %parallel_loop3A_793 : i32 to vector<16xi32>
        %parallel_loop3A_796 = arith.select %parallel_loop3A_791, %parallel_loop3A_794, %parallel_loop3A_795 : vector<16xi1>, vector<16xi32>
        %parallel_loop3A_797 = arith.addi %parallel_loop3A_786, %parallel_loop3A_796 : vector<16xi32>
        %parallel_loop3A_798 = arith.constant 4 : i32
        %parallel_loop3A_799 = vector.broadcast %parallel_loop3A_798 : i32 to vector<16xi32>
        %parallel_loop3A_800 = arith.addi %parallel_loop3A_797, %parallel_loop3A_799 : vector<16xi32>
        %parallel_loop3A_801 = tpu.vector_load_idx %arg7[%parallel_loop3A_800] : memref<32768xf32, #tpu.memory_space<vmem>>[vector<16xi32>], vector<16xf32>,
        %parallel_loop3A_802 = arith.cmpf ole, %parallel_loop3A_801, %parallel_loop3A_753 : vector<16xf32>
        %parallel_loop3A_803 = arith.constant 4 : i32
        %parallel_loop3A_804 = arith.constant 0 : i32
        %parallel_loop3A_805 = vector.broadcast %parallel_loop3A_803 : i32 to vector<16xi32>
        %parallel_loop3A_806 = vector.broadcast %parallel_loop3A_804 : i32 to vector<16xi32>
        %parallel_loop3A_807 = arith.select %parallel_loop3A_802, %parallel_loop3A_805, %parallel_loop3A_806 : vector<16xi1>, vector<16xi32>
        %parallel_loop3A_808 = arith.addi %parallel_loop3A_797, %parallel_loop3A_807 : vector<16xi32>
        %parallel_loop3A_809 = arith.constant 2 : i32
        %parallel_loop3A_810 = vector.broadcast %parallel_loop3A_809 : i32 to vector<16xi32>
        %parallel_loop3A_811 = arith.addi %parallel_loop3A_808, %parallel_loop3A_810 : vector<16xi32>
        %parallel_loop3A_812 = tpu.vector_load_idx %arg7[%parallel_loop3A_811] : memref<32768xf32, #tpu.memory_space<vmem>>[vector<16xi32>], vector<16xf32>,
        %parallel_loop3A_813 = arith.cmpf ole, %parallel_loop3A_812, %parallel_loop3A_753 : vector<16xf32>
        %parallel_loop3A_814 = arith.constant 2 : i32
        %parallel_loop3A_815 = arith.constant 0 : i32
        %parallel_loop3A_816 = vector.broadcast %parallel_loop3A_814 : i32 to vector<16xi32>
        %parallel_loop3A_817 = vector.broadcast %parallel_loop3A_815 : i32 to vector<16xi32>
        %parallel_loop3A_818 = arith.select %parallel_loop3A_813, %parallel_loop3A_816, %parallel_loop3A_817 : vector<16xi1>, vector<16xi32>
        %parallel_loop3A_819 = arith.addi %parallel_loop3A_808, %parallel_loop3A_818 : vector<16xi32>
        %parallel_loop3A_820 = arith.constant 1 : i32
        %parallel_loop3A_821 = vector.broadcast %parallel_loop3A_820 : i32 to vector<16xi32>
        %parallel_loop3A_822 = arith.addi %parallel_loop3A_819, %parallel_loop3A_821 : vector<16xi32>
        %parallel_loop3A_823 = tpu.vector_load_idx %arg7[%parallel_loop3A_822] : memref<32768xf32, #tpu.memory_space<vmem>>[vector<16xi32>], vector<16xf32>,
        %parallel_loop3A_824 = arith.cmpf ole, %parallel_loop3A_823, %parallel_loop3A_753 : vector<16xf32>
        %parallel_loop3A_825 = arith.constant 1 : i32
        %parallel_loop3A_826 = arith.constant 0 : i32
        %parallel_loop3A_827 = vector.broadcast %parallel_loop3A_825 : i32 to vector<16xi32>
        %parallel_loop3A_828 = vector.broadcast %parallel_loop3A_826 : i32 to vector<16xi32>
        %parallel_loop3A_829 = arith.select %parallel_loop3A_824, %parallel_loop3A_827, %parallel_loop3A_828 : vector<16xi1>, vector<16xi32>
        %parallel_loop3A_830 = arith.addi %parallel_loop3A_819, %parallel_loop3A_829 : vector<16xi32>
        %parallel_loop3A_831 = arith.subi %parallel_loop3A_830, %parallel_loop3A_172 : vector<16xi32>
        %parallel_loop3A_832 = arith.constant 127 : i32
        %parallel_loop3A_833 = vector.broadcast %parallel_loop3A_832 : i32 to vector<16xi32>
        %parallel_loop3A_834 = arith.minsi %parallel_loop3A_831, %parallel_loop3A_833 : vector<16xi32>
        %parallel_loop3A_835 = arith.sitofp %parallel_loop3A_834 : vector<16xi32> to vector<16xf32>
        %parallel_loop3A_836 = arith.constant 0.0464566946 : f32
        %parallel_loop3A_837 = vector.broadcast %parallel_loop3A_836 : f32 to vector<16xf32>
        %parallel_loop3A_838 = arith.mulf %parallel_loop3A_835, %parallel_loop3A_837 : vector<16xf32>
        %parallel_loop3A_839 = arith.constant 1.000000e-01 : f32
        %parallel_loop3A_840 = vector.broadcast %parallel_loop3A_839 : f32 to vector<16xf32>
        %parallel_loop3A_841 = arith.addf %parallel_loop3A_838, %parallel_loop3A_840 : vector<16xf32>
        %parallel_loop3A_842 = arith.index_cast %parallel_loop3A_14 : i32 to index
        %parallel_loop3A_843 = arith.constant 96 : index
        %parallel_loop3A_844 = tpu.vector_load %arg8[%parallel_loop3A_842, %parallel_loop3A_843] {strides = array<i32>} : memref<256x128xf32, #tpu.memory_space<vmem>>, vector<16xf32>,
        tpu.vector_store %arg8[%parallel_loop3A_842, %parallel_loop3A_843], %parallel_loop3A_841 {strides = array<i32>} : memref<256x128xf32, #tpu.memory_space<vmem>>, vector<16xf32>,
        %parallel_loop3A_845 = arith.index_cast %parallel_loop3A_14 : i32 to index
        %parallel_loop3A_846 = arith.constant 112 : index
        %parallel_loop3A_847 = tpu.vector_load %arg6[%parallel_loop3A_845, %parallel_loop3A_846] {strides = array<i32>} : memref<256x128xf32, #tpu.memory_space<vmem>>, vector<16xf32>,
        %parallel_loop3A_848 = vector.broadcast %parallel_loop3A_167 : f32 to vector<16xf32>
        %parallel_loop3A_849 = arith.mulf %parallel_loop3A_847, %parallel_loop3A_848 : vector<16xf32>
        %parallel_loop3A_850 = arith.constant 64 : i32
        %parallel_loop3A_851 = vector.broadcast %parallel_loop3A_850 : i32 to vector<16xi32>
        %parallel_loop3A_852 = arith.addi %parallel_loop3A_172, %parallel_loop3A_851 : vector<16xi32>
        %parallel_loop3A_853 = tpu.vector_load_idx %arg7[%parallel_loop3A_852] : memref<32768xf32, #tpu.memory_space<vmem>>[vector<16xi32>], vector<16xf32>,
        %parallel_loop3A_854 = arith.cmpf ole, %parallel_loop3A_853, %parallel_loop3A_849 : vector<16xf32>
        %parallel_loop3A_855 = arith.constant 64 : i32
        %parallel_loop3A_856 = arith.constant 0 : i32
        %parallel_loop3A_857 = vector.broadcast %parallel_loop3A_855 : i32 to vector<16xi32>
        %parallel_loop3A_858 = vector.broadcast %parallel_loop3A_856 : i32 to vector<16xi32>
        %parallel_loop3A_859 = arith.select %parallel_loop3A_854, %parallel_loop3A_857, %parallel_loop3A_858 : vector<16xi1>, vector<16xi32>
        %parallel_loop3A_860 = arith.addi %parallel_loop3A_172, %parallel_loop3A_859 : vector<16xi32>
        %parallel_loop3A_861 = arith.constant 32 : i32
        %parallel_loop3A_862 = vector.broadcast %parallel_loop3A_861 : i32 to vector<16xi32>
        %parallel_loop3A_863 = arith.addi %parallel_loop3A_860, %parallel_loop3A_862 : vector<16xi32>
        %parallel_loop3A_864 = tpu.vector_load_idx %arg7[%parallel_loop3A_863] : memref<32768xf32, #tpu.memory_space<vmem>>[vector<16xi32>], vector<16xf32>,
        %parallel_loop3A_865 = arith.cmpf ole, %parallel_loop3A_864, %parallel_loop3A_849 : vector<16xf32>
        %parallel_loop3A_866 = arith.constant 32 : i32
        %parallel_loop3A_867 = arith.constant 0 : i32
        %parallel_loop3A_868 = vector.broadcast %parallel_loop3A_866 : i32 to vector<16xi32>
        %parallel_loop3A_869 = vector.broadcast %parallel_loop3A_867 : i32 to vector<16xi32>
        %parallel_loop3A_870 = arith.select %parallel_loop3A_865, %parallel_loop3A_868, %parallel_loop3A_869 : vector<16xi1>, vector<16xi32>
        %parallel_loop3A_871 = arith.addi %parallel_loop3A_860, %parallel_loop3A_870 : vector<16xi32>
        %parallel_loop3A_872 = arith.constant 16 : i32
        %parallel_loop3A_873 = vector.broadcast %parallel_loop3A_872 : i32 to vector<16xi32>
        %parallel_loop3A_874 = arith.addi %parallel_loop3A_871, %parallel_loop3A_873 : vector<16xi32>
        %parallel_loop3A_875 = tpu.vector_load_idx %arg7[%parallel_loop3A_874] : memref<32768xf32, #tpu.memory_space<vmem>>[vector<16xi32>], vector<16xf32>,
        %parallel_loop3A_876 = arith.cmpf ole, %parallel_loop3A_875, %parallel_loop3A_849 : vector<16xf32>
        %parallel_loop3A_877 = arith.constant 16 : i32
        %parallel_loop3A_878 = arith.constant 0 : i32
        %parallel_loop3A_879 = vector.broadcast %parallel_loop3A_877 : i32 to vector<16xi32>
        %parallel_loop3A_880 = vector.broadcast %parallel_loop3A_878 : i32 to vector<16xi32>
        %parallel_loop3A_881 = arith.select %parallel_loop3A_876, %parallel_loop3A_879, %parallel_loop3A_880 : vector<16xi1>, vector<16xi32>
        %parallel_loop3A_882 = arith.addi %parallel_loop3A_871, %parallel_loop3A_881 : vector<16xi32>
        %parallel_loop3A_883 = arith.constant 8 : i32
        %parallel_loop3A_884 = vector.broadcast %parallel_loop3A_883 : i32 to vector<16xi32>
        %parallel_loop3A_885 = arith.addi %parallel_loop3A_882, %parallel_loop3A_884 : vector<16xi32>
        %parallel_loop3A_886 = tpu.vector_load_idx %arg7[%parallel_loop3A_885] : memref<32768xf32, #tpu.memory_space<vmem>>[vector<16xi32>], vector<16xf32>,
        %parallel_loop3A_887 = arith.cmpf ole, %parallel_loop3A_886, %parallel_loop3A_849 : vector<16xf32>
        %parallel_loop3A_888 = arith.constant 8 : i32
        %parallel_loop3A_889 = arith.constant 0 : i32
        %parallel_loop3A_890 = vector.broadcast %parallel_loop3A_888 : i32 to vector<16xi32>
        %parallel_loop3A_891 = vector.broadcast %parallel_loop3A_889 : i32 to vector<16xi32>
        %parallel_loop3A_892 = arith.select %parallel_loop3A_887, %parallel_loop3A_890, %parallel_loop3A_891 : vector<16xi1>, vector<16xi32>
        %parallel_loop3A_893 = arith.addi %parallel_loop3A_882, %parallel_loop3A_892 : vector<16xi32>
        %parallel_loop3A_894 = arith.constant 4 : i32
        %parallel_loop3A_895 = vector.broadcast %parallel_loop3A_894 : i32 to vector<16xi32>
        %parallel_loop3A_896 = arith.addi %parallel_loop3A_893, %parallel_loop3A_895 : vector<16xi32>
        %parallel_loop3A_897 = tpu.vector_load_idx %arg7[%parallel_loop3A_896] : memref<32768xf32, #tpu.memory_space<vmem>>[vector<16xi32>], vector<16xf32>,
        %parallel_loop3A_898 = arith.cmpf ole, %parallel_loop3A_897, %parallel_loop3A_849 : vector<16xf32>
        %parallel_loop3A_899 = arith.constant 4 : i32
        %parallel_loop3A_900 = arith.constant 0 : i32
        %parallel_loop3A_901 = vector.broadcast %parallel_loop3A_899 : i32 to vector<16xi32>
        %parallel_loop3A_902 = vector.broadcast %parallel_loop3A_900 : i32 to vector<16xi32>
        %parallel_loop3A_903 = arith.select %parallel_loop3A_898, %parallel_loop3A_901, %parallel_loop3A_902 : vector<16xi1>, vector<16xi32>
        %parallel_loop3A_904 = arith.addi %parallel_loop3A_893, %parallel_loop3A_903 : vector<16xi32>
        %parallel_loop3A_905 = arith.constant 2 : i32
        %parallel_loop3A_906 = vector.broadcast %parallel_loop3A_905 : i32 to vector<16xi32>
        %parallel_loop3A_907 = arith.addi %parallel_loop3A_904, %parallel_loop3A_906 : vector<16xi32>
        %parallel_loop3A_908 = tpu.vector_load_idx %arg7[%parallel_loop3A_907] : memref<32768xf32, #tpu.memory_space<vmem>>[vector<16xi32>], vector<16xf32>,
        %parallel_loop3A_909 = arith.cmpf ole, %parallel_loop3A_908, %parallel_loop3A_849 : vector<16xf32>
        %parallel_loop3A_910 = arith.constant 2 : i32
        %parallel_loop3A_911 = arith.constant 0 : i32
        %parallel_loop3A_912 = vector.broadcast %parallel_loop3A_910 : i32 to vector<16xi32>
        %parallel_loop3A_913 = vector.broadcast %parallel_loop3A_911 : i32 to vector<16xi32>
        %parallel_loop3A_914 = arith.select %parallel_loop3A_909, %parallel_loop3A_912, %parallel_loop3A_913 : vector<16xi1>, vector<16xi32>
        %parallel_loop3A_915 = arith.addi %parallel_loop3A_904, %parallel_loop3A_914 : vector<16xi32>
        %parallel_loop3A_916 = arith.constant 1 : i32
        %parallel_loop3A_917 = vector.broadcast %parallel_loop3A_916 : i32 to vector<16xi32>
        %parallel_loop3A_918 = arith.addi %parallel_loop3A_915, %parallel_loop3A_917 : vector<16xi32>
        %parallel_loop3A_919 = tpu.vector_load_idx %arg7[%parallel_loop3A_918] : memref<32768xf32, #tpu.memory_space<vmem>>[vector<16xi32>], vector<16xf32>,
        %parallel_loop3A_920 = arith.cmpf ole, %parallel_loop3A_919, %parallel_loop3A_849 : vector<16xf32>
        %parallel_loop3A_921 = arith.constant 1 : i32
        %parallel_loop3A_922 = arith.constant 0 : i32
        %parallel_loop3A_923 = vector.broadcast %parallel_loop3A_921 : i32 to vector<16xi32>
        %parallel_loop3A_924 = vector.broadcast %parallel_loop3A_922 : i32 to vector<16xi32>
        %parallel_loop3A_925 = arith.select %parallel_loop3A_920, %parallel_loop3A_923, %parallel_loop3A_924 : vector<16xi1>, vector<16xi32>
        %parallel_loop3A_926 = arith.addi %parallel_loop3A_915, %parallel_loop3A_925 : vector<16xi32>
        %parallel_loop3A_927 = arith.subi %parallel_loop3A_926, %parallel_loop3A_172 : vector<16xi32>
        %parallel_loop3A_928 = arith.constant 127 : i32
        %parallel_loop3A_929 = vector.broadcast %parallel_loop3A_928 : i32 to vector<16xi32>
        %parallel_loop3A_930 = arith.minsi %parallel_loop3A_927, %parallel_loop3A_929 : vector<16xi32>
        %parallel_loop3A_931 = arith.sitofp %parallel_loop3A_930 : vector<16xi32> to vector<16xf32>
        %parallel_loop3A_932 = arith.constant 0.0464566946 : f32
        %parallel_loop3A_933 = vector.broadcast %parallel_loop3A_932 : f32 to vector<16xf32>
        %parallel_loop3A_934 = arith.mulf %parallel_loop3A_931, %parallel_loop3A_933 : vector<16xf32>
        %parallel_loop3A_935 = arith.constant 1.000000e-01 : f32
        %parallel_loop3A_936 = vector.broadcast %parallel_loop3A_935 : f32 to vector<16xf32>
        %parallel_loop3A_937 = arith.addf %parallel_loop3A_934, %parallel_loop3A_936 : vector<16xf32>
        %parallel_loop3A_938 = arith.index_cast %parallel_loop3A_14 : i32 to index
        %parallel_loop3A_939 = arith.constant 112 : index
        %parallel_loop3A_940 = tpu.vector_load %arg8[%parallel_loop3A_938, %parallel_loop3A_939] {strides = array<i32>} : memref<256x128xf32, #tpu.memory_space<vmem>>, vector<16xf32>,
        tpu.vector_store %arg8[%parallel_loop3A_938, %parallel_loop3A_939], %parallel_loop3A_937 {strides = array<i32>} : memref<256x128xf32, #tpu.memory_space<vmem>>, vector<16xf32>,
      } {sc.loop_unroll_factor = 8 : i64, sc.parallel_access}
      "tpu.region"() ({
        %run_scoped3A = tpu.sem_alloc : memref<!tpu.dma_semaphore, #tpu.memory_space<semaphore_mem>>
        %dma_start3A = arith.constant 0 : i32
        %dma_start3A_14 = tpu.memref_slice %arg4[%add3A_11, %dma_start3A] : memref<65536x128xf32, #tpu.memory_space<hbm>> -> memref<256x128xf32, #tpu.memory_space<hbm>>
        %dma_start3A_15 = arith.constant 0 : i32
        %dma_start3A_16 = tpu.memref_slice %arg4[%add3A_11, %dma_start3A_15] : memref<65536x128xf32, #tpu.memory_space<hbm>> -> memref<256x128xf32, #tpu.memory_space<hbm>>
        tpu.enqueue_dma source(%arg8 : memref<256x128xf32, #tpu.memory_space<vmem>>) target(%dma_start3A_16 : memref<256x128xf32, #tpu.memory_space<hbm>>) target_semaphore(%run_scoped3A : memref<!tpu.dma_semaphore, #tpu.memory_space<semaphore_mem>>)
        %dma_wait3A = arith.constant 0 : i32
        %dma_wait3A_17 = tpu.memref_slice %arg4[%add3A_11, %dma_wait3A] : memref<65536x128xf32, #tpu.memory_space<hbm>> -> memref<256x128xf32, #tpu.memory_space<hbm>>
        %dma_wait3A_18 = arith.constant 0 : i32
        %dma_wait3A_19 = tpu.memref_slice %arg4[%add3A_11, %dma_wait3A_18] : memref<65536x128xf32, #tpu.memory_space<hbm>> -> memref<256x128xf32, #tpu.memory_space<hbm>>
        tpu.wait_dma2 semaphore(%run_scoped3A : memref<!tpu.dma_semaphore, #tpu.memory_space<semaphore_mem>>) src(%arg8 : memref<256x128xf32, #tpu.memory_space<vmem>>) dst(%dma_wait3A_19 : memref<256x128xf32, #tpu.memory_space<hbm>>)
        tpu.yield
      }) : () -> ()
    }
    %scan3A_7 = arith.constant 8 : i32
    return
  }
}

module attributes {stable_mosaic.version = 14 : i64} {
  func.func @_tc_body(%arg0: i32, %arg1: memref<4096x128xf32, #tpu.memory_space<vmem>>, %arg2: memref<4096x3xf32, #tpu.memory_space<vmem>>, %arg3: memref<4096x3xf32, #tpu.memory_space<vmem>>, %arg4: memref<3x384xf32, #tpu.memory_space<vmem>>, %arg5: memref<3x4096x128xf32, #tpu.memory_space<vmem>>) attributes {dimension_semantics = [#tpu.dimension_semantics<parallel>], iteration_bounds = array<i64: 16>, scalar_prefetch = 0 : i64, scratch_operands = 0 : i64, tpu.core_type = #tpu.core_type<tc>, window_params = [{transform_indices = @transform_0, window_bounds = array<i64: 4096, 128>}, {transform_indices = @transform_1, window_bounds = array<i64: 4096, 3>}, {transform_indices = @transform_2, window_bounds = array<i64: 4096, 3>}, {pipeline_mode = #tpu.pipeline_mode<synchronous>, transform_indices = @transform_3, window_bounds = array<i64: 3, 384>}, {transform_indices = @transform_4, window_bounds = array<i64: 3, 4096, 128>}]} {
    %get3A = arith.constant 0 : index
    %get3A_0 = arith.constant 0 : index
    %get3A_1 = vector.load %arg1[%get3A, %get3A_0] : memref<4096x128xf32, #tpu.memory_space<vmem>>, vector<4096x128xf32>
    %get3A_2 = arith.constant 0 : index
    %get3A_3 = arith.constant 0 : index
    %get3A_4 = vector.load %arg2[%get3A_2, %get3A_3] : memref<4096x3xf32, #tpu.memory_space<vmem>>, vector<4096x3xf32>
    %get3A_5 = arith.constant 0 : index
    %get3A_6 = arith.constant 0 : index
    %get3A_7 = vector.load %arg4[%get3A_5, %get3A_6] : memref<3x384xf32, #tpu.memory_space<vmem>>, vector<3x384xf32>
    %dot_general3A = arith.constant dense<0.000000e+00> : vector<4096x384xf32>
    %dot_general3A_8 = tpu.matmul %get3A_4, %get3A_7, %dot_general3A {dimension_numbers = #tpu.dot_dimension_numbers<[1], [0], [0], [1], [0, 0, 1, 1], [], []>, transpose_lhs_hint = false} : vector<4096x3xf32>, vector<3x384xf32>, vector<4096x384xf32> -> vector<4096x384xf32>
    %get3A_9 = arith.constant 0 : index
    %get3A_10 = arith.constant 0 : index
    %get3A_11 = vector.load %arg3[%get3A_9, %get3A_10] : memref<4096x3xf32, #tpu.memory_space<vmem>>, vector<4096x3xf32>
    %get3A_12 = arith.constant 0 : index
    %get3A_13 = arith.constant 0 : index
    %get3A_14 = vector.load %arg4[%get3A_12, %get3A_13] : memref<3x384xf32, #tpu.memory_space<vmem>>, vector<3x384xf32>
    %dot_general3A_15 = arith.constant dense<0.000000e+00> : vector<4096x384xf32>
    %dot_general3A_16 = tpu.matmul %get3A_11, %get3A_14, %dot_general3A_15 {dimension_numbers = #tpu.dot_dimension_numbers<[1], [0], [0], [1], [0, 0, 1, 1], [], []>, transpose_lhs_hint = false} : vector<4096x3xf32>, vector<3x384xf32>, vector<4096x384xf32> -> vector<4096x384xf32>
    %slice3A = vector.extract_strided_slice %dot_general3A_8 {offsets = [0, 0], sizes = [4096, 128], strides = [1, 1]} : vector<4096x384xf32> to vector<4096x128xf32>
    %slice3A_17 = vector.extract_strided_slice %dot_general3A_16 {offsets = [0, 0], sizes = [4096, 128], strides = [1, 1]} : vector<4096x384xf32> to vector<4096x128xf32>
    %mul3A = arith.mulf %get3A_1, %slice3A_17 : vector<4096x128xf32>
    %add3A = arith.addf %slice3A, %mul3A : vector<4096x128xf32>
    %swap3A = arith.constant 0 : index
    %swap3A_18 = arith.constant 0 : index
    %swap3A_19 = arith.constant 0 : index
    %swap3A_20 = vector.load %arg5[%swap3A, %swap3A_18, %swap3A_19] : memref<3x4096x128xf32, #tpu.memory_space<vmem>>, vector<1x4096x128xf32>
    %swap3A_21 = vector.shape_cast %swap3A_20 : vector<1x4096x128xf32> to vector<4096x128xf32>
    %swap3A_22 = vector.shape_cast %add3A : vector<4096x128xf32> to vector<1x4096x128xf32>
    tpu.vector_store %arg5[%swap3A, %swap3A_18, %swap3A_19], %swap3A_22 {strides = array<i32>} : memref<3x4096x128xf32, #tpu.memory_space<vmem>>, vector<1x4096x128xf32>,
    %slice3A_23 = vector.extract_strided_slice %dot_general3A_8 {offsets = [0, 128], sizes = [4096, 128], strides = [1, 1]} : vector<4096x384xf32> to vector<4096x128xf32>
    %slice3A_24 = vector.extract_strided_slice %dot_general3A_16 {offsets = [0, 128], sizes = [4096, 128], strides = [1, 1]} : vector<4096x384xf32> to vector<4096x128xf32>
    %mul3A_25 = arith.mulf %get3A_1, %slice3A_24 : vector<4096x128xf32>
    %add3A_26 = arith.addf %slice3A_23, %mul3A_25 : vector<4096x128xf32>
    %swap3A_27 = arith.constant 1 : index
    %swap3A_28 = arith.constant 0 : index
    %swap3A_29 = arith.constant 0 : index
    %swap3A_30 = vector.load %arg5[%swap3A_27, %swap3A_28, %swap3A_29] : memref<3x4096x128xf32, #tpu.memory_space<vmem>>, vector<1x4096x128xf32>
    %swap3A_31 = vector.shape_cast %swap3A_30 : vector<1x4096x128xf32> to vector<4096x128xf32>
    %swap3A_32 = vector.shape_cast %add3A_26 : vector<4096x128xf32> to vector<1x4096x128xf32>
    tpu.vector_store %arg5[%swap3A_27, %swap3A_28, %swap3A_29], %swap3A_32 {strides = array<i32>} : memref<3x4096x128xf32, #tpu.memory_space<vmem>>, vector<1x4096x128xf32>,
    %slice3A_33 = vector.extract_strided_slice %dot_general3A_8 {offsets = [0, 256], sizes = [4096, 128], strides = [1, 1]} : vector<4096x384xf32> to vector<4096x128xf32>
    %slice3A_34 = vector.extract_strided_slice %dot_general3A_16 {offsets = [0, 256], sizes = [4096, 128], strides = [1, 1]} : vector<4096x384xf32> to vector<4096x128xf32>
    %mul3A_35 = arith.mulf %get3A_1, %slice3A_34 : vector<4096x128xf32>
    %add3A_36 = arith.addf %slice3A_33, %mul3A_35 : vector<4096x128xf32>
    %swap3A_37 = arith.constant 2 : index
    %swap3A_38 = arith.constant 0 : index
    %swap3A_39 = arith.constant 0 : index
    %swap3A_40 = vector.load %arg5[%swap3A_37, %swap3A_38, %swap3A_39] : memref<3x4096x128xf32, #tpu.memory_space<vmem>>, vector<1x4096x128xf32>
    %swap3A_41 = vector.shape_cast %swap3A_40 : vector<1x4096x128xf32> to vector<4096x128xf32>
    %swap3A_42 = vector.shape_cast %add3A_36 : vector<4096x128xf32> to vector<1x4096x128xf32>
    tpu.vector_store %arg5[%swap3A_37, %swap3A_38, %swap3A_39], %swap3A_42 {strides = array<i32>} : memref<3x4096x128xf32, #tpu.memory_space<vmem>>, vector<1x4096x128xf32>,
    return
  }
  func.func @transform_0(%arg0: i32) -> (i32, i32) {
    %c0_i32 = arith.constant 0 : i32
    %c0_i32_0 = arith.constant 0 : i32
    return %arg0, %c0_i32 : i32, i32
  }
  func.func @transform_1(%arg0: i32) -> (i32, i32) {
    %c0_i32 = arith.constant 0 : i32
    %c0_i32_0 = arith.constant 0 : i32
    return %arg0, %c0_i32 : i32, i32
  }
  func.func @transform_2(%arg0: i32) -> (i32, i32) {
    %c0_i32 = arith.constant 0 : i32
    %c0_i32_0 = arith.constant 0 : i32
    return %arg0, %c0_i32 : i32, i32
  }
  func.func @transform_3(%arg0: i32) -> (i32, i32) {
    %c0_i32 = arith.constant 0 : i32
    %c0_i32_0 = arith.constant 0 : i32
    %c0_i32_1 = arith.constant 0 : i32
    return %c0_i32, %c0_i32_0 : i32, i32
  }
  func.func @transform_4(%arg0: i32) -> (i32, i32, i32) {
    %c0_i32 = arith.constant 0 : i32
    %c0_i32_0 = arith.constant 0 : i32
    %c0_i32_1 = arith.constant 0 : i32
    return %c0_i32, %arg0, %c0_i32_0 : i32, i32, i32
  }
}

</mosaic_0001>

<sc_bundles>
// kernel: kernel.4.cloned.1.call-start
scs
__scs_entry_jumppad:
0x0: {  	(pc) =	sbr.rel $0x88, $3  }
0x1: {  	(tag) =	ssettag $0x0;
	lr =	simm.s32 $0x1  }
0x2: {  	[smem:$0x3F9E] =	sst lr;
	_ =	strace $0xD0000000  }
0x3: {  	_ = 	snop  }
0x4: {  	_ = 	snop  }
0x5: {  	_ = 	snop  }
0x6: {  	_ = 	snop  }
0x7: {  	_ = 	snop  }
__scs_overlays_trampoline_lowered:
0x8: {  	[smem:$0x3FAD] =	sst s0  }
0x9: {  	[smem:$0x3FAE] =	sst s1  }
0xa: {  	[smem:$0x3FAF] =	sst s2  }
0xb: {  	[smem:$0x3FB0] =	sst s3  }
0xc: {  	[smem:$0x3FB1] =	sst s4  }
0xd: {  	[smem:$0x3FB2] =	sst s5  }
0xe: {  	[smem:$0x3FB3] =	sst s6  }
0xf: {  	[smem:$0x3FB4] =	sst s7  }
0x10: {  	[smem:$0x3FB5] =	sst s8  }
0x11: {  	[smem:$0x3FB6] =	sst s9;
	s0 =	simm.s32 @!p0 $0x0  }
0x12: {  	s1 =	sld [smem:$0x3F9C];
	s0 =	simm.s32 @p0 $0x1  }
0x13: {  	[smem:$0x3FB7] =	sst s0;
	s0 =	simm.s32 @!p1 $0x0  }
0x14: {  	s2 =	sld [smem:$0x3F9B];
	s0 =	simm.s32 @p1 $0x1  }
0x15: {  	[smem:$0x3FB8] =	sst s0;
	s0 =	simm.s32 @!p2 $0x0  }
0x16: {  	s3 =	sld [smem:$0x3FDB];
	s0 =	simm.s32 @p2 $0x1  }
0x17: {  	s4 =	simm.s32 $0x1BF5;
	[smem:$0x3FBA] =	sst s0  }
0x18: {  	s0 =	sld [smem:$0x3F9D];
	_ =	swait.ge [sflag:s4], $0x0  }
0x19: {  	s7 =	sld [smem:$0x3F9E]  }
0x1a: {  	s8 =	sadd.s32 $0xFFFFE003, lr  }
0x1b: {  	s9 =	sadd.s32 $0xFFFFFEF7, lr;
	s5 =	simm.s32 $0xFFFFFFFF;
	p2 =	slt.u32 s8, $0xFFFFF086  }
0x1c: {  	p1 =	slt.u32 s9, $0xF7A;
	s5 =	simm.s32 @!p2 $0x0  }
0x1d: {  	s5 =	simm.s32 @p1 $0x1;
	p0 =	seq.s32 s7, s2  }
0x1e: {  	s7 =	smul.u32 @!p0 $0xF7A, s2;
	p2 =	seq.s32 @!p0 s5, $0x0  }
0x1f: {  	s9 =	smul.u32 $0xF7A, s1;
	s8 =	simm.s32 @!p0 $0x1BF5;
	p2 =	por !p2, p0  }
0x20: {  	[sflag:s8] =	ssyncset.s32 @!p0 $0xFFFFF086;
	s6 =	sadd.s32 @!p0 s3, s7;
	s7 =	simm.s32 @!p0 $0x108  }
0x21: {  	s3 =	sadd.s32 s3, s9;
	s6 =	sadd.s32 @!p0 $0x88, s6;
	s7 =	simm.s32 @p2 $0x1082  }
0x22: {  	[simem:s7], [sflag:s8] =	dma.local @!p0 [hbm:s6], $0xF7A  }
0x23: {  	s9 =	sor.u32 $0xD0000000, s2;
	s6 =	simm.s32 $0x108;
	_ =	swait.ge @!p0 [sflag:s8], $0x0  }
0x24: {  	s3 =	sadd.s32 $0x88, s3;
	s6 =	simm.s32 @!p1 $0x1082;
	[sflag:s4] =	ssyncset.s32 $0xFFFFF086  }
0x25: {  	[simem:s6], [sflag:s4] =	dma.local [hbm:s3], $0xF7A  }
0x26: {  	[smem:$0x3F9E] =	sst s1;
	(tag) =	ssettag s2;
	_ =	strace s9  }
0x27: {  	s1 =	sld [smem:$0x3FAE]  }
0x28: {  	s2 =	sld [smem:$0x3FAF]  }
0x29: {  	s4 =	sld [smem:$0x3FB1]  }
0x2a: {  	p0 =	seq.s32 s5, $0x0;
	s5 =	sld [smem:$0x3FB2]  }
0x2b: {  	s6 =	sld [smem:$0x3FB3]  }
0x2c: {  	s7 =	sld [smem:$0x3FB4]  }
0x2d: {  	s3 =	simm.s32 $0x108;
	s8 =	sld [smem:$0x3FB5]  }
0x2e: {  	s3 =	simm.s32 @!p0 $0x1082;
	s9 =	sld [smem:$0x3FB6]  }
0x2f: {  	lr =	sadd.s32 s0, s3;
	s0 =	sld [smem:$0x3FAD]  }
0x30: {  	s3 =	sld [smem:$0x3FB0]  }
0x31: {  	[smem:$0x3FB9] =	sst s10  }
0x32: {  	s10 =	sld [smem:$0x3FB7];
	_ =	sdelay $0x3  }
0x33: {  	p0 =	seq.s32 s10, $0x1;
	s10 =	sld [smem:$0x3FB9];
	_ =	sdelay $0x3  }
0x34: {  	[smem:$0x3FB9] =	sst s10  }
0x35: {  	s10 =	sld [smem:$0x3FB8];
	_ =	sdelay $0x3  }
0x36: {  	p1 =	seq.s32 s10, $0x1;
	s10 =	sld [smem:$0x3FB9];
	_ =	sdelay $0x3  }
0x37: {  	[smem:$0x3FB9] =	sst s10  }
0x38: {  	s10 =	sld [smem:$0x3FBA]  }
0x39: {  	_ = 	snop;
	(pc) =	sbr.ind lr, $3  }
0x3a: {  	_ = 	snop  }
0x3b: {  	_ = 	snop  }
0x3c: {  	p2 =	seq.s32 s10, $0x1;
	s10 =	sld [smem:$0x3FB9]  }
0x3d: {  	_ =	shalt  }
0x3e: {  	_ =	shalt  }
0x3f: {  	_ =	shalt  }
0x40: {  	_ =	shalt  }
0x41: {  	_ =	shalt  }
0x42: {  	_ =	shalt  }
0x43: {  	_ =	shalt  }
0x44: {  	_ =	shalt  }
0x45: {  	_ =	shalt  }
0x46: {  	_ =	shalt  }
0x47: {  	_ =	shalt  }
0x48: {  	_ =	shalt  }
0x49: {  	_ =	shalt  }
0x4a: {  	_ =	shalt  }
0x4b: {  	_ =	shalt  }
0x4c: {  	_ =	shalt  }
0x4d: {  	_ =	shalt  }
0x4e: {  	_ =	shalt  }
0x4f: {  	_ =	shalt  }
0x50: {  	_ =	shalt  }
0x51: {  	_ =	shalt  }
0x52: {  	_ =	shalt  }
0x53: {  	_ =	shalt  }
0x54: {  	_ =	shalt  }
0x55: {  	_ =	shalt  }
0x56: {  	_ =	shalt  }
0x57: {  	_ =	shalt  }
0x58: {  	_ =	shalt  }
0x59: {  	_ =	shalt  }
0x5a: {  	_ =	shalt  }
0x5b: {  	_ =	shalt  }
0x5c: {  	_ =	shalt  }
0x5d: {  	_ =	shalt  }
0x5e: {  	_ =	shalt  }
0x5f: {  	_ =	shalt  }
0x60: {  	_ =	shalt  }
0x61: {  	_ =	shalt  }
0x62: {  	_ =	shalt  }
0x63: {  	_ =	shalt  }
0x64: {  	_ =	shalt  }
0x65: {  	_ =	shalt  }
0x66: {  	_ =	shalt  }
0x67: {  	_ =	shalt  }
0x68: {  	_ =	shalt  }
0x69: {  	_ =	shalt  }
0x6a: {  	_ =	shalt  }
0x6b: {  	_ =	shalt  }
0x6c: {  	_ =	shalt  }
0x6d: {  	_ =	shalt  }
0x6e: {  	_ =	shalt  }
0x6f: {  	_ =	shalt  }
0x70: {  	_ =	shalt  }
0x71: {  	_ =	shalt  }
0x72: {  	_ =	shalt  }
0x73: {  	_ =	shalt  }
0x74: {  	_ =	shalt  }
0x75: {  	_ =	shalt  }
0x76: {  	_ =	shalt  }
0x77: {  	_ =	shalt  }
0x78: {  	_ =	shalt  }
0x79: {  	_ =	shalt  }
0x7a: {  	_ =	shalt  }
0x7b: {  	_ =	shalt  }
0x7c: {  	_ =	shalt  }
0x7d: {  	_ =	shalt  }
0x7e: {  	_ =	shalt  }
0x7f: {  	_ =	shalt  }
0x80: {  	_ =	shalt  }
0x81: {  	_ =	shalt  }
0x82: {  	_ =	shalt  }
0x83: {  	_ =	shalt  }
0x84: {  	_ =	shalt  }
0x85: {  	_ =	shalt  }
0x86: {  	_ =	shalt  }
0x87: {  	_ =	shalt  }
.Lfunc_end0:
.L_simem_size_0:
called_computation_lowered:
.L_overlay_start_0:
0x88: {  	s2 =	sld [smem:$0x3FD9]  }
0x89: {  	s3 =	sld [smem:$0x3FFE];
	_ =	sdelay $0x1  }
0x8a: {  	s1 =	srdreg.scid  }
0x8b: {  	s0 =	sand.u32 $0x1, s1  }
0x8c: {  	s15 =	sshll.u32 s0, $0xA;
	s2 =	sadd.s32 s3, s2  }
0x8d: {  	s2 =	sadd.s32 s2, s15  }
0x8e: {  	[smem:$0x3FC5] =	sst s2  }
0x8f: {  	_ = 	snop  }
0x90: {  	s2 =	sld [smem:$0x3FD0];
	_ =	sdelay $0x2  }
0x91: {  	s4 =	simm.s32 $0xA;
	s5 =	simm.s32 $0x10;
	s16 =	sld [smem:$0x3FC7]  }
0x92: {  	[smem:s5], [sflag:s4] =	dma.local [hbm:s2], $0x1  }
0x93: {  	_ =	swait.eq [sflag:s4], $0x1  }
0x94: {  	[sflag:s4] =	ssyncset.done $0x0  }
0x95: {  	s17 =	sld [smem:$0x10];
	[sflag:s4] =	ssyncadd.s32 $0xFFFFFFFF  }
0x96: {  	s18 =	sld [smem:$0x11];
	(tm) =	ssettm $0x1  }
0x97: {  	s19 =	sld [smem:$0x3FFB];
	_ =	sdelay $0x3  }
0x98: {  	_ =	strace s19  }
0x99: {  	s5 =	sld [smem:$0x3FFC];
	_ =	sdelay $0x3  }
0x9a: {  	_ =	strace s5  }
0x9b: {  	s5 =	sld [smem:$0x3FFD];
	_ =	sdelay $0x3  }
0x9c: {  	_ =	strace s5  }
0x9d: {  	_ =	strace $0x8FFFFFFF  }
0x9e: {  	s20 =	sld [smem:$0x3FDB];
	_ =	sdelay $0x1  }
0x9f: {  	s6 =	simm.s32 $_scs_section_size  }
0xa0: {  	s7 =	simm.s32 $_size__tile_overlayer_lowered;
	s8 =	simm.s32 $_tile_overlayer_lowered  }
0xa1: {  	s23 =	simm.s32 $0x1BFF;
	s22 =	sshll.u32 s8, $0x1;
	s5 =	sadd.s32 s6, s20  }
0xa2: {  	s9 =	simm.s32 $0x0;
	s21 =	sshll.u32 s7, $0x1;
	s7 =	sadd.s32 s22, s5  }
0xa3: {  	[timem:s9], [sflag:s23] =	dma.local [hbm:s7], s21  }
0xa4: {  	_ =	swait.ge [sflag:s23], s21  }
0xa5: {  	s6 =	ssub.s32 $0x0, s21;
	[sflag:s23] =	ssyncset.done $0x0  }
0xa6: {  	[sflag:s23] =	ssyncadd.s32 s6;
	_ =	sdelay $0x1  }
0xa7: {  	s24 =	simm.s32 $0x1B8B  }
0xa8: {  	_ =	swait.ge [sflag:s24], $0x1  }
0xa9: {  	[sflag:s24] =	ssyncset.done $0x0  }
0xaa: {  	s25 =	simm.s32 $0x1B8E;
	[sflag:s24] =	ssyncadd.s32 $0xFFFFFFFF  }
0xab: {  	s26 =	simm.s32 $execute0_lowered;
	[smem:$0x3FD2] =	sst s25  }
0xac: {  	s6 =	sshll.u32 s26, $0x1;
	_ =	strace $0x80000046;
	[dreg:$0x1] =	wrdreg $0xFFFFFFFF  }
0xad: {  	s28 =	simm.s32 $_size_execute0_lowered;
	s5 =	sadd.s32 s5, s6;
	[dreg:$0x0] =	wrdreg $0x0  }
0xae: {  	s6 =	sshll.u32 s28, $0x1;
	[dreg:$0x2] =	wrdreg s5  }
0xaf: {  	[dreg:$0x3] =	wrdreg s6  }
0xb0: {  	[dreg:$0x4] =	wrdreg $0xC0  }
0xb1: {  	_ =	task [dreg:s9], $0x5FFFF  }
0xb2: {  	[dreg:$0x1] =	wrdreg $0xFFFFFFFF  }
0xb3: {  	[dreg:$0x0] =	wrdreg $0x60  }
0xb4: {  	[dreg:$0x2] =	wrdreg s16  }
0xb5: {  	[dreg:$0x3] =	wrdreg s17  }
0xb6: {  	[dreg:$0x4] =	wrdreg s18  }
0xb7: {  	[dreg:$0x5] =	wrdreg $0x9  }
0xb8: {  	_ =	task.clear_ibuf [dreg:s9], $0x6FFFF;
	_ =	strace $0x90000046  }
0xb9: {  	s29 =	simm.s32 $0x9;
	_ =	strace $0x80000048  }
0xba: {  	_ =	swait.ge [sflag:s29], $0x1  }
0xbb: {  	[sflag:s29] =	ssyncadd.s32 $0xFFFFFFFF  }
0xbc: {  	_ =	strace $0x90000048  }
0xbd: {  	_ =	sfence  }
0xbe: {  	s30 =	sld [smem:$0x0];
	_ =	sdelay $0x2  }
0xbf: {  	s31 =	sshll.u32 s1, $0xD;
	s1 =	sshrl.u32 s1, $0x2  }
0xc0: {  	s3 =	sand.u32 $0x4000, s31;
	s1 =	sadd.s32 s1, s30  }
0xc1: {  	s0 =	sor.u32 s3, s0;
	s1 =	sshll.u32 s1, $0x11  }
0xc2: {  	s0 =	sor.u32 s1, s0  }
0xc3: {  	s0 =	sadd.s32 $0x8F2B, s0  }
0xc4: {  	[sflag:s0] =	ssyncadd.remote.s32 $0x1  }
0xc5: {  	_ =	sfence.sel $0xFFFF  }
0xc6: {  	[dreg:$0x0] =	wrdreg $0xFFFFFFFF;
	(pc) =	sbr.abs _section_cstart, $3  }
0xc7: {  	[dreg:$0x1] =	wrdreg $0xFFFFFFFF  }
0xc8: {  	_ =	task.clear_ibuf [dreg:s9], $0x2FFFF;
	_ =	strace $0x9FFFFFFF  }
0xc9: {  	(tm) =	ssettm $0x7FFFFFFF  }
tec
execute0_lowered:
.L_overlay_start_1:
0x0: {  	(tag) =	ssettag $0x1  }
0x1: {  	s1 =	rddreg [dreg:$0x0]  }
0x2: {  	s2 =	rddreg [dreg:$0x1]  }
0x3: {  	s3 =	rddreg [dreg:$0x2];
	s4 =	srdreg.scid  }
0x4: {  	s0 =	rddreg [dreg:$0x3];
	s5 =	simm.s32 $0x0;
	s10 =	simm.s32 $0x10000  }
0x5: {  	s11 =	simm.s32 $0x18000;
	s12 =	simm.s32 $0x0;
	s6 =	sand.u32 $0x1, s4  }
0x6: {  	[smem:$0x7FF] =	sst s5;
	s4 =	stileid.u32;
	s7 =	ssub.s32 $0x2, s6  }
0x7: {  	s9 =	sshll.u32 s4, $0x10;
	s6 =	sshll.u32 s6, $0xF;
	s8 =	sshrl.u32 s7, $0x1  }
0x8: {  	_ =	strace $0x80000047;
	s6 =	sor.u32 s6, s9;
	s7 =	ssub.s32 s7, s8  }
0x9: {  	v0 =	vimm.s32 $0x0;
	s9 =	simm.s32 $0x8000;
	s8 =	simm.s32 $0x1;
	s7 =	smax.u32 s7, $0x1  }
.LBB2_1:
0xa: {  	s13 =	simm.s32 $0x0  }
.LBB2_2:
0xb: {  	s14 =	sshll.u32 s13, $0xC  }
0xc: {  	s14 =	sadd.s32 s6, s14  }
0xd: {  	s15 =	simm.s32 $0x0;
	s16 =	sadd.s32 s1, s14  }
0xe: {  	[tilespmem:s15], [sflag:$0x1] =	stream.linear.gather [hbm4b:s16+s15], $0x8000, $0x38;
	v63 =	vld [tilespmem:$0x0]  }
0xf: {  	_ =	swait.ge [sflag:s8], $0x8000  }
0x10: {  	[sflag:s8] =	ssyncset.done $0x0  }
0x11: {  	s31 =	sadd.s32 s2, s14;
	[sflag:s8] =	ssyncadd.s32 $0xFFFF8000  }
0x12: {  	[tilespmem:s9], [sflag:$0x1] =	stream.linear.gather [hbm4b:s31+s15], $0x8000, $0x38;
	v63 =	vld [tilespmem:$0x0]  }
0x13: {  	_ =	swait.ge [sflag:s8], $0x8000  }
0x14: {  	[sflag:s8] =	ssyncset.done $0x0  }
0x15: {  	[sflag:s8] =	ssyncadd.s32 $0xFFFF8000  }
.LBB2_3:
0x16: {  	s16 =	sshll.u32 s15, $0x7  }
0x17: {  	v1 =	vld [tilespmem:s16+$0x0];
	_ =	sdelay $0x4  }
0x18: {  	v1 =	vadd.f32 $9.999999740e-06, v1;
	_ =	sdelay $0x1  }
0x19: {  	(xrf2) =	vadd.scan.msk.f32 $0xffff, v1;
	_ =	sdelay $0x9  }
0x1a: {  	v1, _, _ =	vpop (xrf2)  }
0x1b: {  	v1 =	vadd.f32 $0.0e+00, v1  }
0x1c: {  	s18 =	sand.u32 $0x3FFFFF80, s16  }
0x1d: {  	[tilespmem:s18+$0x10000] =	vst v1  }
0x1e: {  	v2 =	vld [tilespmem:s16+$0x10];
	_ =	sdelay $0x4  }
0x1f: {  	v2 =	vadd.f32 $9.999999740e-06, v2;
	_ =	sdelay $0x1  }
0x20: {  	(xrf2) =	vadd.scan.msk.f32 $0xffff, v2;
	_ =	sdelay $0x8  }
0x21: {  	v1 =	vbroadcast v1, $0xF  }
0x22: {  	v2, _, _ =	vpop (xrf2)  }
0x23: {  	v1 =	vadd.f32 v1, v2;
	_ =	sdelay $0x1  }
0x24: {  	[tilespmem:s18+$0x10010] =	vst v1  }
0x25: {  	v2 =	vld [tilespmem:s16+$0x20];
	_ =	sdelay $0x4  }
0x26: {  	v2 =	vadd.f32 $9.999999740e-06, v2;
	_ =	sdelay $0x1  }
0x27: {  	(xrf2) =	vadd.scan.msk.f32 $0xffff, v2;
	_ =	sdelay $0x8  }
0x28: {  	v1 =	vbroadcast v1, $0xF  }
0x29: {  	v2, _, _ =	vpop (xrf2)  }
0x2a: {  	v1 =	vadd.f32 v1, v2;
	_ =	sdelay $0x1  }
0x2b: {  	[tilespmem:s18+$0x10020] =	vst v1  }
0x2c: {  	v2 =	vld [tilespmem:s16+$0x30];
	_ =	sdelay $0x4  }
0x2d: {  	v2 =	vadd.f32 $9.999999740e-06, v2;
	_ =	sdelay $0x1  }
0x2e: {  	(xrf2) =	vadd.scan.msk.f32 $0xffff, v2;
	_ =	sdelay $0x8  }
0x2f: {  	v1 =	vbroadcast v1, $0xF  }
0x30: {  	v2, _, _ =	vpop (xrf2)  }
0x31: {  	v1 =	vadd.f32 v1, v2;
	_ =	sdelay $0x1  }
0x32: {  	[tilespmem:s18+$0x10030] =	vst v1  }
0x33: {  	v2 =	vld [tilespmem:s16+$0x40];
	_ =	sdelay $0x4  }
0x34: {  	v2 =	vadd.f32 $9.999999740e-06, v2;
	_ =	sdelay $0x1  }
0x35: {  	(xrf2) =	vadd.scan.msk.f32 $0xffff, v2;
	_ =	sdelay $0x8  }
0x36: {  	v1 =	vbroadcast v1, $0xF  }
0x37: {  	v2, _, _ =	vpop (xrf2)  }
0x38: {  	v1 =	vadd.f32 v1, v2;
	_ =	sdelay $0x1  }
0x39: {  	[tilespmem:s18+$0x10040] =	vst v1  }
0x3a: {  	v2 =	vld [tilespmem:s16+$0x50];
	_ =	sdelay $0x4  }
0x3b: {  	v2 =	vadd.f32 $9.999999740e-06, v2;
	_ =	sdelay $0x1  }
0x3c: {  	(xrf2) =	vadd.scan.msk.f32 $0xffff, v2;
	_ =	sdelay $0x8  }
0x3d: {  	v1 =	vbroadcast v1, $0xF  }
0x3e: {  	v2, _, _ =	vpop (xrf2)  }
0x3f: {  	v1 =	vadd.f32 v1, v2;
	_ =	sdelay $0x1  }
0x40: {  	[tilespmem:s18+$0x10050] =	vst v1  }
0x41: {  	v2 =	vld [tilespmem:s16+$0x60];
	_ =	sdelay $0x4  }
0x42: {  	v2 =	vadd.f32 $9.999999740e-06, v2;
	_ =	sdelay $0x1  }
0x43: {  	(xrf2) =	vadd.scan.msk.f32 $0xffff, v2;
	_ =	sdelay $0x8  }
0x44: {  	v1 =	vbroadcast v1, $0xF  }
0x45: {  	v2, _, _ =	vpop (xrf2)  }
0x46: {  	v1 =	vadd.f32 v1, v2;
	_ =	sdelay $0x1  }
0x47: {  	[tilespmem:s18+$0x10060] =	vst v1  }
0x48: {  	s17 =	sor.u32 $0x80, s16;
	v2 =	vld [tilespmem:s16+$0x70]  }
0x49: {  	v3 =	vld [tilespmem:s17+$0x0];
	_ =	sdelay $0x3  }
0x4a: {  	v2 =	vadd.f32 $9.999999740e-06, v2  }
0x4b: {  	v3 =	vadd.f32 $9.999999740e-06, v3  }
0x4c: {  	(xrf2) =	vadd.scan.msk.f32 $0xffff, v2  }
0x4d: {  	(xrf2) =	vadd.scan.msk.f32 $0xffff, v3;
	_ =	sdelay $0x8  }
0x4e: {  	v2, _, _ =	vpop (xrf2)  }
0x4f: {  	v3, _, _ =	vpop (xrf2)  }
0x50: {  	v3 =	vadd.f32 $0.0e+00, v3;
	_ =	sdelay $0x1  }
0x51: {  	s21 =	sor.u32 $0x90, s16;
	[tilespmem:s16+$0x10080] =	vst v3  }
0x52: {  	v4 =	vld [tilespmem:s21+$0x0];
	_ =	sdelay $0x4  }
0x53: {  	v4 =	vadd.f32 $9.999999740e-06, v4;
	_ =	sdelay $0x1  }
0x54: {  	(xrf2) =	vadd.scan.msk.f32 $0xffff, v4;
	_ =	sdelay $0x8  }
0x55: {  	v3 =	vbroadcast v3, $0xF  }
0x56: {  	v4, _, _ =	vpop (xrf2)  }
0x57: {  	v3 =	vadd.f32 v3, v4;
	_ =	sdelay $0x1  }
0x58: {  	s22 =	sor.u32 $0xA0, s16;
	[tilespmem:s16+$0x10090] =	vst v3  }
0x59: {  	v62 =	vld [tilespmem:s22+$0x0];
	_ =	sdelay $0x4  }
0x5a: {  	v4 =	vadd.f32 $9.999999740e-06, v62;
	_ =	sdelay $0x1  }
0x5b: {  	(xrf2) =	vadd.scan.msk.f32 $0xffff, v4;
	_ =	sdelay $0x8  }
0x5c: {  	v3 =	vbroadcast v3, $0xF  }
0x5d: {  	v4, _, _ =	vpop (xrf2)  }
0x5e: {  	v3 =	vadd.f32 v3, v4;
	_ =	sdelay $0x1  }
0x5f: {  	s23 =	sor.u32 $0xB0, s16;
	[tilespmem:s16+$0x100A0] =	vst v3  }
0x60: {  	v8 =	vld [tilespmem:s23+$0x0];
	_ =	sdelay $0x4  }
0x61: {  	v4 =	vadd.f32 $9.999999740e-06, v8;
	_ =	sdelay $0x1  }
0x62: {  	(xrf2) =	vadd.scan.msk.f32 $0xffff, v4;
	_ =	sdelay $0x8  }
0x63: {  	v3 =	vbroadcast v3, $0xF  }
0x64: {  	v4, _, _ =	vpop (xrf2)  }
0x65: {  	v3 =	vadd.f32 v3, v4;
	_ =	sdelay $0x1  }
0x66: {  	s24 =	sor.u32 $0xC0, s16;
	[tilespmem:s16+$0x100B0] =	vst v3  }
0x67: {  	v9 =	vld [tilespmem:s24+$0x0];
	_ =	sdelay $0x4  }
0x68: {  	v4 =	vadd.f32 $9.999999740e-06, v9;
	_ =	sdelay $0x1  }
0x69: {  	(xrf2) =	vadd.scan.msk.f32 $0xffff, v4;
	_ =	sdelay $0x8  }
0x6a: {  	v3 =	vbroadcast v3, $0xF  }
0x6b: {  	v4, _, _ =	vpop (xrf2)  }
0x6c: {  	v3 =	vadd.f32 v3, v4;
	_ =	sdelay $0x1  }
0x6d: {  	s25 =	sor.u32 $0xD0, s16;
	[tilespmem:s16+$0x100C0] =	vst v3  }
0x6e: {  	v10 =	vld [tilespmem:s25+$0x0];
	_ =	sdelay $0x4  }
0x6f: {  	v4 =	vadd.f32 $9.999999740e-06, v10;
	_ =	sdelay $0x1  }
0x70: {  	(xrf2) =	vadd.scan.msk.f32 $0xffff, v4;
	_ =	sdelay $0x8  }
0x71: {  	v3 =	vbroadcast v3, $0xF  }
0x72: {  	v4, _, _ =	vpop (xrf2)  }
0x73: {  	v3 =	vadd.f32 v3, v4;
	_ =	sdelay $0x1  }
0x74: {  	s26 =	sor.u32 $0xE0, s16;
	[tilespmem:s16+$0x100D0] =	vst v3  }
0x75: {  	v11 =	vld [tilespmem:s26+$0x0];
	_ =	sdelay $0x4  }
0x76: {  	v4 =	vadd.f32 $9.999999740e-06, v11;
	_ =	sdelay $0x1  }
0x77: {  	(xrf2) =	vadd.scan.msk.f32 $0xffff, v4;
	_ =	sdelay $0x8  }
0x78: {  	v3 =	vbroadcast v3, $0xF  }
0x79: {  	v4, _, _ =	vpop (xrf2)  }
0x7a: {  	v3 =	vadd.f32 v3, v4;
	_ =	sdelay $0x1  }
0x7b: {  	s28 =	sor.u32 $0xF0, s16;
	[tilespmem:s16+$0x100E0] =	vst v3  }
0x7c: {  	s29 =	sor.u32 $0x100, s16;
	v12 =	vld [tilespmem:s28+$0x0]  }
0x7d: {  	v5 =	vld [tilespmem:s29+$0x0];
	_ =	sdelay $0x3  }
0x7e: {  	v4 =	vadd.f32 $9.999999740e-06, v12  }
0x7f: {  	v5 =	vadd.f32 $9.999999740e-06, v5  }
0x80: {  	(xrf2) =	vadd.scan.msk.f32 $0xffff, v4  }
0x81: {  	(xrf2) =	vadd.scan.msk.f32 $0xffff, v5;
	_ =	sdelay $0x8  }
0x82: {  	v7, _, _ =	vpop (xrf2)  }
0x83: {  	v13, _, _ =	vpop (xrf2)  }
0x84: {  	v4 =	vadd.f32 $0.0e+00, v13;
	_ =	sdelay $0x1  }
0x85: {  	s30 =	sor.u32 $0x110, s16;
	[tilespmem:s16+$0x10100] =	vst v4  }
0x86: {  	v14 =	vld [tilespmem:s30+$0x0];
	_ =	sdelay $0x4  }
0x87: {  	v5 =	vadd.f32 $9.999999740e-06, v14;
	_ =	sdelay $0x1  }
0x88: {  	(xrf2) =	vadd.scan.msk.f32 $0xffff, v5;
	_ =	sdelay $0x8  }
0x89: {  	v4 =	vbroadcast v4, $0xF  }
0x8a: {  	v5, _, _ =	vpop (xrf2)  }
0x8b: {  	v4 =	vadd.f32 v4, v5;
	_ =	sdelay $0x1  }
0x8c: {  	s31 =	sor.u32 $0x120, s16;
	[tilespmem:s16+$0x10110] =	vst v4  }
0x8d: {  	v15 =	vld [tilespmem:s31+$0x0];
	_ =	sdelay $0x4  }
0x8e: {  	v5 =	vadd.f32 $9.999999740e-06, v15;
	_ =	sdelay $0x1  }
0x8f: {  	(xrf2) =	vadd.scan.msk.f32 $0xffff, v5;
	_ =	sdelay $0x8  }
0x90: {  	v4 =	vbroadcast v4, $0xF  }
0x91: {  	v5, _, _ =	vpop (xrf2)  }
0x92: {  	v4 =	vadd.f32 v4, v5;
	_ =	sdelay $0x1  }
0x93: {  	s19 =	sor.u32 $0x130, s16;
	[tilespmem:s16+$0x10120] =	vst v4  }
0x94: {  	v16 =	vld [tilespmem:s19+$0x0];
	_ =	sdelay $0x4  }
0x95: {  	v5 =	vadd.f32 $9.999999740e-06, v16;
	_ =	sdelay $0x1  }
0x96: {  	(xrf2) =	vadd.scan.msk.f32 $0xffff, v5;
	_ =	sdelay $0x8  }
0x97: {  	v4 =	vbroadcast v4, $0xF  }
0x98: {  	v5, _, _ =	vpop (xrf2)  }
0x99: {  	v4 =	vadd.f32 v4, v5;
	_ =	sdelay $0x1  }
0x9a: {  	s20 =	sor.u32 $0x140, s16;
	[tilespmem:s16+$0x10130] =	vst v4  }
0x9b: {  	v17 =	vld [tilespmem:s20+$0x0];
	_ =	sdelay $0x4  }
0x9c: {  	v5 =	vadd.f32 $9.999999740e-06, v17;
	_ =	sdelay $0x1  }
0x9d: {  	(xrf2) =	vadd.scan.msk.f32 $0xffff, v5;
	_ =	sdelay $0x8  }
0x9e: {  	v4 =	vbroadcast v4, $0xF  }
0x9f: {  	v5, _, _ =	vpop (xrf2)  }
0xa0: {  	v4 =	vadd.f32 v4, v5;
	_ =	sdelay $0x1  }
0xa1: {  	s21 =	sor.u32 $0x150, s16;
	[tilespmem:s16+$0x10140] =	vst v4  }
0xa2: {  	v18 =	vld [tilespmem:s21+$0x0];
	_ =	sdelay $0x4  }
0xa3: {  	v5 =	vadd.f32 $9.999999740e-06, v18;
	_ =	sdelay $0x1  }
0xa4: {  	(xrf2) =	vadd.scan.msk.f32 $0xffff, v5;
	_ =	sdelay $0x8  }
0xa5: {  	v4 =	vbroadcast v4, $0xF  }
0xa6: {  	v5, _, _ =	vpop (xrf2)  }
0xa7: {  	v4 =	vadd.f32 v4, v5;
	_ =	sdelay $0x1  }
0xa8: {  	s22 =	sor.u32 $0x160, s16;
	[tilespmem:s16+$0x10150] =	vst v4  }
0xa9: {  	v19 =	vld [tilespmem:s22+$0x0];
	_ =	sdelay $0x4  }
0xaa: {  	v5 =	vadd.f32 $9.999999740e-06, v19;
	_ =	sdelay $0x1  }
0xab: {  	(xrf2) =	vadd.scan.msk.f32 $0xffff, v5;
	_ =	sdelay $0x8  }
0xac: {  	v4 =	vbroadcast v4, $0xF  }
0xad: {  	v5, _, _ =	vpop (xrf2)  }
0xae: {  	v6 =	vadd.f32 v4, v5;
	_ =	sdelay $0x1  }
0xaf: {  	s23 =	sor.u32 $0x170, s16;
	[tilespmem:s16+$0x10160] =	vst v6  }
0xb0: {  	v20 =	vld [tilespmem:s23+$0x0];
	_ =	sdelay $0x4  }
0xb1: {  	v4 =	vadd.f32 $9.999999740e-06, v20;
	_ =	sdelay $0x1  }
0xb2: {  	(xrf2) =	vadd.scan.msk.f32 $0xffff, v4;
	_ =	sdelay $0x4  }
0xb3: {  	v21 =	vbroadcast v1, $0xF;
	s19 =	sadd.s32 $0xFFFFFFFF, s16  }
0xb4: {  	s24 =	sshllo.u32 s15, $0x7;
	v1 =	vmov s19  }
0xb5: {  	v8 =	vadd.f32 v21, v2;
	v2 =	vmov s24;
	s25 =	sor.u32 $0xFF, s16;
	v4 =	vadd.s32 $0x40, v1  }
0xb6: {  	v10 =	vbroadcast v3, $0xF;
	v3 =	vmov s25;
	v5 =	vadd.s32 $0x40, v2  }
0xb7: {  	v22 =	vld [tilespmem:s16+$0x8100];
	[tilespmem:s18+$0x10070] =	vst v8;
	v11 =	vbroadcast v6, $0xF;
	v6 =	vadd.s32 $0x40, v3  }
0xb8: {  	v9 =	vld [tilespmem:s16+$0x8000];
	v10 =	vadd.f32 v10, v7;
	v13, _, _ =	vpop (xrf2)  }
0xb9: {  	v14 =	vld [tilespmem:s16+$0x8080];
	v11 =	vadd.f32 v11, v13  }
0xba: {  	[tilespmem:s16+$0x100F0] =	vst v10;
	v12 =	vld.idx.msk [tilespmem:v4+s10+$0x0], $0xffff  }
0xbb: {  	v7 =	vbroadcast v8, $0xF;
	v16 =	vld.idx.msk [tilespmem:v5+s10+$0x0], $0xffff;
	[tilespmem:s16+$0x10170] =	vst v11  }
0xbc: {  	v8 =	vbroadcast v10, $0xF;
	v23 =	vld.idx.msk [tilespmem:v6+s10+$0x0], $0xffff  }
0xbd: {  	v15 =	vmul.f32 v7, v9;
	v9 =	vbroadcast v11, $0xF  }
0xbe: {  	v25 =	vmul.f32 v8, v14  }
0xbf: {  	vm0 =	vle.f32 v12, v15;
	v13 =	vmul.f32 v9, v22  }
0xc0: {  	vm10 =	vle.f32 v16, v25;
	v24 =	vsel vm0, $0x40, v0  }
0xc1: {  	v16 =	vsel vm10, $0x40, v0;
	v11 =	vadd.s32 s19, v24;
	vm11 =	vle.f32 v23, v13  }
0xc2: {  	v27 =	vadd.s32 s24, v16;
	v26 =	vadd.s32 $0x20, v11;
	v28 =	vsel vm11, $0x40, v0  }
0xc3: {  	v17 =	vadd.s32 $0x20, v27;
	v16 =	vadd.s32 s25, v28  }
0xc4: {  	v18 =	vadd.s32 $0x20, v16;
	_ =	sdelay $0x2  }
0xc5: {  	v14 =	vld.idx.msk [tilespmem:v26+s10+$0x0], $0xffff  }
0xc6: {  	v17 =	vld.idx.msk [tilespmem:v17+s10+$0x0], $0xffff  }
0xc7: {  	v18 =	vld.idx.msk [tilespmem:v18+s10+$0x0], $0xffff;
	_ =	sdelay $0x2  }
0xc8: {  	vm12 =	vle.f32 v14, v15  }
0xc9: {  	vm13 =	vle.f32 v17, v25;
	v14 =	vsel vm12, $0x20, v0  }
0xca: {  	v17 =	vsel vm13, $0x20, v0;
	v11 =	vadd.s32 v14, v11;
	vm14 =	vle.f32 v18, v13  }
0xcb: {  	v10 =	vadd.s32 v17, v27;
	v14 =	vadd.s32 $0x10, v11;
	v29 =	vsel vm14, $0x20, v0  }
0xcc: {  	v30 =	vadd.s32 $0x10, v10;
	v16 =	vadd.s32 v29, v16  }
0xcd: {  	v17 =	vadd.s32 $0x10, v16;
	_ =	sdelay $0x2  }
0xce: {  	v14 =	vld.idx.msk [tilespmem:v14+s10+$0x0], $0xffff  }
0xcf: {  	v18 =	vld.idx.msk [tilespmem:v30+s10+$0x0], $0xffff  }
0xd0: {  	v17 =	vld.idx.msk [tilespmem:v17+s10+$0x0], $0xffff;
	_ =	sdelay $0x2  }
0xd1: {  	vm15 =	vle.f32 v14, v15  }
0xd2: {  	vm4 =	vle.f32 v18, v25;
	v14 =	vsel vm15, $0x10, v0  }
0xd3: {  	v18 =	vsel vm4, $0x10, v0;
	v11 =	vadd.s32 v14, v11;
	vm5 =	vle.f32 v17, v13  }
0xd4: {  	v10 =	vadd.s32 v18, v10;
	v14 =	vadd.s32 $0x8, v11;
	v17 =	vsel vm5, $0x10, v0  }
0xd5: {  	v18 =	vadd.s32 $0x8, v10;
	v16 =	vadd.s32 v17, v16  }
0xd6: {  	v17 =	vadd.s32 $0x8, v16;
	_ =	sdelay $0x2  }
0xd7: {  	v14 =	vld.idx.msk [tilespmem:v14+s10+$0x0], $0xffff  }
0xd8: {  	v18 =	vld.idx.msk [tilespmem:v18+s10+$0x0], $0xffff  }
0xd9: {  	v17 =	vld.idx.msk [tilespmem:v17+s10+$0x0], $0xffff;
	_ =	sdelay $0x2  }
0xda: {  	vm6 =	vle.f32 v14, v15  }
0xdb: {  	vm7 =	vle.f32 v18, v25;
	v14 =	vsel vm6, $0x8, v0  }
0xdc: {  	v18 =	vsel vm7, $0x8, v0;
	v11 =	vadd.s32 v14, v11;
	vm8 =	vle.f32 v17, v13  }
0xdd: {  	v10 =	vadd.s32 v18, v10;
	v14 =	vadd.s32 $0x4, v11;
	v17 =	vsel vm8, $0x8, v0  }
0xde: {  	v18 =	vadd.s32 $0x4, v10;
	v16 =	vadd.s32 v17, v16  }
0xdf: {  	v17 =	vadd.s32 $0x4, v16;
	_ =	sdelay $0x2  }
0xe0: {  	v14 =	vld.idx.msk [tilespmem:v14+s10+$0x0], $0xffff  }
0xe1: {  	v18 =	vld.idx.msk [tilespmem:v18+s10+$0x0], $0xffff  }
0xe2: {  	v17 =	vld.idx.msk [tilespmem:v17+s10+$0x0], $0xffff;
	_ =	sdelay $0x2  }
0xe3: {  	vm9 =	vle.f32 v14, v15  }
0xe4: {  	vm10 =	vle.f32 v18, v25;
	v14 =	vsel vm9, $0x4, v0  }
0xe5: {  	v18 =	vsel vm10, $0x4, v0;
	v11 =	vadd.s32 v14, v11;
	vm11 =	vle.f32 v17, v13  }
0xe6: {  	v10 =	vadd.s32 v18, v10;
	v14 =	vadd.s32 $0x2, v11;
	v17 =	vsel vm11, $0x4, v0  }
0xe7: {  	v18 =	vadd.s32 $0x2, v10;
	v16 =	vadd.s32 v17, v16  }
0xe8: {  	v17 =	vadd.s32 $0x2, v16;
	_ =	sdelay $0x2  }
0xe9: {  	v14 =	vld.idx.msk [tilespmem:v14+s10+$0x0], $0xffff  }
0xea: {  	v18 =	vld.idx.msk [tilespmem:v18+s10+$0x0], $0xffff  }
0xeb: {  	v17 =	vld.idx.msk [tilespmem:v17+s10+$0x0], $0xffff;
	_ =	sdelay $0x2  }
0xec: {  	vm12 =	vle.f32 v14, v15  }
0xed: {  	vm13 =	vle.f32 v18, v25;
	v14 =	vsel vm12, $0x2, v0  }
0xee: {  	v18 =	vsel vm13, $0x2, v0;
	v11 =	vadd.s32 v14, v11;
	vm14 =	vle.f32 v17, v13  }
0xef: {  	v10 =	vadd.s32 v18, v10;
	v14 =	vadd.s32 $0x1, v11;
	v17 =	vsel vm14, $0x2, v0  }
0xf0: {  	v18 =	vadd.s32 $0x1, v10;
	v16 =	vadd.s32 v17, v16  }
0xf1: {  	v17 =	vadd.s32 $0x1, v16;
	_ =	sdelay $0x2  }
0xf2: {  	v14 =	vld.idx.msk [tilespmem:v14+s10+$0x0], $0xffff  }
0xf3: {  	v18 =	vld.idx.msk [tilespmem:v18+s10+$0x0], $0xffff  }
0xf4: {  	v17 =	vld.idx.msk [tilespmem:v17+s10+$0x0], $0xffff;
	_ =	sdelay $0x2  }
0xf5: {  	vm15 =	vle.f32 v14, v15  }
0xf6: {  	vm4 =	vle.f32 v18, v25;
	v14 =	vsel vm15, $0x1, v0  }
0xf7: {  	v12 =	vsel vm4, $0x1, v0;
	v14 =	vsub.s32 v14, v1;
	vm5 =	vle.f32 v17, v13  }
0xf8: {  	v12 =	vsub.s32 v12, v2;
	v11 =	vadd.s32 v11, v14;
	v13 =	vsel vm5, $0x1, v0  }
0xf9: {  	v10 =	vadd.s32 v10, v12;
	vm1 =	vlt.s32 v11, $0x7F;
	v31 =	vsub.s32 v13, v3  }
0xfa: {  	vm6 =	vlt.s32 v10, $0x7F;
	v11 =	vnsel vm1, $0x7F, v11;
	v12 =	vadd.s32 v16, v31  }
0xfb: {  	v10 =	vnsel vm6, $0x7F, v10;
	v11 =	vcvt.s32.f32 v11;
	vm7 =	vlt.s32 v12, $0x7F  }
0xfc: {  	v10 =	vcvt.s32.f32 v10;
	v12 =	vnsel vm7, $0x7F, v12  }
0xfd: {  	v11 =	vmul.f32 $4.645669460e-02, v11;
	v12 =	vcvt.s32.f32 v12  }
0xfe: {  	v10 =	vmul.f32 $4.645669460e-02, v10  }
0xff: {  	v36 =	vld [tilespmem:s16+$0x8110];
	v11 =	vadd.f32 $1.000000010e-01, v11;
	v33 =	vmul.f32 $4.645669460e-02, v12  }
0x100: {  	v32 =	vld [tilespmem:s16+$0x8010];
	v10 =	vadd.f32 $1.000000010e-01, v10  }
0x101: {  	v35 =	vld [tilespmem:s16+$0x8090];
	[tilespmem:s16+$0x18000] =	vst v11;
	v11 =	vadd.f32 $1.000000010e-01, v33  }
0x102: {  	[tilespmem:s16+$0x18080] =	vst v10;
	v34 =	vld.idx.msk [tilespmem:v4+s10+$0x0], $0xffff  }
0x103: {  	v37 =	vld.idx.msk [tilespmem:v5+s10+$0x0], $0xffff;
	[tilespmem:s16+$0x18100] =	vst v11  }
0x104: {  	v11 =	vld.idx.msk [tilespmem:v6+s10+$0x0], $0xffff  }
0x105: {  	v13 =	vmul.f32 v32, v7  }
0x106: {  	v14 =	vmul.f32 v35, v8  }
0x107: {  	v10 =	vmul.f32 v36, v9;
	vm8 =	vle.f32 v34, v13  }
0x108: {  	vm9 =	vle.f32 v37, v14;
	v12 =	vsel vm8, $0x40, v0  }
0x109: {  	v15 =	vsel vm9, $0x40, v0;
	v12 =	vadd.s32 s19, v12;
	vm10 =	vle.f32 v11, v10  }
0x10a: {  	v39 =	vadd.s32 s24, v15;
	v38 =	vadd.s32 $0x20, v12;
	v40 =	vsel vm10, $0x40, v0  }
0x10b: {  	v41 =	vadd.s32 $0x20, v39;
	v15 =	vadd.s32 s25, v40  }
0x10c: {  	v42 =	vadd.s32 $0x20, v15;
	_ =	sdelay $0x2  }
0x10d: {  	v16 =	vld.idx.msk [tilespmem:v38+s10+$0x0], $0xffff  }
0x10e: {  	v17 =	vld.idx.msk [tilespmem:v41+s10+$0x0], $0xffff  }
0x10f: {  	v18 =	vld.idx.msk [tilespmem:v42+s10+$0x0], $0xffff;
	_ =	sdelay $0x2  }
0x110: {  	vm11 =	vle.f32 v16, v13  }
0x111: {  	vm12 =	vle.f32 v17, v14;
	v16 =	vsel vm11, $0x20, v0  }
0x112: {  	v17 =	vsel vm12, $0x20, v0;
	v12 =	vadd.s32 v16, v12;
	vm13 =	vle.f32 v18, v10  }
0x113: {  	v11 =	vadd.s32 v17, v39;
	v16 =	vadd.s32 $0x10, v12;
	v43 =	vsel vm13, $0x20, v0  }
0x114: {  	v44 =	vadd.s32 $0x10, v11;
	v15 =	vadd.s32 v43, v15  }
0x115: {  	v17 =	vadd.s32 $0x10, v15;
	_ =	sdelay $0x2  }
0x116: {  	v16 =	vld.idx.msk [tilespmem:v16+s10+$0x0], $0xffff  }
0x117: {  	v18 =	vld.idx.msk [tilespmem:v44+s10+$0x0], $0xffff  }
0x118: {  	v17 =	vld.idx.msk [tilespmem:v17+s10+$0x0], $0xffff;
	_ =	sdelay $0x2  }
0x119: {  	vm14 =	vle.f32 v16, v13  }
0x11a: {  	vm15 =	vle.f32 v18, v14;
	v16 =	vsel vm14, $0x10, v0  }
0x11b: {  	v18 =	vsel vm15, $0x10, v0;
	v12 =	vadd.s32 v16, v12;
	vm4 =	vle.f32 v17, v10  }
0x11c: {  	v11 =	vadd.s32 v18, v11;
	v16 =	vadd.s32 $0x8, v12;
	v17 =	vsel vm4, $0x10, v0  }
0x11d: {  	v18 =	vadd.s32 $0x8, v11;
	v15 =	vadd.s32 v17, v15  }
0x11e: {  	v17 =	vadd.s32 $0x8, v15;
	_ =	sdelay $0x2  }
0x11f: {  	v16 =	vld.idx.msk [tilespmem:v16+s10+$0x0], $0xffff  }
0x120: {  	v18 =	vld.idx.msk [tilespmem:v18+s10+$0x0], $0xffff  }
0x121: {  	v17 =	vld.idx.msk [tilespmem:v17+s10+$0x0], $0xffff;
	_ =	sdelay $0x2  }
0x122: {  	vm5 =	vle.f32 v16, v13  }
0x123: {  	vm6 =	vle.f32 v18, v14;
	v16 =	vsel vm5, $0x8, v0  }
0x124: {  	v18 =	vsel vm6, $0x8, v0;
	v12 =	vadd.s32 v16, v12;
	vm7 =	vle.f32 v17, v10  }
0x125: {  	v11 =	vadd.s32 v18, v11;
	v16 =	vadd.s32 $0x4, v12;
	v17 =	vsel vm7, $0x8, v0  }
0x126: {  	v18 =	vadd.s32 $0x4, v11;
	v15 =	vadd.s32 v17, v15  }
0x127: {  	v17 =	vadd.s32 $0x4, v15;
	_ =	sdelay $0x2  }
0x128: {  	v16 =	vld.idx.msk [tilespmem:v16+s10+$0x0], $0xffff  }
0x129: {  	v18 =	vld.idx.msk [tilespmem:v18+s10+$0x0], $0xffff  }
0x12a: {  	v17 =	vld.idx.msk [tilespmem:v17+s10+$0x0], $0xffff;
	_ =	sdelay $0x2  }
0x12b: {  	vm8 =	vle.f32 v16, v13  }
0x12c: {  	vm9 =	vle.f32 v18, v14;
	v16 =	vsel vm8, $0x4, v0  }
0x12d: {  	v18 =	vsel vm9, $0x4, v0;
	v12 =	vadd.s32 v16, v12;
	vm10 =	vle.f32 v17, v10  }
0x12e: {  	v11 =	vadd.s32 v18, v11;
	v16 =	vadd.s32 $0x2, v12;
	v17 =	vsel vm10, $0x4, v0  }
0x12f: {  	v18 =	vadd.s32 $0x2, v11;
	v15 =	vadd.s32 v17, v15  }
0x130: {  	v17 =	vadd.s32 $0x2, v15;
	_ =	sdelay $0x2  }
0x131: {  	v16 =	vld.idx.msk [tilespmem:v16+s10+$0x0], $0xffff  }
0x132: {  	v18 =	vld.idx.msk [tilespmem:v18+s10+$0x0], $0xffff  }
0x133: {  	v17 =	vld.idx.msk [tilespmem:v17+s10+$0x0], $0xffff;
	_ =	sdelay $0x2  }
0x134: {  	vm11 =	vle.f32 v16, v13  }
0x135: {  	vm12 =	vle.f32 v18, v14;
	v16 =	vsel vm11, $0x2, v0  }
0x136: {  	v18 =	vsel vm12, $0x2, v0;
	v12 =	vadd.s32 v16, v12;
	vm13 =	vle.f32 v17, v10  }
0x137: {  	v11 =	vadd.s32 v18, v11;
	v16 =	vadd.s32 $0x1, v12;
	v17 =	vsel vm13, $0x2, v0  }
0x138: {  	v18 =	vadd.s32 $0x1, v11;
	v15 =	vadd.s32 v17, v15  }
0x139: {  	v17 =	vadd.s32 $0x1, v15;
	_ =	sdelay $0x2  }
0x13a: {  	v16 =	vld.idx.msk [tilespmem:v16+s10+$0x0], $0xffff  }
0x13b: {  	v18 =	vld.idx.msk [tilespmem:v18+s10+$0x0], $0xffff  }
0x13c: {  	v17 =	vld.idx.msk [tilespmem:v17+s10+$0x0], $0xffff;
	_ =	sdelay $0x2  }
0x13d: {  	vm14 =	vle.f32 v16, v13  }
0x13e: {  	vm15 =	vle.f32 v18, v14;
	v13 =	vsel vm14, $0x1, v0  }
0x13f: {  	v45 =	vsel vm15, $0x1, v0;
	v13 =	vsub.s32 v13, v1;
	vm5 =	vle.f32 v17, v10  }
0x140: {  	v47 =	vsub.s32 v45, v2;
	v12 =	vadd.s32 v12, v13;
	v48 =	vsel vm5, $0x1, v0  }
0x141: {  	v11 =	vadd.s32 v11, v47;
	vm4 =	vlt.s32 v12, $0x7F;
	v49 =	vsub.s32 v48, v3  }
0x142: {  	vm6 =	vlt.s32 v11, $0x7F;
	v46 =	vnsel vm4, $0x7F, v12;
	v12 =	vadd.s32 v15, v49  }
0x143: {  	v11 =	vnsel vm6, $0x7F, v11;
	v10 =	vcvt.s32.f32 v46;
	vm7 =	vlt.s32 v12, $0x7F  }
0x144: {  	v11 =	vcvt.s32.f32 v11;
	v12 =	vnsel vm7, $0x7F, v12  }
0x145: {  	v10 =	vmul.f32 $4.645669460e-02, v10;
	v12 =	vcvt.s32.f32 v12  }
0x146: {  	v11 =	vmul.f32 $4.645669460e-02, v11  }
0x147: {  	v50 =	vld [tilespmem:s16+$0x8020];
	v10 =	vadd.f32 $1.000000010e-01, v10;
	v51 =	vmul.f32 $4.645669460e-02, v12  }
0x148: {  	v53 =	vld [tilespmem:s16+$0x80A0];
	v11 =	vadd.f32 $1.000000010e-01, v11  }
0x149: {  	v54 =	vld [tilespmem:s16+$0x8120];
	[tilespmem:s16+$0x18010] =	vst v10;
	v10 =	vadd.f32 $1.000000010e-01, v51  }
0x14a: {  	[tilespmem:s16+$0x18090] =	vst v11;
	v52 =	vld.idx.msk [tilespmem:v4+s10+$0x0], $0xffff  }
0x14b: {  	v55 =	vld.idx.msk [tilespmem:v5+s10+$0x0], $0xffff;
	[tilespmem:s16+$0x18110] =	vst v10  }
0x14c: {  	v10 =	vld.idx.msk [tilespmem:v6+s10+$0x0], $0xffff  }
0x14d: {  	v13 =	vmul.f32 v50, v7  }
0x14e: {  	v14 =	vmul.f32 v53, v8  }
0x14f: {  	v11 =	vmul.f32 v54, v9;
	vm8 =	vle.f32 v52, v13  }
0x150: {  	vm9 =	vle.f32 v55, v14;
	v12 =	vsel vm8, $0x40, v0  }
0x151: {  	v15 =	vsel vm9, $0x40, v0;
	v12 =	vadd.s32 s19, v12;
	vm10 =	vle.f32 v10, v11  }
0x152: {  	v57 =	vadd.s32 s24, v15;
	v56 =	vadd.s32 $0x20, v12;
	v58 =	vsel vm10, $0x40, v0  }
0x153: {  	v59 =	vadd.s32 $0x20, v57;
	v15 =	vadd.s32 s25, v58  }
0x154: {  	v60 =	vadd.s32 $0x20, v15;
	_ =	sdelay $0x2  }
0x155: {  	v16 =	vld.idx.msk [tilespmem:v56+s10+$0x0], $0xffff  }
0x156: {  	v17 =	vld.idx.msk [tilespmem:v59+s10+$0x0], $0xffff  }
0x157: {  	v18 =	vld.idx.msk [tilespmem:v60+s10+$0x0], $0xffff;
	_ =	sdelay $0x2  }
0x158: {  	vm11 =	vle.f32 v16, v13  }
0x159: {  	vm12 =	vle.f32 v17, v14;
	v16 =	vsel vm11, $0x20, v0  }
0x15a: {  	v17 =	vsel vm12, $0x20, v0;
	v12 =	vadd.s32 v16, v12;
	vm13 =	vle.f32 v18, v11  }
0x15b: {  	v10 =	vadd.s32 v17, v57;
	v16 =	vadd.s32 $0x10, v12;
	v61 =	vsel vm13, $0x20, v0  }
0x15c: {  	v62 =	vadd.s32 $0x10, v10;
	v15 =	vadd.s32 v61, v15  }
0x15d: {  	v17 =	vadd.s32 $0x10, v15;
	_ =	sdelay $0x2  }
0x15e: {  	v16 =	vld.idx.msk [tilespmem:v16+s10+$0x0], $0xffff  }
0x15f: {  	v18 =	vld.idx.msk [tilespmem:v62+s10+$0x0], $0xffff  }
0x160: {  	v17 =	vld.idx.msk [tilespmem:v17+s10+$0x0], $0xffff;
	_ =	sdelay $0x2  }
0x161: {  	vm14 =	vle.f32 v16, v13  }
0x162: {  	vm15 =	vle.f32 v18, v14;
	v16 =	vsel vm14, $0x10, v0  }
0x163: {  	v18 =	vsel vm15, $0x10, v0;
	v12 =	vadd.s32 v16, v12;
	vm4 =	vle.f32 v17, v11  }
0x164: {  	v10 =	vadd.s32 v18, v10;
	v16 =	vadd.s32 $0x8, v12;
	v17 =	vsel vm4, $0x10, v0  }
0x165: {  	v18 =	vadd.s32 $0x8, v10;
	v15 =	vadd.s32 v17, v15  }
0x166: {  	v17 =	vadd.s32 $0x8, v15;
	_ =	sdelay $0x2  }
0x167: {  	v16 =	vld.idx.msk [tilespmem:v16+s10+$0x0], $0xffff  }
0x168: {  	v18 =	vld.idx.msk [tilespmem:v18+s10+$0x0], $0xffff  }
0x169: {  	v17 =	vld.idx.msk [tilespmem:v17+s10+$0x0], $0xffff;
	_ =	sdelay $0x2  }
0x16a: {  	vm5 =	vle.f32 v16, v13  }
0x16b: {  	vm6 =	vle.f32 v18, v14;
	v16 =	vsel vm5, $0x8, v0  }
0x16c: {  	v18 =	vsel vm6, $0x8, v0;
	v12 =	vadd.s32 v16, v12;
	vm7 =	vle.f32 v17, v11  }
0x16d: {  	v10 =	vadd.s32 v18, v10;
	v16 =	vadd.s32 $0x4, v12;
	v17 =	vsel vm7, $0x8, v0  }
0x16e: {  	v18 =	vadd.s32 $0x4, v10;
	v15 =	vadd.s32 v17, v15  }
0x16f: {  	v17 =	vadd.s32 $0x4, v15;
	_ =	sdelay $0x2  }
0x170: {  	v16 =	vld.idx.msk [tilespmem:v16+s10+$0x0], $0xffff  }
0x171: {  	v18 =	vld.idx.msk [tilespmem:v18+s10+$0x0], $0xffff  }
0x172: {  	v17 =	vld.idx.msk [tilespmem:v17+s10+$0x0], $0xffff;
	_ =	sdelay $0x2  }
0x173: {  	vm8 =	vle.f32 v16, v13  }
0x174: {  	vm9 =	vle.f32 v18, v14;
	v16 =	vsel vm8, $0x4, v0  }
0x175: {  	v18 =	vsel vm9, $0x4, v0;
	v12 =	vadd.s32 v16, v12;
	vm10 =	vle.f32 v17, v11  }
0x176: {  	v10 =	vadd.s32 v18, v10;
	v16 =	vadd.s32 $0x2, v12;
	v17 =	vsel vm10, $0x4, v0  }
0x177: {  	v18 =	vadd.s32 $0x2, v10;
	v15 =	vadd.s32 v17, v15  }
0x178: {  	v17 =	vadd.s32 $0x2, v15;
	_ =	sdelay $0x2  }
0x179: {  	v16 =	vld.idx.msk [tilespmem:v16+s10+$0x0], $0xffff  }
0x17a: {  	v18 =	vld.idx.msk [tilespmem:v18+s10+$0x0], $0xffff  }
0x17b: {  	v17 =	vld.idx.msk [tilespmem:v17+s10+$0x0], $0xffff;
	_ =	sdelay $0x2  }
0x17c: {  	vm11 =	vle.f32 v16, v13  }
0x17d: {  	vm12 =	vle.f32 v18, v14;
	v16 =	vsel vm11, $0x2, v0  }
0x17e: {  	v18 =	vsel vm12, $0x2, v0;
	v12 =	vadd.s32 v16, v12;
	vm13 =	vle.f32 v17, v11  }
0x17f: {  	v10 =	vadd.s32 v18, v10;
	v16 =	vadd.s32 $0x1, v12;
	v17 =	vsel vm13, $0x2, v0  }
0x180: {  	v18 =	vadd.s32 $0x1, v10;
	v15 =	vadd.s32 v17, v15  }
0x181: {  	v17 =	vadd.s32 $0x1, v15;
	_ =	sdelay $0x2  }
0x182: {  	v16 =	vld.idx.msk [tilespmem:v16+s10+$0x0], $0xffff  }
0x183: {  	v18 =	vld.idx.msk [tilespmem:v18+s10+$0x0], $0xffff  }
0x184: {  	v17 =	vld.idx.msk [tilespmem:v17+s10+$0x0], $0xffff;
	_ =	sdelay $0x2  }
0x185: {  	vm14 =	vle.f32 v16, v13  }
0x186: {  	vm15 =	vle.f32 v18, v14;
	v13 =	vsel vm14, $0x1, v0  }
0x187: {  	v19 =	vsel vm15, $0x1, v0;
	v13 =	vsub.s32 v13, v1;
	vm5 =	vle.f32 v17, v11  }
0x188: {  	v21 =	vsub.s32 v19, v2;
	v12 =	vadd.s32 v12, v13;
	v22 =	vsel vm5, $0x1, v0  }
0x189: {  	v10 =	vadd.s32 v10, v21;
	vm4 =	vlt.s32 v12, $0x7F;
	v23 =	vsub.s32 v22, v3  }
0x18a: {  	vm6 =	vlt.s32 v10, $0x7F;
	v20 =	vnsel vm4, $0x7F, v12;
	v12 =	vadd.s32 v15, v23  }
0x18b: {  	v10 =	vnsel vm6, $0x7F, v10;
	v11 =	vcvt.s32.f32 v20;
	vm7 =	vlt.s32 v12, $0x7F  }
0x18c: {  	v10 =	vcvt.s32.f32 v10;
	v12 =	vnsel vm7, $0x7F, v12  }
0x18d: {  	v11 =	vmul.f32 $4.645669460e-02, v11;
	v12 =	vcvt.s32.f32 v12  }
0x18e: {  	v10 =	vmul.f32 $4.645669460e-02, v10  }
0x18f: {  	v24 =	vld [tilespmem:s16+$0x8030];
	v11 =	vadd.f32 $1.000000010e-01, v11;
	v25 =	vmul.f32 $4.645669460e-02, v12  }
0x190: {  	v27 =	vld [tilespmem:s16+$0x80B0];
	v10 =	vadd.f32 $1.000000010e-01, v10  }
0x191: {  	v28 =	vld [tilespmem:s16+$0x8130];
	[tilespmem:s16+$0x18020] =	vst v11;
	v11 =	vadd.f32 $1.000000010e-01, v25  }
0x192: {  	[tilespmem:s16+$0x180A0] =	vst v10;
	v26 =	vld.idx.msk [tilespmem:v4+s10+$0x0], $0xffff  }
0x193: {  	v29 =	vld.idx.msk [tilespmem:v5+s10+$0x0], $0xffff;
	[tilespmem:s16+$0x18120] =	vst v11  }
0x194: {  	v11 =	vld.idx.msk [tilespmem:v6+s10+$0x0], $0xffff  }
0x195: {  	v13 =	vmul.f32 v24, v7  }
0x196: {  	v14 =	vmul.f32 v27, v8  }
0x197: {  	v10 =	vmul.f32 v28, v9;
	vm8 =	vle.f32 v26, v13  }
0x198: {  	vm9 =	vle.f32 v29, v14;
	v12 =	vsel vm8, $0x40, v0  }
0x199: {  	v15 =	vsel vm9, $0x40, v0;
	v12 =	vadd.s32 s19, v12;
	vm10 =	vle.f32 v11, v10  }
0x19a: {  	v31 =	vadd.s32 s24, v15;
	v30 =	vadd.s32 $0x20, v12;
	v32 =	vsel vm10, $0x40, v0  }
0x19b: {  	v33 =	vadd.s32 $0x20, v31;
	v15 =	vadd.s32 s25, v32  }
0x19c: {  	v34 =	vadd.s32 $0x20, v15;
	_ =	sdelay $0x2  }
0x19d: {  	v16 =	vld.idx.msk [tilespmem:v30+s10+$0x0], $0xffff  }
0x19e: {  	v17 =	vld.idx.msk [tilespmem:v33+s10+$0x0], $0xffff  }
0x19f: {  	v18 =	vld.idx.msk [tilespmem:v34+s10+$0x0], $0xffff;
	_ =	sdelay $0x2  }
0x1a0: {  	vm11 =	vle.f32 v16, v13  }
0x1a1: {  	vm12 =	vle.f32 v17, v14;
	v16 =	vsel vm11, $0x20, v0  }
0x1a2: {  	v17 =	vsel vm12, $0x20, v0;
	v12 =	vadd.s32 v16, v12;
	vm13 =	vle.f32 v18, v10  }
0x1a3: {  	v11 =	vadd.s32 v17, v31;
	v16 =	vadd.s32 $0x10, v12;
	v35 =	vsel vm13, $0x20, v0  }
0x1a4: {  	v36 =	vadd.s32 $0x10, v11;
	v15 =	vadd.s32 v35, v15  }
0x1a5: {  	v17 =	vadd.s32 $0x10, v15;
	_ =	sdelay $0x2  }
0x1a6: {  	v16 =	vld.idx.msk [tilespmem:v16+s10+$0x0], $0xffff  }
0x1a7: {  	v18 =	vld.idx.msk [tilespmem:v36+s10+$0x0], $0xffff  }
0x1a8: {  	v17 =	vld.idx.msk [tilespmem:v17+s10+$0x0], $0xffff;
	_ =	sdelay $0x2  }
0x1a9: {  	vm14 =	vle.f32 v16, v13  }
0x1aa: {  	vm15 =	vle.f32 v18, v14;
	v16 =	vsel vm14, $0x10, v0  }
0x1ab: {  	v18 =	vsel vm15, $0x10, v0;
	v12 =	vadd.s32 v16, v12;
	vm4 =	vle.f32 v17, v10  }
0x1ac: {  	v11 =	vadd.s32 v18, v11;
	v16 =	vadd.s32 $0x8, v12;
	v17 =	vsel vm4, $0x10, v0  }
0x1ad: {  	v18 =	vadd.s32 $0x8, v11;
	v15 =	vadd.s32 v17, v15  }
0x1ae: {  	v17 =	vadd.s32 $0x8, v15;
	_ =	sdelay $0x2  }
0x1af: {  	v16 =	vld.idx.msk [tilespmem:v16+s10+$0x0], $0xffff  }
0x1b0: {  	v18 =	vld.idx.msk [tilespmem:v18+s10+$0x0], $0xffff  }
0x1b1: {  	v17 =	vld.idx.msk [tilespmem:v17+s10+$0x0], $0xffff;
	_ =	sdelay $0x2  }
0x1b2: {  	vm5 =	vle.f32 v16, v13  }
0x1b3: {  	vm6 =	vle.f32 v18, v14;
	v16 =	vsel vm5, $0x8, v0  }
0x1b4: {  	v18 =	vsel vm6, $0x8, v0;
	v12 =	vadd.s32 v16, v12;
	vm7 =	vle.f32 v17, v10  }
0x1b5: {  	v11 =	vadd.s32 v18, v11;
	v16 =	vadd.s32 $0x4, v12;
	v17 =	vsel vm7, $0x8, v0  }
0x1b6: {  	v18 =	vadd.s32 $0x4, v11;
	v15 =	vadd.s32 v17, v15  }
0x1b7: {  	v17 =	vadd.s32 $0x4, v15;
	_ =	sdelay $0x2  }
0x1b8: {  	v16 =	vld.idx.msk [tilespmem:v16+s10+$0x0], $0xffff  }
0x1b9: {  	v18 =	vld.idx.msk [tilespmem:v18+s10+$0x0], $0xffff  }
0x1ba: {  	v17 =	vld.idx.msk [tilespmem:v17+s10+$0x0], $0xffff;
	_ =	sdelay $0x2  }
0x1bb: {  	vm8 =	vle.f32 v16, v13  }
0x1bc: {  	vm9 =	vle.f32 v18, v14;
	v16 =	vsel vm8, $0x4, v0  }
0x1bd: {  	v18 =	vsel vm9, $0x4, v0;
	v12 =	vadd.s32 v16, v12;
	vm10 =	vle.f32 v17, v10  }
0x1be: {  	v11 =	vadd.s32 v18, v11;
	v16 =	vadd.s32 $0x2, v12;
	v17 =	vsel vm10, $0x4, v0  }
0x1bf: {  	v18 =	vadd.s32 $0x2, v11;
	v15 =	vadd.s32 v17, v15  }
0x1c0: {  	v17 =	vadd.s32 $0x2, v15;
	_ =	sdelay $0x2  }
0x1c1: {  	v16 =	vld.idx.msk [tilespmem:v16+s10+$0x0], $0xffff  }
0x1c2: {  	v18 =	vld.idx.msk [tilespmem:v18+s10+$0x0], $0xffff  }
0x1c3: {  	v17 =	vld.idx.msk [tilespmem:v17+s10+$0x0], $0xffff;
	_ =	sdelay $0x2  }
0x1c4: {  	vm11 =	vle.f32 v16, v13  }
0x1c5: {  	vm12 =	vle.f32 v18, v14;
	v16 =	vsel vm11, $0x2, v0  }
0x1c6: {  	v18 =	vsel vm12, $0x2, v0;
	v12 =	vadd.s32 v16, v12;
	vm13 =	vle.f32 v17, v10  }
0x1c7: {  	v11 =	vadd.s32 v18, v11;
	v16 =	vadd.s32 $0x1, v12;
	v17 =	vsel vm13, $0x2, v0  }
0x1c8: {  	v18 =	vadd.s32 $0x1, v11;
	v15 =	vadd.s32 v17, v15  }
0x1c9: {  	v17 =	vadd.s32 $0x1, v15;
	_ =	sdelay $0x2  }
0x1ca: {  	v16 =	vld.idx.msk [tilespmem:v16+s10+$0x0], $0xffff  }
0x1cb: {  	v18 =	vld.idx.msk [tilespmem:v18+s10+$0x0], $0xffff  }
0x1cc: {  	v17 =	vld.idx.msk [tilespmem:v17+s10+$0x0], $0xffff;
	_ =	sdelay $0x2  }
0x1cd: {  	vm14 =	vle.f32 v16, v13  }
0x1ce: {  	vm15 =	vle.f32 v18, v14;
	v13 =	vsel vm14, $0x1, v0  }
0x1cf: {  	v37 =	vsel vm15, $0x1, v0;
	v13 =	vsub.s32 v13, v1;
	vm5 =	vle.f32 v17, v10  }
0x1d0: {  	v39 =	vsub.s32 v37, v2;
	v12 =	vadd.s32 v12, v13;
	v40 =	vsel vm5, $0x1, v0  }
0x1d1: {  	v11 =	vadd.s32 v11, v39;
	vm4 =	vlt.s32 v12, $0x7F;
	v41 =	vsub.s32 v40, v3  }
0x1d2: {  	vm6 =	vlt.s32 v11, $0x7F;
	v38 =	vnsel vm4, $0x7F, v12;
	v12 =	vadd.s32 v15, v41  }
0x1d3: {  	v11 =	vnsel vm6, $0x7F, v11;
	v10 =	vcvt.s32.f32 v38;
	vm7 =	vlt.s32 v12, $0x7F  }
0x1d4: {  	v11 =	vcvt.s32.f32 v11;
	v12 =	vnsel vm7, $0x7F, v12  }
0x1d5: {  	v10 =	vmul.f32 $4.645669460e-02, v10;
	v12 =	vcvt.s32.f32 v12  }
0x1d6: {  	v11 =	vmul.f32 $4.645669460e-02, v11  }
0x1d7: {  	v42 =	vld [tilespmem:s16+$0x8040];
	v10 =	vadd.f32 $1.000000010e-01, v10;
	v43 =	vmul.f32 $4.645669460e-02, v12  }
0x1d8: {  	v45 =	vld [tilespmem:s16+$0x80C0];
	v11 =	vadd.f32 $1.000000010e-01, v11  }
0x1d9: {  	v46 =	vld [tilespmem:s16+$0x8140];
	[tilespmem:s16+$0x18030] =	vst v10;
	v10 =	vadd.f32 $1.000000010e-01, v43  }
0x1da: {  	[tilespmem:s16+$0x180B0] =	vst v11;
	v44 =	vld.idx.msk [tilespmem:v4+s10+$0x0], $0xffff  }
0x1db: {  	v47 =	vld.idx.msk [tilespmem:v5+s10+$0x0], $0xffff;
	[tilespmem:s16+$0x18130] =	vst v10  }
0x1dc: {  	v10 =	vld.idx.msk [tilespmem:v6+s10+$0x0], $0xffff  }
0x1dd: {  	v13 =	vmul.f32 v42, v7  }
0x1de: {  	v14 =	vmul.f32 v45, v8  }
0x1df: {  	v11 =	vmul.f32 v46, v9;
	vm8 =	vle.f32 v44, v13  }
0x1e0: {  	vm9 =	vle.f32 v47, v14;
	v12 =	vsel vm8, $0x40, v0  }
0x1e1: {  	v15 =	vsel vm9, $0x40, v0;
	v12 =	vadd.s32 s19, v12;
	vm10 =	vle.f32 v10, v11  }
0x1e2: {  	v49 =	vadd.s32 s24, v15;
	v48 =	vadd.s32 $0x20, v12;
	v50 =	vsel vm10, $0x40, v0  }
0x1e3: {  	v51 =	vadd.s32 $0x20, v49;
	v15 =	vadd.s32 s25, v50  }
0x1e4: {  	v52 =	vadd.s32 $0x20, v15;
	_ =	sdelay $0x2  }
0x1e5: {  	v16 =	vld.idx.msk [tilespmem:v48+s10+$0x0], $0xffff  }
0x1e6: {  	v17 =	vld.idx.msk [tilespmem:v51+s10+$0x0], $0xffff  }
0x1e7: {  	v18 =	vld.idx.msk [tilespmem:v52+s10+$0x0], $0xffff;
	_ =	sdelay $0x2  }
0x1e8: {  	vm11 =	vle.f32 v16, v13  }
0x1e9: {  	vm12 =	vle.f32 v17, v14;
	v16 =	vsel vm11, $0x20, v0  }
0x1ea: {  	v17 =	vsel vm12, $0x20, v0;
	v12 =	vadd.s32 v16, v12;
	vm13 =	vle.f32 v18, v11  }
0x1eb: {  	v10 =	vadd.s32 v17, v49;
	v16 =	vadd.s32 $0x10, v12;
	v53 =	vsel vm13, $0x20, v0  }
0x1ec: {  	v54 =	vadd.s32 $0x10, v10;
	v15 =	vadd.s32 v53, v15  }
0x1ed: {  	v17 =	vadd.s32 $0x10, v15;
	_ =	sdelay $0x2  }
0x1ee: {  	v16 =	vld.idx.msk [tilespmem:v16+s10+$0x0], $0xffff  }
0x1ef: {  	v18 =	vld.idx.msk [tilespmem:v54+s10+$0x0], $0xffff  }
0x1f0: {  	v17 =	vld.idx.msk [tilespmem:v17+s10+$0x0], $0xffff;
	_ =	sdelay $0x2  }
0x1f1: {  	vm14 =	vle.f32 v16, v13  }
0x1f2: {  	vm15 =	vle.f32 v18, v14;
	v16 =	vsel vm14, $0x10, v0  }
0x1f3: {  	v18 =	vsel vm15, $0x10, v0;
	v12 =	vadd.s32 v16, v12;
	vm4 =	vle.f32 v17, v11  }
0x1f4: {  	v10 =	vadd.s32 v18, v10;
	v16 =	vadd.s32 $0x8, v12;
	v17 =	vsel vm4, $0x10, v0  }
0x1f5: {  	v18 =	vadd.s32 $0x8, v10;
	v15 =	vadd.s32 v17, v15  }
0x1f6: {  	v17 =	vadd.s32 $0x8, v15;
	_ =	sdelay $0x2  }
0x1f7: {  	v16 =	vld.idx.msk [tilespmem:v16+s10+$0x0], $0xffff  }
0x1f8: {  	v18 =	vld.idx.msk [tilespmem:v18+s10+$0x0], $0xffff  }
0x1f9: {  	v17 =	vld.idx.msk [tilespmem:v17+s10+$0x0], $0xffff;
	_ =	sdelay $0x2  }
0x1fa: {  	vm5 =	vle.f32 v16, v13  }
0x1fb: {  	vm6 =	vle.f32 v18, v14;
	v16 =	vsel vm5, $0x8, v0  }
0x1fc: {  	v18 =	vsel vm6, $0x8, v0;
	v12 =	vadd.s32 v16, v12;
	vm7 =	vle.f32 v17, v11  }
0x1fd: {  	v10 =	vadd.s32 v18, v10;
	v16 =	vadd.s32 $0x4, v12;
	v17 =	vsel vm7, $0x8, v0  }
0x1fe: {  	v18 =	vadd.s32 $0x4, v10;
	v15 =	vadd.s32 v17, v15  }
0x1ff: {  	v17 =	vadd.s32 $0x4, v15;
	_ =	sdelay $0x2  }
0x200: {  	v16 =	vld.idx.msk [tilespmem:v16+s10+$0x0], $0xffff  }
0x201: {  	v18 =	vld.idx.msk [tilespmem:v18+s10+$0x0], $0xffff  }
0x202: {  	v17 =	vld.idx.msk [tilespmem:v17+s10+$0x0], $0xffff;
	_ =	sdelay $0x2  }
0x203: {  	vm8 =	vle.f32 v16, v13  }
0x204: {  	vm9 =	vle.f32 v18, v14;
	v16 =	vsel vm8, $0x4, v0  }
0x205: {  	v18 =	vsel vm9, $0x4, v0;
	v12 =	vadd.s32 v16, v12;
	vm10 =	vle.f32 v17, v11  }
0x206: {  	v10 =	vadd.s32 v18, v10;
	v16 =	vadd.s32 $0x2, v12;
	v17 =	vsel vm10, $0x4, v0  }
0x207: {  	v18 =	vadd.s32 $0x2, v10;
	v15 =	vadd.s32 v17, v15  }
0x208: {  	v17 =	vadd.s32 $0x2, v15;
	_ =	sdelay $0x2  }
0x209: {  	v16 =	vld.idx.msk [tilespmem:v16+s10+$0x0], $0xffff  }
0x20a: {  	v18 =	vld.idx.msk [tilespmem:v18+s10+$0x0], $0xffff  }
0x20b: {  	v17 =	vld.idx.msk [tilespmem:v17+s10+$0x0], $0xffff;
	_ =	sdelay $0x2  }
0x20c: {  	vm11 =	vle.f32 v16, v13  }
0x20d: {  	vm12 =	vle.f32 v18, v14;
	v16 =	vsel vm11, $0x2, v0  }
0x20e: {  	v18 =	vsel vm12, $0x2, v0;
	v12 =	vadd.s32 v16, v12;
	vm13 =	vle.f32 v17, v11  }
0x20f: {  	v10 =	vadd.s32 v18, v10;
	v16 =	vadd.s32 $0x1, v12;
	v17 =	vsel vm13, $0x2, v0  }
0x210: {  	v18 =	vadd.s32 $0x1, v10;
	v15 =	vadd.s32 v17, v15  }
0x211: {  	v17 =	vadd.s32 $0x1, v15;
	_ =	sdelay $0x2  }
0x212: {  	v16 =	vld.idx.msk [tilespmem:v16+s10+$0x0], $0xffff  }
0x213: {  	v18 =	vld.idx.msk [tilespmem:v18+s10+$0x0], $0xffff  }
0x214: {  	v17 =	vld.idx.msk [tilespmem:v17+s10+$0x0], $0xffff;
	_ =	sdelay $0x2  }
0x215: {  	vm14 =	vle.f32 v16, v13  }
0x216: {  	vm15 =	vle.f32 v18, v14;
	v13 =	vsel vm14, $0x1, v0  }
0x217: {  	v55 =	vsel vm15, $0x1, v0;
	v13 =	vsub.s32 v13, v1;
	vm5 =	vle.f32 v17, v11  }
0x218: {  	v57 =	vsub.s32 v55, v2;
	v12 =	vadd.s32 v12, v13;
	v58 =	vsel vm5, $0x1, v0  }
0x219: {  	v10 =	vadd.s32 v10, v57;
	vm4 =	vlt.s32 v12, $0x7F;
	v59 =	vsub.s32 v58, v3  }
0x21a: {  	vm6 =	vlt.s32 v10, $0x7F;
	v56 =	vnsel vm4, $0x7F, v12;
	v12 =	vadd.s32 v15, v59  }
0x21b: {  	v10 =	vnsel vm6, $0x7F, v10;
	v11 =	vcvt.s32.f32 v56;
	vm7 =	vlt.s32 v12, $0x7F  }
0x21c: {  	v10 =	vcvt.s32.f32 v10;
	v12 =	vnsel vm7, $0x7F, v12  }
0x21d: {  	v11 =	vmul.f32 $4.645669460e-02, v11;
	v12 =	vcvt.s32.f32 v12  }
0x21e: {  	v10 =	vmul.f32 $4.645669460e-02, v10  }
0x21f: {  	v60 =	vld [tilespmem:s16+$0x8050];
	v11 =	vadd.f32 $1.000000010e-01, v11;
	v61 =	vmul.f32 $4.645669460e-02, v12  }
0x220: {  	v19 =	vld [tilespmem:s16+$0x8150];
	v10 =	vadd.f32 $1.000000010e-01, v10  }
0x221: {  	v18 =	vld [tilespmem:s16+$0x80D0];
	[tilespmem:s16+$0x18040] =	vst v11;
	v11 =	vadd.f32 $1.000000010e-01, v61  }
0x222: {  	[tilespmem:s16+$0x180C0] =	vst v10;
	v62 =	vld.idx.msk [tilespmem:v4+s10+$0x0], $0xffff  }
0x223: {  	v20 =	vld.idx.msk [tilespmem:v5+s10+$0x0], $0xffff;
	[tilespmem:s16+$0x18140] =	vst v11  }
0x224: {  	v11 =	vld.idx.msk [tilespmem:v6+s10+$0x0], $0xffff  }
0x225: {  	v13 =	vmul.f32 v60, v7  }
0x226: {  	v14 =	vmul.f32 v18, v8  }
0x227: {  	v10 =	vmul.f32 v19, v9;
	vm8 =	vle.f32 v62, v13  }
0x228: {  	vm9 =	vle.f32 v20, v14;
	v12 =	vsel vm8, $0x40, v0  }
0x229: {  	v15 =	vsel vm9, $0x40, v0;
	v12 =	vadd.s32 s19, v12;
	vm10 =	vle.f32 v11, v10  }
0x22a: {  	v22 =	vadd.s32 s24, v15;
	v21 =	vadd.s32 $0x20, v12;
	v23 =	vsel vm10, $0x40, v0  }
0x22b: {  	v24 =	vadd.s32 $0x20, v22;
	v15 =	vadd.s32 s25, v23  }
0x22c: {  	v25 =	vadd.s32 $0x20, v15;
	_ =	sdelay $0x2  }
0x22d: {  	v16 =	vld.idx.msk [tilespmem:v21+s10+$0x0], $0xffff  }
0x22e: {  	v17 =	vld.idx.msk [tilespmem:v24+s10+$0x0], $0xffff  }
0x22f: {  	v18 =	vld.idx.msk [tilespmem:v25+s10+$0x0], $0xffff;
	_ =	sdelay $0x2  }
0x230: {  	vm11 =	vle.f32 v16, v13  }
0x231: {  	vm12 =	vle.f32 v17, v14;
	v16 =	vsel vm11, $0x20, v0  }
0x232: {  	v17 =	vsel vm12, $0x20, v0;
	v12 =	vadd.s32 v16, v12;
	vm13 =	vle.f32 v18, v10  }
0x233: {  	v11 =	vadd.s32 v17, v22;
	v16 =	vadd.s32 $0x10, v12;
	v26 =	vsel vm13, $0x20, v0  }
0x234: {  	v27 =	vadd.s32 $0x10, v11;
	v15 =	vadd.s32 v26, v15  }
0x235: {  	v17 =	vadd.s32 $0x10, v15;
	_ =	sdelay $0x2  }
0x236: {  	v16 =	vld.idx.msk [tilespmem:v16+s10+$0x0], $0xffff  }
0x237: {  	v18 =	vld.idx.msk [tilespmem:v27+s10+$0x0], $0xffff  }
0x238: {  	v17 =	vld.idx.msk [tilespmem:v17+s10+$0x0], $0xffff;
	_ =	sdelay $0x2  }
0x239: {  	vm14 =	vle.f32 v16, v13  }
0x23a: {  	vm15 =	vle.f32 v18, v14;
	v16 =	vsel vm14, $0x10, v0  }
0x23b: {  	v18 =	vsel vm15, $0x10, v0;
	v12 =	vadd.s32 v16, v12;
	vm4 =	vle.f32 v17, v10  }
0x23c: {  	v11 =	vadd.s32 v18, v11;
	v16 =	vadd.s32 $0x8, v12;
	v17 =	vsel vm4, $0x10, v0  }
0x23d: {  	v18 =	vadd.s32 $0x8, v11;
	v15 =	vadd.s32 v17, v15  }
0x23e: {  	v17 =	vadd.s32 $0x8, v15;
	_ =	sdelay $0x2  }
0x23f: {  	v16 =	vld.idx.msk [tilespmem:v16+s10+$0x0], $0xffff  }
0x240: {  	v18 =	vld.idx.msk [tilespmem:v18+s10+$0x0], $0xffff  }
0x241: {  	v17 =	vld.idx.msk [tilespmem:v17+s10+$0x0], $0xffff;
	_ =	sdelay $0x2  }
0x242: {  	vm5 =	vle.f32 v16, v13  }
0x243: {  	vm6 =	vle.f32 v18, v14;
	v16 =	vsel vm5, $0x8, v0  }
0x244: {  	v18 =	vsel vm6, $0x8, v0;
	v12 =	vadd.s32 v16, v12;
	vm7 =	vle.f32 v17, v10  }
0x245: {  	v11 =	vadd.s32 v18, v11;
	v16 =	vadd.s32 $0x4, v12;
	v17 =	vsel vm7, $0x8, v0  }
0x246: {  	v18 =	vadd.s32 $0x4, v11;
	v15 =	vadd.s32 v17, v15  }
0x247: {  	v17 =	vadd.s32 $0x4, v15;
	_ =	sdelay $0x2  }
0x248: {  	v16 =	vld.idx.msk [tilespmem:v16+s10+$0x0], $0xffff  }
0x249: {  	v18 =	vld.idx.msk [tilespmem:v18+s10+$0x0], $0xffff  }
0x24a: {  	v17 =	vld.idx.msk [tilespmem:v17+s10+$0x0], $0xffff;
	_ =	sdelay $0x2  }
0x24b: {  	vm8 =	vle.f32 v16, v13  }
0x24c: {  	vm9 =	vle.f32 v18, v14;
	v16 =	vsel vm8, $0x4, v0  }
0x24d: {  	v18 =	vsel vm9, $0x4, v0;
	v12 =	vadd.s32 v16, v12;
	vm10 =	vle.f32 v17, v10  }
0x24e: {  	v11 =	vadd.s32 v18, v11;
	v16 =	vadd.s32 $0x2, v12;
	v17 =	vsel vm10, $0x4, v0  }
0x24f: {  	v18 =	vadd.s32 $0x2, v11;
	v15 =	vadd.s32 v17, v15  }
0x250: {  	v17 =	vadd.s32 $0x2, v15;
	_ =	sdelay $0x2  }
0x251: {  	v16 =	vld.idx.msk [tilespmem:v16+s10+$0x0], $0xffff  }
0x252: {  	v18 =	vld.idx.msk [tilespmem:v18+s10+$0x0], $0xffff  }
0x253: {  	v17 =	vld.idx.msk [tilespmem:v17+s10+$0x0], $0xffff;
	_ =	sdelay $0x2  }
0x254: {  	vm11 =	vle.f32 v16, v13  }
0x255: {  	vm12 =	vle.f32 v18, v14;
	v16 =	vsel vm11, $0x2, v0  }
0x256: {  	v18 =	vsel vm12, $0x2, v0;
	v12 =	vadd.s32 v16, v12;
	vm13 =	vle.f32 v17, v10  }
0x257: {  	v11 =	vadd.s32 v18, v11;
	v16 =	vadd.s32 $0x1, v12;
	v17 =	vsel vm13, $0x2, v0  }
0x258: {  	v18 =	vadd.s32 $0x1, v11;
	v15 =	vadd.s32 v17, v15  }
0x259: {  	v17 =	vadd.s32 $0x1, v15;
	_ =	sdelay $0x2  }
0x25a: {  	v16 =	vld.idx.msk [tilespmem:v16+s10+$0x0], $0xffff  }
0x25b: {  	v18 =	vld.idx.msk [tilespmem:v18+s10+$0x0], $0xffff  }
0x25c: {  	v17 =	vld.idx.msk [tilespmem:v17+s10+$0x0], $0xffff;
	_ =	sdelay $0x2  }
0x25d: {  	vm14 =	vle.f32 v16, v13  }
0x25e: {  	vm15 =	vle.f32 v18, v14;
	v13 =	vsel vm14, $0x1, v0  }
0x25f: {  	v28 =	vsel vm15, $0x1, v0;
	v13 =	vsub.s32 v13, v1;
	vm5 =	vle.f32 v17, v10  }
0x260: {  	v30 =	vsub.s32 v28, v2;
	v12 =	vadd.s32 v12, v13;
	v31 =	vsel vm5, $0x1, v0  }
0x261: {  	v11 =	vadd.s32 v11, v30;
	vm4 =	vlt.s32 v12, $0x7F;
	v32 =	vsub.s32 v31, v3  }
0x262: {  	vm6 =	vlt.s32 v11, $0x7F;
	v29 =	vnsel vm4, $0x7F, v12;
	v12 =	vadd.s32 v15, v32  }
0x263: {  	v11 =	vnsel vm6, $0x7F, v11;
	v10 =	vcvt.s32.f32 v29;
	vm7 =	vlt.s32 v12, $0x7F  }
0x264: {  	v11 =	vcvt.s32.f32 v11;
	v12 =	vnsel vm7, $0x7F, v12  }
0x265: {  	v10 =	vmul.f32 $4.645669460e-02, v10;
	v12 =	vcvt.s32.f32 v12  }
0x266: {  	v11 =	vmul.f32 $4.645669460e-02, v11  }
0x267: {  	v33 =	vld [tilespmem:s16+$0x8060];
	v10 =	vadd.f32 $1.000000010e-01, v10;
	v34 =	vmul.f32 $4.645669460e-02, v12  }
0x268: {  	v36 =	vld [tilespmem:s16+$0x80E0];
	v11 =	vadd.f32 $1.000000010e-01, v11  }
0x269: {  	v37 =	vld [tilespmem:s16+$0x8160];
	[tilespmem:s16+$0x18050] =	vst v10;
	v10 =	vadd.f32 $1.000000010e-01, v34  }
0x26a: {  	[tilespmem:s16+$0x180D0] =	vst v11;
	v35 =	vld.idx.msk [tilespmem:v4+s10+$0x0], $0xffff  }
0x26b: {  	v38 =	vld.idx.msk [tilespmem:v5+s10+$0x0], $0xffff;
	[tilespmem:s16+$0x18150] =	vst v10  }
0x26c: {  	v10 =	vld.idx.msk [tilespmem:v6+s10+$0x0], $0xffff  }
0x26d: {  	v13 =	vmul.f32 v33, v7  }
0x26e: {  	v14 =	vmul.f32 v36, v8  }
0x26f: {  	v11 =	vmul.f32 v37, v9;
	vm8 =	vle.f32 v35, v13  }
0x270: {  	vm9 =	vle.f32 v38, v14;
	v12 =	vsel vm8, $0x40, v0  }
0x271: {  	v15 =	vsel vm9, $0x40, v0;
	v12 =	vadd.s32 s19, v12;
	vm10 =	vle.f32 v10, v11  }
0x272: {  	v40 =	vadd.s32 s24, v15;
	v39 =	vadd.s32 $0x20, v12;
	v41 =	vsel vm10, $0x40, v0  }
0x273: {  	v42 =	vadd.s32 $0x20, v40;
	v15 =	vadd.s32 s25, v41  }
0x274: {  	v43 =	vadd.s32 $0x20, v15;
	_ =	sdelay $0x2  }
0x275: {  	v16 =	vld.idx.msk [tilespmem:v39+s10+$0x0], $0xffff  }
0x276: {  	v17 =	vld.idx.msk [tilespmem:v42+s10+$0x0], $0xffff  }
0x277: {  	v18 =	vld.idx.msk [tilespmem:v43+s10+$0x0], $0xffff;
	_ =	sdelay $0x2  }
0x278: {  	vm11 =	vle.f32 v16, v13  }
0x279: {  	vm12 =	vle.f32 v17, v14;
	v16 =	vsel vm11, $0x20, v0  }
0x27a: {  	v17 =	vsel vm12, $0x20, v0;
	v12 =	vadd.s32 v16, v12;
	vm13 =	vle.f32 v18, v11  }
0x27b: {  	v10 =	vadd.s32 v17, v40;
	v16 =	vadd.s32 $0x10, v12;
	v44 =	vsel vm13, $0x20, v0  }
0x27c: {  	v45 =	vadd.s32 $0x10, v10;
	v15 =	vadd.s32 v44, v15  }
0x27d: {  	v17 =	vadd.s32 $0x10, v15;
	_ =	sdelay $0x2  }
0x27e: {  	v16 =	vld.idx.msk [tilespmem:v16+s10+$0x0], $0xffff  }
0x27f: {  	v18 =	vld.idx.msk [tilespmem:v45+s10+$0x0], $0xffff  }
0x280: {  	v17 =	vld.idx.msk [tilespmem:v17+s10+$0x0], $0xffff;
	_ =	sdelay $0x2  }
0x281: {  	vm14 =	vle.f32 v16, v13  }
0x282: {  	vm15 =	vle.f32 v18, v14;
	v16 =	vsel vm14, $0x10, v0  }
0x283: {  	v18 =	vsel vm15, $0x10, v0;
	v12 =	vadd.s32 v16, v12;
	vm4 =	vle.f32 v17, v11  }
0x284: {  	v10 =	vadd.s32 v18, v10;
	v16 =	vadd.s32 $0x8, v12;
	v17 =	vsel vm4, $0x10, v0  }
0x285: {  	v18 =	vadd.s32 $0x8, v10;
	v15 =	vadd.s32 v17, v15  }
0x286: {  	v17 =	vadd.s32 $0x8, v15;
	_ =	sdelay $0x2  }
0x287: {  	v16 =	vld.idx.msk [tilespmem:v16+s10+$0x0], $0xffff  }
0x288: {  	v18 =	vld.idx.msk [tilespmem:v18+s10+$0x0], $0xffff  }
0x289: {  	v17 =	vld.idx.msk [tilespmem:v17+s10+$0x0], $0xffff;
	_ =	sdelay $0x2  }
0x28a: {  	vm5 =	vle.f32 v16, v13  }
0x28b: {  	vm6 =	vle.f32 v18, v14;
	v16 =	vsel vm5, $0x8, v0  }
0x28c: {  	v18 =	vsel vm6, $0x8, v0;
	v12 =	vadd.s32 v16, v12;
	vm7 =	vle.f32 v17, v11  }
0x28d: {  	v10 =	vadd.s32 v18, v10;
	v16 =	vadd.s32 $0x4, v12;
	v17 =	vsel vm7, $0x8, v0  }
0x28e: {  	v18 =	vadd.s32 $0x4, v10;
	v15 =	vadd.s32 v17, v15  }
0x28f: {  	v17 =	vadd.s32 $0x4, v15;
	_ =	sdelay $0x2  }
0x290: {  	v16 =	vld.idx.msk [tilespmem:v16+s10+$0x0], $0xffff  }
0x291: {  	v18 =	vld.idx.msk [tilespmem:v18+s10+$0x0], $0xffff  }
0x292: {  	v17 =	vld.idx.msk [tilespmem:v17+s10+$0x0], $0xffff;
	_ =	sdelay $0x2  }
0x293: {  	vm8 =	vle.f32 v16, v13  }
0x294: {  	vm9 =	vle.f32 v18, v14;
	v16 =	vsel vm8, $0x4, v0  }
0x295: {  	v18 =	vsel vm9, $0x4, v0;
	v12 =	vadd.s32 v16, v12;
	vm10 =	vle.f32 v17, v11  }
0x296: {  	v10 =	vadd.s32 v18, v10;
	v16 =	vadd.s32 $0x2, v12;
	v17 =	vsel vm10, $0x4, v0  }
0x297: {  	v18 =	vadd.s32 $0x2, v10;
	v15 =	vadd.s32 v17, v15  }
0x298: {  	v17 =	vadd.s32 $0x2, v15;
	_ =	sdelay $0x2  }
0x299: {  	v16 =	vld.idx.msk [tilespmem:v16+s10+$0x0], $0xffff  }
0x29a: {  	v18 =	vld.idx.msk [tilespmem:v18+s10+$0x0], $0xffff  }
0x29b: {  	v17 =	vld.idx.msk [tilespmem:v17+s10+$0x0], $0xffff;
	_ =	sdelay $0x2  }
0x29c: {  	vm11 =	vle.f32 v16, v13  }
0x29d: {  	vm12 =	vle.f32 v18, v14;
	v16 =	vsel vm11, $0x2, v0  }
0x29e: {  	v18 =	vsel vm12, $0x2, v0;
	v12 =	vadd.s32 v16, v12;
	vm13 =	vle.f32 v17, v11  }
0x29f: {  	v10 =	vadd.s32 v18, v10;
	v16 =	vadd.s32 $0x1, v12;
	v17 =	vsel vm13, $0x2, v0  }
0x2a0: {  	v18 =	vadd.s32 $0x1, v10;
	v15 =	vadd.s32 v17, v15  }
0x2a1: {  	v17 =	vadd.s32 $0x1, v15;
	_ =	sdelay $0x2  }
0x2a2: {  	v16 =	vld.idx.msk [tilespmem:v16+s10+$0x0], $0xffff  }
0x2a3: {  	v18 =	vld.idx.msk [tilespmem:v18+s10+$0x0], $0xffff  }
0x2a4: {  	v17 =	vld.idx.msk [tilespmem:v17+s10+$0x0], $0xffff;
	_ =	sdelay $0x2  }
0x2a5: {  	vm14 =	vle.f32 v16, v13  }
0x2a6: {  	vm15 =	vle.f32 v18, v14;
	v13 =	vsel vm14, $0x1, v0  }
0x2a7: {  	v46 =	vsel vm15, $0x1, v0;
	v13 =	vsub.s32 v13, v1;
	vm5 =	vle.f32 v17, v11  }
0x2a8: {  	s20 =	sor.u32 $0x180, s16;
	v48 =	vsub.s32 v46, v2;
	v12 =	vadd.s32 v12, v13;
	v49 =	vsel vm5, $0x1, v0  }
0x2a9: {  	v51 =	vld [tilespmem:s20+$0x0];
	v10 =	vadd.s32 v10, v48;
	vm4 =	vlt.s32 v12, $0x7F;
	v50 =	vsub.s32 v49, v3  }
0x2aa: {  	vm6 =	vlt.s32 v10, $0x7F;
	v47 =	vnsel vm4, $0x7F, v12;
	v12 =	vadd.s32 v15, v50  }
0x2ab: {  	v10 =	vnsel vm6, $0x7F, v10;
	v11 =	vcvt.s32.f32 v47;
	vm7 =	vlt.s32 v12, $0x7F  }
0x2ac: {  	v10 =	vcvt.s32.f32 v10;
	v12 =	vnsel vm7, $0x7F, v12  }
0x2ad: {  	v11 =	vmul.f32 $4.645669460e-02, v11;
	v12 =	vcvt.s32.f32 v12  }
0x2ae: {  	v13 =	vadd.f32 $9.999999740e-06, v51;
	v10 =	vmul.f32 $4.645669460e-02, v10  }
0x2af: {  	v53 =	vld [tilespmem:s16+$0x80F0];
	v11 =	vadd.f32 $1.000000010e-01, v11;
	v12 =	vmul.f32 $4.645669460e-02, v12  }
0x2b0: {  	v52 =	vld [tilespmem:s16+$0x8070];
	(xrf2) =	vadd.scan.msk.f32 $0xffff, v13;
	v10 =	vadd.f32 $1.000000010e-01, v10  }
0x2b1: {  	v54 =	vld [tilespmem:s16+$0x8170];
	[tilespmem:s16+$0x18060] =	vst v11;
	v12 =	vadd.f32 $1.000000010e-01, v12  }
0x2b2: {  	[tilespmem:s16+$0x180E0] =	vst v10;
	v4 =	vld.idx.msk [tilespmem:v4+s10+$0x0], $0xffff  }
0x2b3: {  	v5 =	vld.idx.msk [tilespmem:v5+s10+$0x0], $0xffff;
	[tilespmem:s16+$0x18160] =	vst v12  }
0x2b4: {  	v6 =	vld.idx.msk [tilespmem:v6+s10+$0x0], $0xffff  }
0x2b5: {  	v7 =	vmul.f32 v52, v7  }
0x2b6: {  	v55 =	vmul.f32 v53, v8  }
0x2b7: {  	v9 =	vmul.f32 v54, v9;
	vm8 =	vle.f32 v4, v7  }
0x2b8: {  	vm9 =	vle.f32 v5, v55;
	v56 =	vsel vm8, $0x40, v0  }
0x2b9: {  	v58 =	vsel vm9, $0x40, v0;
	v8 =	vadd.s32 s19, v56;
	vm10 =	vle.f32 v6, v9  }
0x2ba: {  	v13, _, _ =	vpop (xrf2);
	v59 =	vadd.s32 s24, v58;
	v57 =	vadd.s32 $0x20, v8;
	v60 =	vsel vm10, $0x40, v0  }
0x2bb: {  	v13 =	vadd.f32 $0.0e+00, v13;
	v61 =	vadd.s32 $0x20, v59;
	v10 =	vadd.s32 s25, v60  }
0x2bc: {  	v62 =	vadd.s32 $0x20, v10  }
0x2bd: {  	s26 =	sor.u32 $0x190, s16;
	[tilespmem:s16+$0x10180] =	vst v13  }
0x2be: {  	v16 =	vld [tilespmem:s26+$0x0]  }
0x2bf: {  	v5 =	vld.idx.msk [tilespmem:v57+s10+$0x0], $0xffff  }
0x2c0: {  	v11 =	vld.idx.msk [tilespmem:v61+s10+$0x0], $0xffff  }
0x2c1: {  	v12 =	vld.idx.msk [tilespmem:v62+s10+$0x0], $0xffff;
	_ =	sdelay $0x2  }
0x2c2: {  	vm11 =	vle.f32 v5, v7  }
0x2c3: {  	v17 =	vadd.f32 $9.999999740e-06, v16;
	vm12 =	vle.f32 v11, v55;
	v5 =	vsel vm11, $0x20, v0  }
0x2c4: {  	v11 =	vsel vm12, $0x20, v0;
	v5 =	vadd.s32 v5, v8;
	vm13 =	vle.f32 v12, v9  }
0x2c5: {  	v6 =	vadd.s32 v11, v59;
	v8 =	vadd.s32 $0x10, v5;
	v18 =	vsel vm13, $0x20, v0  }
0x2c6: {  	v19 =	vadd.s32 $0x10, v6;
	v10 =	vadd.s32 v18, v10  }
0x2c7: {  	(xrf2) =	vadd.scan.msk.f32 $0xffff, v17;
	v11 =	vadd.s32 $0x10, v10;
	_ =	sdelay $0x2  }
0x2c8: {  	v8 =	vld.idx.msk [tilespmem:v8+s10+$0x0], $0xffff  }
0x2c9: {  	v20 =	vld.idx.msk [tilespmem:v19+s10+$0x0], $0xffff  }
0x2ca: {  	v11 =	vld.idx.msk [tilespmem:v11+s10+$0x0], $0xffff;
	_ =	sdelay $0x2  }
0x2cb: {  	vm14 =	vle.f32 v8, v7  }
0x2cc: {  	v21 =	vbroadcast v13, $0xF;
	v8 =	vsel vm14, $0x10, v0  }
0x2cd: {  	v23, _, _ =	vpop (xrf2);
	vm15 =	vle.f32 v20, v55;
	v5 =	vadd.s32 v8, v5;
	vm4 =	vle.f32 v11, v9  }
0x2ce: {  	v8 =	vadd.f32 v21, v23;
	v22 =	vadd.s32 $0x8, v5;
	v11 =	vsel vm4, $0x10, v0  }
0x2cf: {  	v24 =	vsel vm15, $0x10, v0;
	v10 =	vadd.s32 v11, v10  }
0x2d0: {  	s28 =	sor.u32 $0x1A0, s16;
	v6 =	vadd.s32 v24, v6;
	[tilespmem:s16+$0x10190] =	vst v8;
	v11 =	vadd.s32 $0x8, v10  }
0x2d1: {  	v25 =	vadd.s32 $0x8, v6;
	v26 =	vld [tilespmem:s28+$0x0];
	_ =	sdelay $0x1  }
0x2d2: {  	v13 =	vld.idx.msk [tilespmem:v22+s10+$0x0], $0xffff;
	_ =	sdelay $0x1  }
0x2d3: {  	v11 =	vld.idx.msk [tilespmem:v11+s10+$0x0], $0xffff  }
0x2d4: {  	v12 =	vld.idx.msk [tilespmem:v25+s10+$0x0], $0xffff;
	v14 =	vadd.f32 $9.999999740e-06, v26;
	_ =	sdelay $0x1  }
0x2d5: {  	(xrf2) =	vadd.scan.msk.f32 $0xffff, v14;
	vm5 =	vle.f32 v13, v7  }
0x2d6: {  	v13 =	vsel vm5, $0x8, v0  }
0x2d7: {  	v5 =	vadd.s32 v13, v5;
	vm7 =	vle.f32 v11, v9  }
0x2d8: {  	vm6 =	vle.f32 v12, v55;
	v27 =	vadd.s32 $0x4, v5;
	v11 =	vsel vm7, $0x8, v0  }
0x2d9: {  	v28 =	vsel vm6, $0x8, v0;
	v10 =	vadd.s32 v11, v10  }
0x2da: {  	v6 =	vadd.s32 v28, v6;
	v11 =	vadd.s32 $0x4, v10  }
0x2db: {  	v13 =	vadd.s32 $0x4, v6;
	_ =	sdelay $0x1  }
0x2dc: {  	v12 =	vld.idx.msk [tilespmem:v27+s10+$0x0], $0xffff  }
0x2dd: {  	v8 =	vbroadcast v8, $0xF  }
0x2de: {  	v14, _, _ =	vpop (xrf2);
	v11 =	vld.idx.msk [tilespmem:v11+s10+$0x0], $0xffff  }
0x2df: {  	v13 =	vld.idx.msk [tilespmem:v13+s10+$0x0], $0xffff;
	v8 =	vadd.f32 v8, v14;
	_ =	sdelay $0x1  }
0x2e0: {  	s29 =	sor.u32 $0x1B0, s16;
	[tilespmem:s16+$0x101A0] =	vst v8;
	vm8 =	vle.f32 v12, v7  }
0x2e1: {  	v29 =	vld [tilespmem:s29+$0x0];
	v12 =	vsel vm8, $0x4, v0  }
0x2e2: {  	v5 =	vadd.s32 v12, v5;
	vm10 =	vle.f32 v11, v9  }
0x2e3: {  	vm9 =	vle.f32 v13, v55;
	v12 =	vadd.s32 $0x2, v5;
	v11 =	vsel vm10, $0x4, v0  }
0x2e4: {  	v13 =	vsel vm9, $0x4, v0;
	v10 =	vadd.s32 v11, v10  }
0x2e5: {  	v6 =	vadd.s32 v13, v6;
	v11 =	vadd.s32 $0x2, v10  }
0x2e6: {  	v13 =	vadd.s32 $0x2, v6;
	v14 =	vadd.f32 $9.999999740e-06, v29;
	_ =	sdelay $0x1  }
0x2e7: {  	(xrf2) =	vadd.scan.msk.f32 $0xffff, v14;
	v12 =	vld.idx.msk [tilespmem:v12+s10+$0x0], $0xffff;
	_ =	sdelay $0x1  }
0x2e8: {  	v11 =	vld.idx.msk [tilespmem:v11+s10+$0x0], $0xffff  }
0x2e9: {  	v13 =	vld.idx.msk [tilespmem:v13+s10+$0x0], $0xffff;
	_ =	sdelay $0x1  }
0x2ea: {  	vm11 =	vle.f32 v12, v7  }
0x2eb: {  	v12 =	vsel vm11, $0x2, v0  }
0x2ec: {  	v5 =	vadd.s32 v12, v5;
	vm13 =	vle.f32 v11, v9  }
0x2ed: {  	vm12 =	vle.f32 v13, v55;
	v12 =	vadd.s32 $0x1, v5;
	v11 =	vsel vm13, $0x2, v0  }
0x2ee: {  	v8 =	vbroadcast v8, $0xF;
	v13 =	vsel vm12, $0x2, v0;
	v10 =	vadd.s32 v11, v10  }
0x2ef: {  	v6 =	vadd.s32 v13, v6;
	v30, _, _ =	vpop (xrf2);
	v31 =	vadd.s32 $0x1, v10  }
0x2f0: {  	v13 =	vadd.s32 $0x1, v6;
	v8 =	vadd.f32 v8, v30;
	_ =	sdelay $0x1  }
0x2f1: {  	s30 =	sor.u32 $0x1C0, s16;
	[tilespmem:s16+$0x101B0] =	vst v8;
	v32 =	vld.idx.msk [tilespmem:v12+s10+$0x0], $0xffff  }
0x2f2: {  	v33 =	vld [tilespmem:s30+$0x0]  }
0x2f3: {  	v14 =	vld.idx.msk [tilespmem:v31+s10+$0x0], $0xffff  }
0x2f4: {  	v13 =	vld.idx.msk [tilespmem:v13+s10+$0x0], $0xffff;
	_ =	sdelay $0x3  }
0x2f5: {  	vm14 =	vle.f32 v32, v7;
	v34 =	vadd.f32 $9.999999740e-06, v33;
	vm4 =	vle.f32 v14, v9  }
0x2f6: {  	vm15 =	vle.f32 v13, v55;
	v11 =	vsel vm14, $0x1, v0;
	v35 =	vsel vm4, $0x1, v0  }
0x2f7: {  	v4 =	vsel vm15, $0x1, v0;
	v1 =	vsub.s32 v11, v1;
	(xrf2) =	vadd.scan.msk.f32 $0xffff, v34;
	v3 =	vsub.s32 v35, v3  }
0x2f8: {  	v2 =	vsub.s32 v4, v2;
	v1 =	vadd.s32 v5, v1;
	v3 =	vadd.s32 v10, v3  }
0x2f9: {  	v2 =	vadd.s32 v6, v2;
	vm5 =	vlt.s32 v1, $0x7F;
	vm7 =	vlt.s32 v3, $0x7F  }
0x2fa: {  	vm6 =	vlt.s32 v2, $0x7F;
	v1 =	vnsel vm5, $0x7F, v1;
	v3 =	vnsel vm7, $0x7F, v3  }
0x2fb: {  	v2 =	vnsel vm6, $0x7F, v2;
	v1 =	vcvt.s32.f32 v1;
	v3 =	vcvt.s32.f32 v3  }
0x2fc: {  	v2 =	vcvt.s32.f32 v2  }
0x2fd: {  	v1 =	vmul.f32 $4.645669460e-02, v1;
	v3 =	vmul.f32 $4.645669460e-02, v3  }
0x2fe: {  	v2 =	vmul.f32 $4.645669460e-02, v2  }
0x2ff: {  	v1 =	vadd.f32 $1.000000010e-01, v1  }
0x300: {  	v36 =	vbroadcast v8, $0xF;
	v2 =	vadd.f32 $1.000000010e-01, v2  }
0x301: {  	[tilespmem:s16+$0x18070] =	vst v1;
	v1 =	vadd.f32 $1.000000010e-01, v3;
	v3, _, _ =	vpop (xrf2)  }
0x302: {  	[tilespmem:s16+$0x180F0] =	vst v2;
	v2 =	vadd.f32 v36, v3  }
0x303: {  	[tilespmem:s16+$0x18170] =	vst v1  }
0x304: {  	s31 =	sor.u32 $0x1D0, s16;
	[tilespmem:s16+$0x101C0] =	vst v2  }
0x305: {  	v1 =	vld [tilespmem:s31+$0x0];
	_ =	sdelay $0x4  }
0x306: {  	v1 =	vadd.f32 $9.999999740e-06, v1;
	_ =	sdelay $0x1  }
0x307: {  	(xrf2) =	vadd.scan.msk.f32 $0xffff, v1;
	_ =	sdelay $0x8  }
0x308: {  	v1 =	vbroadcast v2, $0xF  }
0x309: {  	v2, _, _ =	vpop (xrf2)  }
0x30a: {  	v1 =	vadd.f32 v1, v2;
	_ =	sdelay $0x1  }
0x30b: {  	s18 =	sor.u32 $0x1E0, s16;
	[tilespmem:s16+$0x101D0] =	vst v1  }
0x30c: {  	v2 =	vld [tilespmem:s18+$0x0];
	_ =	sdelay $0x4  }
0x30d: {  	v2 =	vadd.f32 $9.999999740e-06, v2;
	_ =	sdelay $0x1  }
0x30e: {  	(xrf2) =	vadd.scan.msk.f32 $0xffff, v2;
	_ =	sdelay $0x8  }
0x30f: {  	v1 =	vbroadcast v1, $0xF  }
0x310: {  	v2, _, _ =	vpop (xrf2)  }
0x311: {  	v2 =	vadd.f32 v1, v2;
	_ =	sdelay $0x1  }
0x312: {  	s19 =	sor.u32 $0x1F0, s16;
	[tilespmem:s16+$0x101E0] =	vst v2  }
0x313: {  	s20 =	sor.u32 $0x200, s16;
	v1 =	vld [tilespmem:s19+$0x0]  }
0x314: {  	v3 =	vld [tilespmem:s20+$0x0];
	_ =	sdelay $0x3  }
0x315: {  	v1 =	vadd.f32 $9.999999740e-06, v1  }
0x316: {  	v3 =	vadd.f32 $9.999999740e-06, v3  }
0x317: {  	(xrf2) =	vadd.scan.msk.f32 $0xffff, v1  }
0x318: {  	(xrf2) =	vadd.scan.msk.f32 $0xffff, v3;
	_ =	sdelay $0x8  }
0x319: {  	v3, _, _ =	vpop (xrf2)  }
0x31a: {  	v1, _, _ =	vpop (xrf2)  }
0x31b: {  	v1 =	vadd.f32 $0.0e+00, v1;
	_ =	sdelay $0x1  }
0x31c: {  	s21 =	sor.u32 $0x210, s16;
	[tilespmem:s16+$0x10200] =	vst v1  }
0x31d: {  	v37 =	vld [tilespmem:s21+$0x0];
	_ =	sdelay $0x4  }
0x31e: {  	v4 =	vadd.f32 $9.999999740e-06, v37;
	_ =	sdelay $0x1  }
0x31f: {  	(xrf2) =	vadd.scan.msk.f32 $0xffff, v4;
	_ =	sdelay $0x8  }
0x320: {  	v1 =	vbroadcast v1, $0xF  }
0x321: {  	v4, _, _ =	vpop (xrf2)  }
0x322: {  	v1 =	vadd.f32 v1, v4;
	_ =	sdelay $0x1  }
0x323: {  	s22 =	sor.u32 $0x220, s16;
	[tilespmem:s16+$0x10210] =	vst v1  }
0x324: {  	v38 =	vld [tilespmem:s22+$0x0];
	_ =	sdelay $0x4  }
0x325: {  	v4 =	vadd.f32 $9.999999740e-06, v38;
	_ =	sdelay $0x1  }
0x326: {  	(xrf2) =	vadd.scan.msk.f32 $0xffff, v4;
	_ =	sdelay $0x8  }
0x327: {  	v1 =	vbroadcast v1, $0xF  }
0x328: {  	v4, _, _ =	vpop (xrf2)  }
0x329: {  	v1 =	vadd.f32 v1, v4;
	_ =	sdelay $0x1  }
0x32a: {  	s23 =	sor.u32 $0x230, s16;
	[tilespmem:s16+$0x10220] =	vst v1  }
0x32b: {  	v39 =	vld [tilespmem:s23+$0x0];
	_ =	sdelay $0x4  }
0x32c: {  	v4 =	vadd.f32 $9.999999740e-06, v39;
	_ =	sdelay $0x1  }
0x32d: {  	(xrf2) =	vadd.scan.msk.f32 $0xffff, v4;
	_ =	sdelay $0x8  }
0x32e: {  	v1 =	vbroadcast v1, $0xF  }
0x32f: {  	v4, _, _ =	vpop (xrf2)  }
0x330: {  	v1 =	vadd.f32 v1, v4;
	_ =	sdelay $0x1  }
0x331: {  	s24 =	sor.u32 $0x240, s16;
	[tilespmem:s16+$0x10230] =	vst v1  }
0x332: {  	v40 =	vld [tilespmem:s24+$0x0];
	_ =	sdelay $0x4  }
0x333: {  	v4 =	vadd.f32 $9.999999740e-06, v40;
	_ =	sdelay $0x1  }
0x334: {  	(xrf2) =	vadd.scan.msk.f32 $0xffff, v4;
	_ =	sdelay $0x8  }
0x335: {  	v1 =	vbroadcast v1, $0xF  }
0x336: {  	v4, _, _ =	vpop (xrf2)  }
0x337: {  	v1 =	vadd.f32 v1, v4;
	_ =	sdelay $0x1  }
0x338: {  	s25 =	sor.u32 $0x250, s16;
	[tilespmem:s16+$0x10240] =	vst v1  }
0x339: {  	v41 =	vld [tilespmem:s25+$0x0];
	_ =	sdelay $0x4  }
0x33a: {  	v4 =	vadd.f32 $9.999999740e-06, v41;
	_ =	sdelay $0x1  }
0x33b: {  	(xrf2) =	vadd.scan.msk.f32 $0xffff, v4;
	_ =	sdelay $0x8  }
0x33c: {  	v1 =	vbroadcast v1, $0xF  }
0x33d: {  	v4, _, _ =	vpop (xrf2)  }
0x33e: {  	v1 =	vadd.f32 v1, v4;
	_ =	sdelay $0x1  }
0x33f: {  	s26 =	sor.u32 $0x260, s16;
	[tilespmem:s16+$0x10250] =	vst v1  }
0x340: {  	v42 =	vld [tilespmem:s26+$0x0];
	_ =	sdelay $0x4  }
0x341: {  	v4 =	vadd.f32 $9.999999740e-06, v42;
	_ =	sdelay $0x1  }
0x342: {  	(xrf2) =	vadd.scan.msk.f32 $0xffff, v4;
	_ =	sdelay $0x8  }
0x343: {  	v1 =	vbroadcast v1, $0xF  }
0x344: {  	v4, _, _ =	vpop (xrf2)  }
0x345: {  	v4 =	vadd.f32 v1, v4;
	_ =	sdelay $0x1  }
0x346: {  	s28 =	sor.u32 $0x270, s16;
	[tilespmem:s16+$0x10260] =	vst v4  }
0x347: {  	s29 =	sor.u32 $0x280, s16;
	v1 =	vld [tilespmem:s28+$0x0]  }
0x348: {  	v43 =	vld [tilespmem:s29+$0x0];
	_ =	sdelay $0x3  }
0x349: {  	v1 =	vadd.f32 $9.999999740e-06, v1  }
0x34a: {  	v5 =	vadd.f32 $9.999999740e-06, v43  }
0x34b: {  	(xrf2) =	vadd.scan.msk.f32 $0xffff, v1  }
0x34c: {  	(xrf2) =	vadd.scan.msk.f32 $0xffff, v5;
	_ =	sdelay $0x8  }
0x34d: {  	v44, _, _ =	vpop (xrf2)  }
0x34e: {  	v1, _, _ =	vpop (xrf2)  }
0x34f: {  	v1 =	vadd.f32 $0.0e+00, v1;
	_ =	sdelay $0x1  }
0x350: {  	s30 =	sor.u32 $0x290, s16;
	[tilespmem:s16+$0x10280] =	vst v1  }
0x351: {  	v45 =	vld [tilespmem:s30+$0x0];
	_ =	sdelay $0x4  }
0x352: {  	v6 =	vadd.f32 $9.999999740e-06, v45;
	_ =	sdelay $0x1  }
0x353: {  	(xrf2) =	vadd.scan.msk.f32 $0xffff, v6;
	_ =	sdelay $0x8  }
0x354: {  	v1 =	vbroadcast v1, $0xF  }
0x355: {  	v6, _, _ =	vpop (xrf2)  }
0x356: {  	v1 =	vadd.f32 v1, v6;
	_ =	sdelay $0x1  }
0x357: {  	s31 =	sor.u32 $0x2A0, s16;
	[tilespmem:s16+$0x10290] =	vst v1  }
0x358: {  	v46 =	vld [tilespmem:s31+$0x0];
	_ =	sdelay $0x4  }
0x359: {  	v6 =	vadd.f32 $9.999999740e-06, v46;
	_ =	sdelay $0x1  }
0x35a: {  	(xrf2) =	vadd.scan.msk.f32 $0xffff, v6;
	_ =	sdelay $0x8  }
0x35b: {  	v1 =	vbroadcast v1, $0xF  }
0x35c: {  	v6, _, _ =	vpop (xrf2)  }
0x35d: {  	v1 =	vadd.f32 v1, v6;
	_ =	sdelay $0x1  }
0x35e: {  	s18 =	sor.u32 $0x2B0, s16;
	[tilespmem:s16+$0x102A0] =	vst v1  }
0x35f: {  	v47 =	vld [tilespmem:s18+$0x0];
	_ =	sdelay $0x4  }
0x360: {  	v6 =	vadd.f32 $9.999999740e-06, v47;
	_ =	sdelay $0x1  }
0x361: {  	(xrf2) =	vadd.scan.msk.f32 $0xffff, v6;
	_ =	sdelay $0x8  }
0x362: {  	v1 =	vbroadcast v1, $0xF  }
0x363: {  	v6, _, _ =	vpop (xrf2)  }
0x364: {  	v1 =	vadd.f32 v1, v6;
	_ =	sdelay $0x1  }
0x365: {  	s19 =	sor.u32 $0x2C0, s16;
	[tilespmem:s16+$0x102B0] =	vst v1  }
0x366: {  	v48 =	vld [tilespmem:s19+$0x0];
	_ =	sdelay $0x4  }
0x367: {  	v6 =	vadd.f32 $9.999999740e-06, v48;
	_ =	sdelay $0x1  }
0x368: {  	(xrf2) =	vadd.scan.msk.f32 $0xffff, v6;
	_ =	sdelay $0x8  }
0x369: {  	v1 =	vbroadcast v1, $0xF  }
0x36a: {  	v6, _, _ =	vpop (xrf2)  }
0x36b: {  	v1 =	vadd.f32 v1, v6;
	_ =	sdelay $0x1  }
0x36c: {  	s20 =	sor.u32 $0x2D0, s16;
	[tilespmem:s16+$0x102C0] =	vst v1  }
0x36d: {  	v49 =	vld [tilespmem:s20+$0x0];
	_ =	sdelay $0x4  }
0x36e: {  	v6 =	vadd.f32 $9.999999740e-06, v49;
	_ =	sdelay $0x1  }
0x36f: {  	(xrf2) =	vadd.scan.msk.f32 $0xffff, v6;
	_ =	sdelay $0x8  }
0x370: {  	v1 =	vbroadcast v1, $0xF  }
0x371: {  	v6, _, _ =	vpop (xrf2)  }
0x372: {  	v1 =	vadd.f32 v1, v6;
	_ =	sdelay $0x1  }
0x373: {  	s21 =	sor.u32 $0x2E0, s16;
	[tilespmem:s16+$0x102D0] =	vst v1  }
0x374: {  	v50 =	vld [tilespmem:s21+$0x0];
	_ =	sdelay $0x4  }
0x375: {  	v6 =	vadd.f32 $9.999999740e-06, v50;
	_ =	sdelay $0x1  }
0x376: {  	(xrf2) =	vadd.scan.msk.f32 $0xffff, v6;
	_ =	sdelay $0x8  }
0x377: {  	v1 =	vbroadcast v1, $0xF  }
0x378: {  	v6, _, _ =	vpop (xrf2)  }
0x379: {  	v51 =	vadd.f32 v1, v6;
	_ =	sdelay $0x1  }
0x37a: {  	s22 =	sor.u32 $0x2F0, s16;
	[tilespmem:s16+$0x102E0] =	vst v51  }
0x37b: {  	s23 =	sor.u32 $0x300, s16;
	v1 =	vld [tilespmem:s22+$0x0]  }
0x37c: {  	v52 =	vld [tilespmem:s23+$0x0];
	_ =	sdelay $0x3  }
0x37d: {  	v1 =	vadd.f32 $9.999999740e-06, v1  }
0x37e: {  	v6 =	vadd.f32 $9.999999740e-06, v52  }
0x37f: {  	(xrf2) =	vadd.scan.msk.f32 $0xffff, v1  }
0x380: {  	(xrf2) =	vadd.scan.msk.f32 $0xffff, v6;
	_ =	sdelay $0x8  }
0x381: {  	v53, _, _ =	vpop (xrf2)  }
0x382: {  	v1, _, _ =	vpop (xrf2)  }
0x383: {  	v1 =	vadd.f32 $0.0e+00, v1;
	_ =	sdelay $0x1  }
0x384: {  	s24 =	sor.u32 $0x310, s16;
	[tilespmem:s16+$0x10300] =	vst v1  }
0x385: {  	v54 =	vld [tilespmem:s24+$0x0];
	_ =	sdelay $0x4  }
0x386: {  	v6 =	vadd.f32 $9.999999740e-06, v54;
	_ =	sdelay $0x1  }
0x387: {  	(xrf2) =	vadd.scan.msk.f32 $0xffff, v6;
	_ =	sdelay $0x8  }
0x388: {  	v1 =	vbroadcast v1, $0xF  }
0x389: {  	v6, _, _ =	vpop (xrf2)  }
0x38a: {  	v1 =	vadd.f32 v1, v6;
	_ =	sdelay $0x1  }
0x38b: {  	s25 =	sor.u32 $0x320, s16;
	[tilespmem:s16+$0x10310] =	vst v1  }
0x38c: {  	v55 =	vld [tilespmem:s25+$0x0];
	_ =	sdelay $0x4  }
0x38d: {  	v6 =	vadd.f32 $9.999999740e-06, v55;
	_ =	sdelay $0x1  }
0x38e: {  	(xrf2) =	vadd.scan.msk.f32 $0xffff, v6;
	_ =	sdelay $0x8  }
0x38f: {  	v1 =	vbroadcast v1, $0xF  }
0x390: {  	v6, _, _ =	vpop (xrf2)  }
0x391: {  	v1 =	vadd.f32 v1, v6;
	_ =	sdelay $0x1  }
0x392: {  	s26 =	sor.u32 $0x330, s16;
	[tilespmem:s16+$0x10320] =	vst v1  }
0x393: {  	v56 =	vld [tilespmem:s26+$0x0];
	_ =	sdelay $0x4  }
0x394: {  	v6 =	vadd.f32 $9.999999740e-06, v56;
	_ =	sdelay $0x1  }
0x395: {  	(xrf2) =	vadd.scan.msk.f32 $0xffff, v6;
	_ =	sdelay $0x8  }
0x396: {  	v1 =	vbroadcast v1, $0xF  }
0x397: {  	v6, _, _ =	vpop (xrf2)  }
0x398: {  	v1 =	vadd.f32 v1, v6;
	_ =	sdelay $0x1  }
0x399: {  	s28 =	sor.u32 $0x340, s16;
	[tilespmem:s16+$0x10330] =	vst v1  }
0x39a: {  	v57 =	vld [tilespmem:s28+$0x0];
	_ =	sdelay $0x4  }
0x39b: {  	v6 =	vadd.f32 $9.999999740e-06, v57;
	_ =	sdelay $0x1  }
0x39c: {  	(xrf2) =	vadd.scan.msk.f32 $0xffff, v6;
	_ =	sdelay $0x8  }
0x39d: {  	v1 =	vbroadcast v1, $0xF  }
0x39e: {  	v6, _, _ =	vpop (xrf2)  }
0x39f: {  	v1 =	vadd.f32 v1, v6;
	_ =	sdelay $0x1  }
0x3a0: {  	s29 =	sor.u32 $0x350, s16;
	[tilespmem:s16+$0x10340] =	vst v1  }
0x3a1: {  	v58 =	vld [tilespmem:s29+$0x0];
	_ =	sdelay $0x4  }
0x3a2: {  	v6 =	vadd.f32 $9.999999740e-06, v58;
	_ =	sdelay $0x1  }
0x3a3: {  	(xrf2) =	vadd.scan.msk.f32 $0xffff, v6;
	_ =	sdelay $0x8  }
0x3a4: {  	v1 =	vbroadcast v1, $0xF  }
0x3a5: {  	v6, _, _ =	vpop (xrf2)  }
0x3a6: {  	v1 =	vadd.f32 v1, v6;
	_ =	sdelay $0x1  }
0x3a7: {  	s30 =	sor.u32 $0x360, s16;
	[tilespmem:s16+$0x10350] =	vst v1  }
0x3a8: {  	v59 =	vld [tilespmem:s30+$0x0];
	_ =	sdelay $0x4  }
0x3a9: {  	v6 =	vadd.f32 $9.999999740e-06, v59;
	_ =	sdelay $0x1  }
0x3aa: {  	(xrf2) =	vadd.scan.msk.f32 $0xffff, v6;
	_ =	sdelay $0x8  }
0x3ab: {  	v1 =	vbroadcast v1, $0xF  }
0x3ac: {  	v6, _, _ =	vpop (xrf2)  }
0x3ad: {  	v60 =	vadd.f32 v1, v6;
	_ =	sdelay $0x1  }
0x3ae: {  	s31 =	sor.u32 $0x370, s16;
	[tilespmem:s16+$0x10360] =	vst v60  }
0x3af: {  	s18 =	sor.u32 $0x380, s16;
	v1 =	vld [tilespmem:s31+$0x0]  }
0x3b0: {  	v61 =	vld [tilespmem:s18+$0x0];
	_ =	sdelay $0x3  }
0x3b1: {  	v1 =	vadd.f32 $9.999999740e-06, v1  }
0x3b2: {  	v6 =	vadd.f32 $9.999999740e-06, v61  }
0x3b3: {  	(xrf2) =	vadd.scan.msk.f32 $0xffff, v1  }
0x3b4: {  	(xrf2) =	vadd.scan.msk.f32 $0xffff, v6;
	_ =	sdelay $0x8  }
0x3b5: {  	v62, _, _ =	vpop (xrf2)  }
0x3b6: {  	v1, _, _ =	vpop (xrf2)  }
0x3b7: {  	v1 =	vadd.f32 $0.0e+00, v1;
	_ =	sdelay $0x1  }
0x3b8: {  	s19 =	sor.u32 $0x390, s16;
	[tilespmem:s16+$0x10380] =	vst v1  }
0x3b9: {  	v20 =	vld [tilespmem:s19+$0x0];
	_ =	sdelay $0x4  }
0x3ba: {  	v6 =	vadd.f32 $9.999999740e-06, v20;
	_ =	sdelay $0x1  }
0x3bb: {  	(xrf2) =	vadd.scan.msk.f32 $0xffff, v6;
	_ =	sdelay $0x8  }
0x3bc: {  	v1 =	vbroadcast v1, $0xF  }
0x3bd: {  	v6, _, _ =	vpop (xrf2)  }
0x3be: {  	v1 =	vadd.f32 v1, v6;
	_ =	sdelay $0x1  }
0x3bf: {  	s20 =	sor.u32 $0x3A0, s16;
	[tilespmem:s16+$0x10390] =	vst v1  }
0x3c0: {  	v21 =	vld [tilespmem:s20+$0x0];
	_ =	sdelay $0x4  }
0x3c1: {  	v6 =	vadd.f32 $9.999999740e-06, v21;
	_ =	sdelay $0x1  }
0x3c2: {  	(xrf2) =	vadd.scan.msk.f32 $0xffff, v6;
	_ =	sdelay $0x8  }
0x3c3: {  	v1 =	vbroadcast v1, $0xF  }
0x3c4: {  	v6, _, _ =	vpop (xrf2)  }
0x3c5: {  	v1 =	vadd.f32 v1, v6;
	_ =	sdelay $0x1  }
0x3c6: {  	s21 =	sor.u32 $0x3B0, s16;
	[tilespmem:s16+$0x103A0] =	vst v1  }
0x3c7: {  	v22 =	vld [tilespmem:s21+$0x0];
	_ =	sdelay $0x4  }
0x3c8: {  	v6 =	vadd.f32 $9.999999740e-06, v22;
	_ =	sdelay $0x1  }
0x3c9: {  	(xrf2) =	vadd.scan.msk.f32 $0xffff, v6;
	_ =	sdelay $0x8  }
0x3ca: {  	v1 =	vbroadcast v1, $0xF  }
0x3cb: {  	v6, _, _ =	vpop (xrf2)  }
0x3cc: {  	v1 =	vadd.f32 v1, v6;
	_ =	sdelay $0x1  }
0x3cd: {  	s22 =	sor.u32 $0x3C0, s16;
	[tilespmem:s16+$0x103B0] =	vst v1  }
0x3ce: {  	v23 =	vld [tilespmem:s22+$0x0];
	_ =	sdelay $0x4  }
0x3cf: {  	v6 =	vadd.f32 $9.999999740e-06, v23;
	_ =	sdelay $0x1  }
0x3d0: {  	(xrf2) =	vadd.scan.msk.f32 $0xffff, v6;
	_ =	sdelay $0x8  }
0x3d1: {  	v1 =	vbroadcast v1, $0xF  }
0x3d2: {  	v6, _, _ =	vpop (xrf2)  }
0x3d3: {  	v1 =	vadd.f32 v1, v6;
	_ =	sdelay $0x1  }
0x3d4: {  	s23 =	sor.u32 $0x3D0, s16;
	[tilespmem:s16+$0x103C0] =	vst v1  }
0x3d5: {  	v24 =	vld [tilespmem:s23+$0x0];
	_ =	sdelay $0x4  }
0x3d6: {  	v6 =	vadd.f32 $9.999999740e-06, v24;
	_ =	sdelay $0x1  }
0x3d7: {  	(xrf2) =	vadd.scan.msk.f32 $0xffff, v6;
	_ =	sdelay $0x8  }
0x3d8: {  	v1 =	vbroadcast v1, $0xF  }
0x3d9: {  	v6, _, _ =	vpop (xrf2)  }
0x3da: {  	v25 =	vadd.f32 v1, v6;
	_ =	sdelay $0x1  }
0x3db: {  	s24 =	sor.u32 $0x3E0, s16;
	[tilespmem:s16+$0x103D0] =	vst v25  }
0x3dc: {  	v1 =	vld [tilespmem:s24+$0x0];
	_ =	sdelay $0x4  }
0x3dd: {  	v1 =	vadd.f32 $9.999999740e-06, v1;
	_ =	sdelay $0x1  }
0x3de: {  	(xrf2) =	vadd.scan.msk.f32 $0xffff, v1;
	_ =	sdelay $0x2  }
0x3df: {  	v2 =	vbroadcast v2, $0xF;
	s25 =	sor.u32 $0x17F, s16  }
0x3e0: {  	v1 =	vmov s25  }
0x3e1: {  	v2 =	vadd.f32 v2, v3;
	v3 =	vld [tilespmem:s16+$0x8180];
	v7 =	vadd.s32 $0x40, v1;
	_ =	sdelay $0x2  }
0x3e2: {  	v6 =	vbroadcast v2, $0xF  }
0x3e3: {  	[tilespmem:s16+$0x101F0] =	vst v2;
	v2 =	vbroadcast v25, $0xF  }
0x3e4: {  	v17 =	vmul.f32 v6, v3;
	v26 =	vld.idx.msk [tilespmem:v7+s10+$0x0], $0xffff;
	v3, _, _ =	vpop (xrf2)  }
0x3e5: {  	v27 =	vadd.f32 v2, v3;
	_ =	sdelay $0x1  }
0x3e6: {  	s26 =	sor.u32 $0x3F0, s16;
	[tilespmem:s16+$0x103E0] =	vst v27  }
0x3e7: {  	v3 =	vld [tilespmem:s26+$0x0]  }
0x3e8: {  	vm8 =	vle.f32 v26, v17  }
0x3e9: {  	s28 =	sor.u32 $0x1FF, s16;
	v2 =	vsel vm8, $0x40, v0  }
0x3ea: {  	v28 =	vadd.s32 s25, v2;
	v2 =	vmov s28  }
0x3eb: {  	v4 =	vbroadcast v4, $0xF;
	v9 =	vadd.s32 $0x40, v2  }
0x3ec: {  	v29 =	vadd.s32 $0x20, v28;
	v3 =	vadd.f32 $9.999999740e-06, v3  }
0x3ed: {  	v31 =	vld [tilespmem:s16+$0x8200];
	v4 =	vadd.f32 v4, v44  }
0x3ee: {  	(xrf2) =	vadd.scan.msk.f32 $0xffff, v3  }
0x3ef: {  	[tilespmem:s16+$0x10270] =	vst v4  }
0x3f0: {  	v8 =	vbroadcast v4, $0xF;
	v19 =	vld.idx.msk [tilespmem:v9+s10+$0x0], $0xffff  }
0x3f1: {  	s29 =	sor.u32 $0x27F, s16;
	v30 =	vld.idx.msk [tilespmem:v29+s10+$0x0], $0xffff  }
0x3f2: {  	v16 =	vmul.f32 v8, v31;
	s21 =	sor.u32 $0x2FF, s16;
	v3 =	vmov s29  }
0x3f3: {  	v32 =	vbroadcast v51, $0xF;
	s30 =	sor.u32 $0x37F, s16;
	v4 =	vmov s21;
	v11 =	vadd.s32 $0x40, v3  }
0x3f4: {  	v5 =	vmov s30;
	v13 =	vbroadcast v60, $0xF;
	v10 =	vadd.s32 $0x40, v4  }
0x3f5: {  	v33 =	vadd.f32 v32, v53;
	v12 =	vadd.s32 $0x40, v5;
	vm10 =	vle.f32 v19, v16  }
0x3f6: {  	v14 =	vadd.f32 v13, v62;
	v21 =	vld [tilespmem:s16+$0x8280];
	vm9 =	vle.f32 v30, v17;
	v22 =	vsel vm10, $0x40, v0  }
0x3f7: {  	v36 =	vld [tilespmem:s16+$0x8300];
	[tilespmem:s16+$0x102F0] =	vst v33;
	v15 =	vbroadcast v27, $0xF;
	v20 =	vsel vm9, $0x20, v0;
	v22 =	vadd.s32 s28, v22  }
0x3f8: {  	[tilespmem:s16+$0x10370] =	vst v14;
	v23 =	vadd.s32 v20, v28;
	v34 =	vld.idx.msk [tilespmem:v11+s10+$0x0], $0xffff;
	v24 =	vadd.s32 $0x20, v22;
	v35, _, _ =	vpop (xrf2)  }
0x3f9: {  	v13 =	vbroadcast v33, $0xF;
	v37 =	vld.idx.msk [tilespmem:v10+s10+$0x0], $0xffff;
	v25 =	vadd.s32 $0x10, v23;
	v15 =	vadd.f32 v15, v35  }
0x3fa: {  	v14 =	vbroadcast v14, $0xF;
	v26 =	vld [tilespmem:s16+$0x8380]  }
0x3fb: {  	v18 =	vmul.f32 v13, v21;
	[tilespmem:s16+$0x103F0] =	vst v15  }
0x3fc: {  	v20 =	vmul.f32 v14, v36;
	v27 =	vld.idx.msk [tilespmem:v12+s10+$0x0], $0xffff  }
0x3fd: {  	vm11 =	vle.f32 v34, v18;
	v24 =	vld.idx.msk [tilespmem:v24+s10+$0x0], $0xffff;
	v15 =	vbroadcast v15, $0xF  }
0x3fe: {  	vm12 =	vle.f32 v37, v20;
	v25 =	vld.idx.msk [tilespmem:v25+s10+$0x0], $0xffff;
	v28 =	vsel vm11, $0x40, v0  }
0x3ff: {  	v21 =	vsel vm12, $0x40, v0;
	v28 =	vadd.s32 s29, v28;
	v19 =	vmul.f32 v15, v26  }
0x400: {  	v21 =	vadd.s32 s21, v21;
	v38 =	vadd.s32 $0x20, v28  }
0x401: {  	v39 =	vadd.s32 $0x20, v21;
	vm13 =	vle.f32 v27, v19  }
0x402: {  	vm14 =	vle.f32 v24, v16;
	v27 =	vsel vm13, $0x40, v0  }
0x403: {  	vm15 =	vle.f32 v25, v17;
	v40 =	vsel vm14, $0x20, v0;
	v27 =	vadd.s32 s30, v27  }
0x404: {  	v30 =	vsel vm15, $0x10, v0;
	v22 =	vadd.s32 v40, v22;
	v29 =	vadd.s32 $0x20, v27  }
0x405: {  	v23 =	vadd.s32 v30, v23;
	v41 =	vld.idx.msk [tilespmem:v38+s10+$0x0], $0xffff;
	v42 =	vadd.s32 $0x10, v22  }
0x406: {  	v24 =	vld.idx.msk [tilespmem:v39+s10+$0x0], $0xffff;
	v30 =	vadd.s32 $0x8, v23;
	_ =	sdelay $0x2  }
0x407: {  	v29 =	vld.idx.msk [tilespmem:v29+s10+$0x0], $0xffff  }
0x408: {  	vm4 =	vle.f32 v41, v18;
	v43 =	vld.idx.msk [tilespmem:v42+s10+$0x0], $0xffff  }
0x409: {  	vm5 =	vle.f32 v24, v20;
	v30 =	vld.idx.msk [tilespmem:v30+s10+$0x0], $0xffff;
	v44 =	vsel vm4, $0x20, v0  }
0x40a: {  	v24 =	vsel vm5, $0x20, v0;
	v26 =	vadd.s32 v44, v28  }
0x40b: {  	v21 =	vadd.s32 v24, v21;
	v28 =	vadd.s32 $0x10, v26  }
0x40c: {  	v46 =	vadd.s32 $0x10, v21;
	vm6 =	vle.f32 v29, v19  }
0x40d: {  	vm7 =	vle.f32 v43, v16;
	v45 =	vsel vm6, $0x20, v0  }
0x40e: {  	vm8 =	vle.f32 v30, v17;
	v47 =	vsel vm7, $0x10, v0;
	v24 =	vadd.s32 v45, v27  }
0x40f: {  	v30 =	vsel vm8, $0x8, v0;
	v22 =	vadd.s32 v47, v22;
	v48 =	vadd.s32 $0x10, v24  }
0x410: {  	v23 =	vadd.s32 v30, v23;
	v49 =	vld.idx.msk [tilespmem:v28+s10+$0x0], $0xffff;
	v50 =	vadd.s32 $0x8, v22  }
0x411: {  	v25 =	vld.idx.msk [tilespmem:v46+s10+$0x0], $0xffff;
	v30 =	vadd.s32 $0x4, v23;
	_ =	sdelay $0x2  }
0x412: {  	v29 =	vld.idx.msk [tilespmem:v48+s10+$0x0], $0xffff  }
0x413: {  	vm9 =	vle.f32 v49, v18;
	v51 =	vld.idx.msk [tilespmem:v50+s10+$0x0], $0xffff  }
0x414: {  	vm10 =	vle.f32 v25, v20;
	v30 =	vld.idx.msk [tilespmem:v30+s10+$0x0], $0xffff;
	v52 =	vsel vm9, $0x10, v0  }
0x415: {  	v25 =	vsel vm10, $0x10, v0;
	v26 =	vadd.s32 v52, v26  }
0x416: {  	v21 =	vadd.s32 v25, v21;
	v28 =	vadd.s32 $0x8, v26  }
0x417: {  	v54 =	vadd.s32 $0x8, v21;
	vm11 =	vle.f32 v29, v19  }
0x418: {  	vm12 =	vle.f32 v51, v16;
	v53 =	vsel vm11, $0x10, v0  }
0x419: {  	vm13 =	vle.f32 v30, v17;
	v55 =	vsel vm12, $0x8, v0;
	v24 =	vadd.s32 v53, v24  }
0x41a: {  	v30 =	vsel vm13, $0x4, v0;
	v22 =	vadd.s32 v55, v22;
	v56 =	vadd.s32 $0x8, v24  }
0x41b: {  	v23 =	vadd.s32 v30, v23;
	v57 =	vld.idx.msk [tilespmem:v28+s10+$0x0], $0xffff;
	v58 =	vadd.s32 $0x4, v22  }
0x41c: {  	v27 =	vld.idx.msk [tilespmem:v54+s10+$0x0], $0xffff;
	v30 =	vadd.s32 $0x2, v23;
	_ =	sdelay $0x2  }
0x41d: {  	v29 =	vld.idx.msk [tilespmem:v56+s10+$0x0], $0xffff  }
0x41e: {  	vm14 =	vle.f32 v57, v18;
	v59 =	vld.idx.msk [tilespmem:v58+s10+$0x0], $0xffff  }
0x41f: {  	vm15 =	vle.f32 v27, v20;
	v30 =	vld.idx.msk [tilespmem:v30+s10+$0x0], $0xffff;
	v60 =	vsel vm14, $0x8, v0  }
0x420: {  	v27 =	vsel vm15, $0x8, v0;
	v26 =	vadd.s32 v60, v26  }
0x421: {  	v21 =	vadd.s32 v27, v21;
	v28 =	vadd.s32 $0x4, v26  }
0x422: {  	v62 =	vadd.s32 $0x4, v21;
	vm4 =	vle.f32 v29, v19  }
0x423: {  	vm5 =	vle.f32 v59, v16;
	v61 =	vsel vm4, $0x8, v0  }
0x424: {  	vm6 =	vle.f32 v30, v17;
	v33 =	vsel vm5, $0x4, v0;
	v24 =	vadd.s32 v61, v24  }
0x425: {  	v30 =	vsel vm6, $0x2, v0;
	v22 =	vadd.s32 v33, v22;
	v34 =	vadd.s32 $0x4, v24  }
0x426: {  	v23 =	vadd.s32 v30, v23;
	v35 =	vld.idx.msk [tilespmem:v28+s10+$0x0], $0xffff;
	v36 =	vadd.s32 $0x2, v22  }
0x427: {  	v25 =	vld.idx.msk [tilespmem:v62+s10+$0x0], $0xffff;
	v30 =	vadd.s32 $0x1, v23;
	_ =	sdelay $0x2  }
0x428: {  	v29 =	vld.idx.msk [tilespmem:v34+s10+$0x0], $0xffff  }
0x429: {  	vm7 =	vle.f32 v35, v18;
	v37 =	vld.idx.msk [tilespmem:v36+s10+$0x0], $0xffff  }
0x42a: {  	vm8 =	vle.f32 v25, v20;
	v30 =	vld.idx.msk [tilespmem:v30+s10+$0x0], $0xffff;
	v38 =	vsel vm7, $0x4, v0  }
0x42b: {  	v25 =	vsel vm8, $0x4, v0;
	v26 =	vadd.s32 v38, v26  }
0x42c: {  	v21 =	vadd.s32 v25, v21;
	v28 =	vadd.s32 $0x2, v26  }
0x42d: {  	v40 =	vadd.s32 $0x2, v21;
	vm9 =	vle.f32 v29, v19  }
0x42e: {  	vm10 =	vle.f32 v37, v16;
	v39 =	vsel vm9, $0x4, v0  }
0x42f: {  	vm11 =	vle.f32 v30, v17;
	v41 =	vsel vm10, $0x2, v0;
	v24 =	vadd.s32 v39, v24  }
0x430: {  	v42 =	vsel vm11, $0x1, v0;
	v17 =	vadd.s32 v41, v22;
	v25 =	vadd.s32 $0x2, v24  }
0x431: {  	v44 =	vsub.s32 v42, v1;
	v43 =	vld.idx.msk [tilespmem:v28+s10+$0x0], $0xffff;
	v45 =	vadd.s32 $0x1, v17  }
0x432: {  	v27 =	vld.idx.msk [tilespmem:v40+s10+$0x0], $0xffff;
	v23 =	vadd.s32 v23, v44  }
0x433: {  	vm12 =	vlt.s32 v23, $0x7F  }
0x434: {  	v23 =	vnsel vm12, $0x7F, v23  }
0x435: {  	v23 =	vcvt.s32.f32 v23;
	v25 =	vld.idx.msk [tilespmem:v25+s10+$0x0], $0xffff  }
0x436: {  	vm13 =	vle.f32 v43, v18;
	v46 =	vld.idx.msk [tilespmem:v45+s10+$0x0], $0xffff  }
0x437: {  	vm14 =	vle.f32 v27, v20;
	v23 =	vmul.f32 $4.645669460e-02, v23;
	v47 =	vsel vm13, $0x2, v0  }
0x438: {  	v27 =	vsel vm14, $0x2, v0;
	v26 =	vadd.s32 v47, v26  }
0x439: {  	v21 =	vadd.s32 v27, v21;
	v23 =	vadd.f32 $1.000000010e-01, v23;
	v28 =	vadd.s32 $0x1, v26  }
0x43a: {  	v48 =	vld [tilespmem:s16+$0x8190];
	v50 =	vadd.s32 $0x1, v21;
	vm15 =	vle.f32 v25, v19  }
0x43b: {  	[tilespmem:s16+$0x18180] =	vst v23;
	vm4 =	vle.f32 v46, v16;
	v49 =	vsel vm15, $0x2, v0  }
0x43c: {  	v52 =	vld.idx.msk [tilespmem:v7+s10+$0x0], $0xffff;
	v16 =	vsel vm4, $0x1, v0;
	v51 =	vadd.s32 v49, v24  }
0x43d: {  	v16 =	vsub.s32 v16, v2;
	v27 =	vadd.s32 $0x1, v51  }
0x43e: {  	v28 =	vld.idx.msk [tilespmem:v28+s10+$0x0], $0xffff;
	v17 =	vadd.s32 v17, v16  }
0x43f: {  	v22 =	vld.idx.msk [tilespmem:v50+s10+$0x0], $0xffff;
	v16 =	vmul.f32 v48, v6;
	vm5 =	vlt.s32 v17, $0x7F  }
0x440: {  	v17 =	vnsel vm5, $0x7F, v17  }
0x441: {  	vm6 =	vle.f32 v52, v16;
	v17 =	vcvt.s32.f32 v17  }
0x442: {  	v54 =	vsel vm6, $0x40, v0;
	v53 =	vld.idx.msk [tilespmem:v27+s10+$0x0], $0xffff  }
0x443: {  	v55 =	vadd.s32 s25, v54;
	vm7 =	vle.f32 v28, v18;
	v17 =	vmul.f32 $4.645669460e-02, v17  }
0x444: {  	vm8 =	vle.f32 v22, v20;
	v57 =	vadd.s32 $0x20, v55;
	v56 =	vsel vm7, $0x1, v0  }
0x445: {  	v22 =	vsel vm8, $0x1, v0;
	v25 =	vsub.s32 v56, v3;
	v17 =	vadd.f32 $1.000000010e-01, v17  }
0x446: {  	v58 =	vld [tilespmem:s16+$0x8210];
	v60 =	vsub.s32 v22, v4;
	v25 =	vadd.s32 v26, v25  }
0x447: {  	vm9 =	vlt.s32 v25, $0x7F;
	[tilespmem:s16+$0x18200] =	vst v17;
	vm10 =	vle.f32 v53, v19;
	v19 =	vadd.s32 v21, v60  }
0x448: {  	v59 =	vnsel vm9, $0x7F, v25;
	v62 =	vld.idx.msk [tilespmem:v9+s10+$0x0], $0xffff;
	v61 =	vsel vm10, $0x1, v0;
	vm11 =	vlt.s32 v19, $0x7F  }
0x449: {  	v28 =	vld.idx.msk [tilespmem:v57+s10+$0x0], $0xffff;
	v17 =	vcvt.s32.f32 v59;
	v26 =	vsub.s32 v61, v5;
	v19 =	vnsel vm11, $0x7F, v19  }
0x44a: {  	v21 =	vadd.s32 v51, v26;
	v19 =	vcvt.s32.f32 v19  }
0x44b: {  	v29 =	vmul.f32 $4.645669460e-02, v17;
	v17 =	vmul.f32 v58, v8;
	vm12 =	vlt.s32 v21, $0x7F  }
0x44c: {  	v30 =	vnsel vm12, $0x7F, v21;
	v19 =	vmul.f32 $4.645669460e-02, v19  }
0x44d: {  	v31 =	vadd.f32 $1.000000010e-01, v29;
	vm13 =	vle.f32 v62, v17;
	v20 =	vcvt.s32.f32 v30  }
0x44e: {  	v32 =	vld [tilespmem:s16+$0x8290];
	vm14 =	vle.f32 v28, v16;
	v33 =	vsel vm13, $0x40, v0;
	v19 =	vadd.f32 $1.000000010e-01, v19  }
0x44f: {  	v37 =	vld [tilespmem:s16+$0x8310];
	v34 =	vsel vm14, $0x20, v0;
	[tilespmem:s16+$0x18280] =	vst v31;
	v22 =	vadd.s32 s28, v33;
	v20 =	vmul.f32 $4.645669460e-02, v20  }
0x450: {  	v35 =	vld.idx.msk [tilespmem:v11+s10+$0x0], $0xffff;
	v21 =	vadd.s32 v34, v55;
	v36 =	vadd.s32 $0x20, v22;
	[tilespmem:s16+$0x18300] =	vst v19  }
0x451: {  	v39 =	vadd.s32 $0x10, v21;
	v38 =	vadd.f32 $1.000000010e-01, v20;
	v41 =	vld.idx.msk [tilespmem:v10+s10+$0x0], $0xffff  }
0x452: {  	v40 =	vld [tilespmem:s16+$0x8390]  }
0x453: {  	v20 =	vmul.f32 v32, v13;
	[tilespmem:s16+$0x18380] =	vst v38  }
0x454: {  	v19 =	vmul.f32 v37, v14;
	v26 =	vld.idx.msk [tilespmem:v12+s10+$0x0], $0xffff  }
0x455: {  	v42 =	vld.idx.msk [tilespmem:v36+s10+$0x0], $0xffff;
	vm15 =	vle.f32 v35, v20  }
0x456: {  	v44 =	vld.idx.msk [tilespmem:v39+s10+$0x0], $0xffff;
	v43 =	vsel vm15, $0x40, v0;
	vm4 =	vle.f32 v41, v19  }
0x457: {  	v18 =	vmul.f32 v40, v15;
	v45 =	vadd.s32 s29, v43;
	v23 =	vsel vm4, $0x40, v0  }
0x458: {  	v46 =	vadd.s32 $0x20, v45;
	v23 =	vadd.s32 s21, v23  }
0x459: {  	vm5 =	vle.f32 v26, v18;
	v47 =	vadd.s32 $0x20, v23  }
0x45a: {  	vm6 =	vle.f32 v42, v17;
	v26 =	vsel vm5, $0x40, v0  }
0x45b: {  	vm7 =	vle.f32 v44, v16;
	v48 =	vsel vm6, $0x20, v0;
	v26 =	vadd.s32 s30, v26  }
0x45c: {  	v50 =	vsel vm7, $0x10, v0;
	v22 =	vadd.s32 v48, v22;
	v49 =	vadd.s32 $0x20, v26  }
0x45d: {  	v21 =	vadd.s32 v50, v21;
	v52 =	vadd.s32 $0x10, v22;
	v51 =	vld.idx.msk [tilespmem:v46+s10+$0x0], $0xffff  }
0x45e: {  	v30 =	vadd.s32 $0x8, v21;
	v24 =	vld.idx.msk [tilespmem:v47+s10+$0x0], $0xffff;
	_ =	sdelay $0x2  }
0x45f: {  	v29 =	vld.idx.msk [tilespmem:v49+s10+$0x0], $0xffff  }
0x460: {  	v53 =	vld.idx.msk [tilespmem:v52+s10+$0x0], $0xffff;
	vm8 =	vle.f32 v51, v20  }
0x461: {  	v30 =	vld.idx.msk [tilespmem:v30+s10+$0x0], $0xffff;
	v54 =	vsel vm8, $0x20, v0;
	vm9 =	vle.f32 v24, v19  }
0x462: {  	v27 =	vadd.s32 v54, v45;
	v24 =	vsel vm9, $0x20, v0  }
0x463: {  	v28 =	vadd.s32 $0x10, v27;
	v23 =	vadd.s32 v24, v23  }
0x464: {  	vm10 =	vle.f32 v29, v18;
	v56 =	vadd.s32 $0x10, v23  }
0x465: {  	vm11 =	vle.f32 v53, v17;
	v55 =	vsel vm10, $0x20, v0  }
0x466: {  	vm12 =	vle.f32 v30, v16;
	v57 =	vsel vm11, $0x10, v0;
	v24 =	vadd.s32 v55, v26  }
0x467: {  	v30 =	vsel vm12, $0x8, v0;
	v22 =	vadd.s32 v57, v22;
	v58 =	vadd.s32 $0x10, v24  }
0x468: {  	v21 =	vadd.s32 v30, v21;
	v60 =	vadd.s32 $0x8, v22;
	v59 =	vld.idx.msk [tilespmem:v28+s10+$0x0], $0xffff  }
0x469: {  	v30 =	vadd.s32 $0x4, v21;
	v25 =	vld.idx.msk [tilespmem:v56+s10+$0x0], $0xffff;
	_ =	sdelay $0x2  }
0x46a: {  	v29 =	vld.idx.msk [tilespmem:v58+s10+$0x0], $0xffff  }
0x46b: {  	v61 =	vld.idx.msk [tilespmem:v60+s10+$0x0], $0xffff;
	vm13 =	vle.f32 v59, v20  }
0x46c: {  	v30 =	vld.idx.msk [tilespmem:v30+s10+$0x0], $0xffff;
	v62 =	vsel vm13, $0x10, v0;
	vm14 =	vle.f32 v25, v19  }
0x46d: {  	v27 =	vadd.s32 v62, v27;
	v25 =	vsel vm14, $0x10, v0  }
0x46e: {  	v28 =	vadd.s32 $0x8, v27;
	v23 =	vadd.s32 v25, v23  }
0x46f: {  	vm15 =	vle.f32 v29, v18;
	v34 =	vadd.s32 $0x8, v23  }
0x470: {  	vm4 =	vle.f32 v61, v17;
	v33 =	vsel vm15, $0x10, v0  }
0x471: {  	vm5 =	vle.f32 v30, v16;
	v35 =	vsel vm4, $0x8, v0;
	v24 =	vadd.s32 v33, v24  }
0x472: {  	v30 =	vsel vm5, $0x4, v0;
	v22 =	vadd.s32 v35, v22;
	v36 =	vadd.s32 $0x8, v24  }
0x473: {  	v21 =	vadd.s32 v30, v21;
	v38 =	vadd.s32 $0x4, v22;
	v37 =	vld.idx.msk [tilespmem:v28+s10+$0x0], $0xffff  }
0x474: {  	v30 =	vadd.s32 $0x2, v21;
	v26 =	vld.idx.msk [tilespmem:v34+s10+$0x0], $0xffff;
	_ =	sdelay $0x2  }
0x475: {  	v29 =	vld.idx.msk [tilespmem:v36+s10+$0x0], $0xffff  }
0x476: {  	v39 =	vld.idx.msk [tilespmem:v38+s10+$0x0], $0xffff;
	vm6 =	vle.f32 v37, v20  }
0x477: {  	v30 =	vld.idx.msk [tilespmem:v30+s10+$0x0], $0xffff;
	v40 =	vsel vm6, $0x8, v0;
	vm7 =	vle.f32 v26, v19  }
0x478: {  	v27 =	vadd.s32 v40, v27;
	v26 =	vsel vm7, $0x8, v0  }
0x479: {  	v28 =	vadd.s32 $0x4, v27;
	v23 =	vadd.s32 v26, v23  }
0x47a: {  	vm8 =	vle.f32 v29, v18;
	v42 =	vadd.s32 $0x4, v23  }
0x47b: {  	vm9 =	vle.f32 v39, v17;
	v41 =	vsel vm8, $0x8, v0  }
0x47c: {  	vm10 =	vle.f32 v30, v16;
	v43 =	vsel vm9, $0x4, v0;
	v24 =	vadd.s32 v41, v24  }
0x47d: {  	v30 =	vsel vm10, $0x2, v0;
	v22 =	vadd.s32 v43, v22;
	v44 =	vadd.s32 $0x4, v24  }
0x47e: {  	v21 =	vadd.s32 v30, v21;
	v46 =	vadd.s32 $0x2, v22;
	v45 =	vld.idx.msk [tilespmem:v28+s10+$0x0], $0xffff  }
0x47f: {  	v30 =	vadd.s32 $0x1, v21;
	v25 =	vld.idx.msk [tilespmem:v42+s10+$0x0], $0xffff;
	_ =	sdelay $0x2  }
0x480: {  	v29 =	vld.idx.msk [tilespmem:v44+s10+$0x0], $0xffff  }
0x481: {  	v47 =	vld.idx.msk [tilespmem:v46+s10+$0x0], $0xffff;
	vm11 =	vle.f32 v45, v20  }
0x482: {  	v30 =	vld.idx.msk [tilespmem:v30+s10+$0x0], $0xffff;
	v48 =	vsel vm11, $0x4, v0;
	vm12 =	vle.f32 v25, v19  }
0x483: {  	v27 =	vadd.s32 v48, v27;
	v25 =	vsel vm12, $0x4, v0  }
0x484: {  	v28 =	vadd.s32 $0x2, v27;
	v23 =	vadd.s32 v25, v23  }
0x485: {  	vm13 =	vle.f32 v29, v18;
	v50 =	vadd.s32 $0x2, v23  }
0x486: {  	vm14 =	vle.f32 v47, v17;
	v49 =	vsel vm13, $0x4, v0  }
0x487: {  	vm15 =	vle.f32 v30, v16;
	v51 =	vsel vm14, $0x2, v0;
	v24 =	vadd.s32 v49, v24  }
0x488: {  	v52 =	vsel vm15, $0x1, v0;
	v16 =	vadd.s32 v51, v22;
	v25 =	vadd.s32 $0x2, v24  }
0x489: {  	v54 =	vsub.s32 v52, v1;
	v55 =	vadd.s32 $0x1, v16;
	v53 =	vld.idx.msk [tilespmem:v28+s10+$0x0], $0xffff  }
0x48a: {  	v21 =	vadd.s32 v21, v54;
	v26 =	vld.idx.msk [tilespmem:v50+s10+$0x0], $0xffff  }
0x48b: {  	vm4 =	vlt.s32 v21, $0x7F  }
0x48c: {  	v21 =	vnsel vm4, $0x7F, v21  }
0x48d: {  	v21 =	vcvt.s32.f32 v21;
	v25 =	vld.idx.msk [tilespmem:v25+s10+$0x0], $0xffff  }
0x48e: {  	v56 =	vld.idx.msk [tilespmem:v55+s10+$0x0], $0xffff;
	vm5 =	vle.f32 v53, v20  }
0x48f: {  	v21 =	vmul.f32 $4.645669460e-02, v21;
	v57 =	vsel vm5, $0x2, v0;
	vm6 =	vle.f32 v26, v19  }
0x490: {  	v27 =	vadd.s32 v57, v27;
	v26 =	vsel vm6, $0x2, v0  }
0x491: {  	v21 =	vadd.f32 $1.000000010e-01, v21;
	v28 =	vadd.s32 $0x1, v27;
	v23 =	vadd.s32 v26, v23  }
0x492: {  	v58 =	vld [tilespmem:s16+$0x81A0];
	vm7 =	vle.f32 v25, v18;
	v60 =	vadd.s32 $0x1, v23  }
0x493: {  	[tilespmem:s16+$0x18190] =	vst v21;
	vm8 =	vle.f32 v56, v17;
	v59 =	vsel vm7, $0x2, v0  }
0x494: {  	v62 =	vld.idx.msk [tilespmem:v7+s10+$0x0], $0xffff;
	v32 =	vsel vm8, $0x1, v0;
	v61 =	vadd.s32 v59, v24  }
0x495: {  	v24 =	vsub.s32 v32, v2;
	v26 =	vadd.s32 $0x1, v61  }
0x496: {  	v28 =	vld.idx.msk [tilespmem:v28+s10+$0x0], $0xffff;
	v24 =	vadd.s32 v16, v24  }
0x497: {  	v16 =	vmul.f32 v58, v6;
	vm9 =	vlt.s32 v24, $0x7F;
	v17 =	vld.idx.msk [tilespmem:v60+s10+$0x0], $0xffff  }
0x498: {  	v24 =	vnsel vm9, $0x7F, v24  }
0x499: {  	vm10 =	vle.f32 v62, v16;
	v33 =	vcvt.s32.f32 v24  }
0x49a: {  	v35 =	vsel vm10, $0x40, v0;
	v34 =	vld.idx.msk [tilespmem:v26+s10+$0x0], $0xffff  }
0x49b: {  	vm11 =	vle.f32 v28, v20;
	v36 =	vadd.s32 s25, v35;
	v22 =	vmul.f32 $4.645669460e-02, v33  }
0x49c: {  	v37 =	vsel vm11, $0x1, v0;
	v38 =	vadd.s32 $0x20, v36;
	vm12 =	vle.f32 v17, v19  }
0x49d: {  	v25 =	vsub.s32 v37, v3;
	v22 =	vadd.f32 $1.000000010e-01, v22;
	v19 =	vsel vm12, $0x1, v0  }
0x49e: {  	v39 =	vld [tilespmem:s16+$0x8220];
	v25 =	vadd.s32 v27, v25;
	v19 =	vsub.s32 v19, v4  }
0x49f: {  	vm13 =	vlt.s32 v25, $0x7F;
	[tilespmem:s16+$0x18210] =	vst v22;
	vm14 =	vle.f32 v34, v18;
	v19 =	vadd.s32 v23, v19  }
0x4a0: {  	v40 =	vnsel vm13, $0x7F, v25;
	v42 =	vld.idx.msk [tilespmem:v9+s10+$0x0], $0xffff;
	v41 =	vsel vm14, $0x1, v0;
	vm15 =	vlt.s32 v19, $0x7F  }
0x4a1: {  	v18 =	vcvt.s32.f32 v40;
	v43 =	vld.idx.msk [tilespmem:v38+s10+$0x0], $0xffff;
	v22 =	vsub.s32 v41, v5;
	v19 =	vnsel vm15, $0x7F, v19  }
0x4a2: {  	v21 =	vadd.s32 v61, v22;
	v19 =	vcvt.s32.f32 v19  }
0x4a3: {  	v17 =	vmul.f32 v39, v8;
	v18 =	vmul.f32 $4.645669460e-02, v18;
	vm4 =	vlt.s32 v21, $0x7F  }
0x4a4: {  	v21 =	vnsel vm4, $0x7F, v21;
	v19 =	vmul.f32 $4.645669460e-02, v19  }
0x4a5: {  	v18 =	vadd.f32 $1.000000010e-01, v18;
	vm5 =	vle.f32 v42, v17;
	v21 =	vcvt.s32.f32 v21  }
0x4a6: {  	v44 =	vld [tilespmem:s16+$0x82A0];
	vm6 =	vle.f32 v43, v16;
	v45 =	vsel vm5, $0x40, v0;
	v19 =	vadd.f32 $1.000000010e-01, v19  }
0x4a7: {  	v50 =	vld [tilespmem:s16+$0x8320];
	[tilespmem:s16+$0x18290] =	vst v18;
	v47 =	vsel vm6, $0x20, v0;
	v23 =	vadd.s32 s28, v45;
	v46 =	vmul.f32 $4.645669460e-02, v21  }
0x4a8: {  	v48 =	vld.idx.msk [tilespmem:v11+s10+$0x0], $0xffff;
	v21 =	vadd.s32 v47, v36;
	v49 =	vadd.s32 $0x20, v23;
	[tilespmem:s16+$0x18310] =	vst v19  }
0x4a9: {  	v51 =	vadd.s32 $0x10, v21;
	v18 =	vadd.f32 $1.000000010e-01, v46;
	v53 =	vld.idx.msk [tilespmem:v10+s10+$0x0], $0xffff  }
0x4aa: {  	v52 =	vld [tilespmem:s16+$0x83A0]  }
0x4ab: {  	v20 =	vmul.f32 v44, v13;
	[tilespmem:s16+$0x18390] =	vst v18  }
0x4ac: {  	v19 =	vmul.f32 v50, v14;
	v54 =	vld.idx.msk [tilespmem:v12+s10+$0x0], $0xffff  }
0x4ad: {  	vm7 =	vle.f32 v48, v20;
	v55 =	vld.idx.msk [tilespmem:v49+s10+$0x0], $0xffff  }
0x4ae: {  	v56 =	vsel vm7, $0x40, v0;
	v57 =	vld.idx.msk [tilespmem:v51+s10+$0x0], $0xffff;
	vm8 =	vle.f32 v53, v19  }
0x4af: {  	v18 =	vmul.f32 v52, v15;
	v58 =	vadd.s32 s29, v56;
	v22 =	vsel vm8, $0x40, v0  }
0x4b0: {  	v59 =	vadd.s32 $0x20, v58;
	v22 =	vadd.s32 s21, v22  }
0x4b1: {  	vm9 =	vle.f32 v54, v18;
	v61 =	vadd.s32 $0x20, v22  }
0x4b2: {  	vm10 =	vle.f32 v55, v17;
	v60 =	vsel vm9, $0x40, v0  }
0x4b3: {  	vm11 =	vle.f32 v57, v16;
	v62 =	vsel vm10, $0x20, v0;
	v28 =	vadd.s32 s30, v60  }
0x4b4: {  	v34 =	vsel vm11, $0x10, v0;
	v23 =	vadd.s32 v62, v23;
	v33 =	vadd.s32 $0x20, v28  }
0x4b5: {  	v35 =	vld.idx.msk [tilespmem:v59+s10+$0x0], $0xffff;
	v21 =	vadd.s32 v34, v21;
	v36 =	vadd.s32 $0x10, v23  }
0x4b6: {  	v30 =	vadd.s32 $0x8, v21;
	v24 =	vld.idx.msk [tilespmem:v61+s10+$0x0], $0xffff;
	_ =	sdelay $0x2  }
0x4b7: {  	v29 =	vld.idx.msk [tilespmem:v33+s10+$0x0], $0xffff  }
0x4b8: {  	vm12 =	vle.f32 v35, v20;
	v37 =	vld.idx.msk [tilespmem:v36+s10+$0x0], $0xffff  }
0x4b9: {  	v38 =	vsel vm12, $0x20, v0;
	v30 =	vld.idx.msk [tilespmem:v30+s10+$0x0], $0xffff;
	vm13 =	vle.f32 v24, v19  }
0x4ba: {  	v26 =	vadd.s32 v38, v58;
	v24 =	vsel vm13, $0x20, v0  }
0x4bb: {  	v27 =	vadd.s32 $0x10, v26;
	v22 =	vadd.s32 v24, v22  }
0x4bc: {  	vm14 =	vle.f32 v29, v18;
	v40 =	vadd.s32 $0x10, v22  }
0x4bd: {  	vm15 =	vle.f32 v37, v17;
	v39 =	vsel vm14, $0x20, v0  }
0x4be: {  	vm4 =	vle.f32 v30, v16;
	v41 =	vsel vm15, $0x10, v0;
	v24 =	vadd.s32 v39, v28  }
0x4bf: {  	v30 =	vsel vm4, $0x8, v0;
	v23 =	vadd.s32 v41, v23;
	v42 =	vadd.s32 $0x10, v24  }
0x4c0: {  	v27 =	vld.idx.msk [tilespmem:v27+s10+$0x0], $0xffff;
	v21 =	vadd.s32 v30, v21;
	v28 =	vadd.s32 $0x8, v23  }
0x4c1: {  	v30 =	vadd.s32 $0x4, v21;
	v25 =	vld.idx.msk [tilespmem:v40+s10+$0x0], $0xffff;
	_ =	sdelay $0x2  }
0x4c2: {  	v29 =	vld.idx.msk [tilespmem:v42+s10+$0x0], $0xffff  }
0x4c3: {  	vm5 =	vle.f32 v27, v20;
	v43 =	vld.idx.msk [tilespmem:v28+s10+$0x0], $0xffff  }
0x4c4: {  	v44 =	vsel vm5, $0x10, v0;
	v30 =	vld.idx.msk [tilespmem:v30+s10+$0x0], $0xffff;
	vm6 =	vle.f32 v25, v19  }
0x4c5: {  	v26 =	vadd.s32 v44, v26;
	v25 =	vsel vm6, $0x10, v0  }
0x4c6: {  	v28 =	vadd.s32 $0x8, v26;
	v22 =	vadd.s32 v25, v22  }
0x4c7: {  	vm7 =	vle.f32 v29, v18;
	v46 =	vadd.s32 $0x8, v22  }
0x4c8: {  	vm8 =	vle.f32 v43, v17;
	v45 =	vsel vm7, $0x10, v0  }
0x4c9: {  	vm9 =	vle.f32 v30, v16;
	v47 =	vsel vm8, $0x8, v0;
	v24 =	vadd.s32 v45, v24  }
0x4ca: {  	v30 =	vsel vm9, $0x4, v0;
	v23 =	vadd.s32 v47, v23;
	v48 =	vadd.s32 $0x8, v24  }
0x4cb: {  	v49 =	vld.idx.msk [tilespmem:v28+s10+$0x0], $0xffff;
	v21 =	vadd.s32 v30, v21;
	v50 =	vadd.s32 $0x4, v23  }
0x4cc: {  	v30 =	vadd.s32 $0x2, v21;
	v27 =	vld.idx.msk [tilespmem:v46+s10+$0x0], $0xffff;
	_ =	sdelay $0x2  }
0x4cd: {  	v29 =	vld.idx.msk [tilespmem:v48+s10+$0x0], $0xffff  }
0x4ce: {  	vm10 =	vle.f32 v49, v20;
	v51 =	vld.idx.msk [tilespmem:v50+s10+$0x0], $0xffff  }
0x4cf: {  	v52 =	vsel vm10, $0x8, v0;
	v30 =	vld.idx.msk [tilespmem:v30+s10+$0x0], $0xffff;
	vm11 =	vle.f32 v27, v19  }
0x4d0: {  	v26 =	vadd.s32 v52, v26;
	v27 =	vsel vm11, $0x8, v0  }
0x4d1: {  	v28 =	vadd.s32 $0x4, v26;
	v22 =	vadd.s32 v27, v22  }
0x4d2: {  	vm12 =	vle.f32 v29, v18;
	v54 =	vadd.s32 $0x4, v22  }
0x4d3: {  	vm13 =	vle.f32 v51, v17;
	v53 =	vsel vm12, $0x8, v0  }
0x4d4: {  	vm14 =	vle.f32 v30, v16;
	v55 =	vsel vm13, $0x4, v0;
	v24 =	vadd.s32 v53, v24  }
0x4d5: {  	v30 =	vsel vm14, $0x2, v0;
	v23 =	vadd.s32 v55, v23;
	v56 =	vadd.s32 $0x4, v24  }
0x4d6: {  	v57 =	vld.idx.msk [tilespmem:v28+s10+$0x0], $0xffff;
	v21 =	vadd.s32 v30, v21;
	v58 =	vadd.s32 $0x2, v23  }
0x4d7: {  	v30 =	vadd.s32 $0x1, v21;
	v25 =	vld.idx.msk [tilespmem:v54+s10+$0x0], $0xffff;
	_ =	sdelay $0x2  }
0x4d8: {  	v29 =	vld.idx.msk [tilespmem:v56+s10+$0x0], $0xffff  }
0x4d9: {  	vm15 =	vle.f32 v57, v20;
	v59 =	vld.idx.msk [tilespmem:v58+s10+$0x0], $0xffff  }
0x4da: {  	v60 =	vsel vm15, $0x4, v0;
	v30 =	vld.idx.msk [tilespmem:v30+s10+$0x0], $0xffff;
	vm4 =	vle.f32 v25, v19  }
0x4db: {  	v26 =	vadd.s32 v60, v26;
	v25 =	vsel vm4, $0x4, v0  }
0x4dc: {  	v28 =	vadd.s32 $0x2, v26;
	v22 =	vadd.s32 v25, v22  }
0x4dd: {  	vm5 =	vle.f32 v29, v18;
	v62 =	vadd.s32 $0x2, v22  }
0x4de: {  	v61 =	vsel vm5, $0x4, v0  }
0x4df: {  	vm6 =	vle.f32 v59, v17;
	vm7 =	vle.f32 v30, v16;
	v24 =	vadd.s32 v61, v24  }
0x4e0: {  	v32 =	vsel vm6, $0x2, v0;
	v33 =	vsel vm7, $0x1, v0;
	v25 =	vadd.s32 $0x2, v24  }
0x4e1: {  	v16 =	vadd.s32 v32, v23;
	v34 =	vld.idx.msk [tilespmem:v28+s10+$0x0], $0xffff;
	v35 =	vsub.s32 v33, v1  }
0x4e2: {  	v36 =	vadd.s32 $0x1, v16;
	v21 =	vadd.s32 v21, v35;
	v27 =	vld.idx.msk [tilespmem:v62+s10+$0x0], $0xffff  }
0x4e3: {  	vm8 =	vlt.s32 v21, $0x7F  }
0x4e4: {  	v21 =	vnsel vm8, $0x7F, v21  }
0x4e5: {  	v21 =	vcvt.s32.f32 v21;
	v25 =	vld.idx.msk [tilespmem:v25+s10+$0x0], $0xffff  }
0x4e6: {  	vm9 =	vle.f32 v34, v20  }
0x4e7: {  	v37 =	vld.idx.msk [tilespmem:v36+s10+$0x0], $0xffff;
	v38 =	vsel vm9, $0x2, v0;
	v21 =	vmul.f32 $4.645669460e-02, v21;
	vm10 =	vle.f32 v27, v19  }
0x4e8: {  	v26 =	vadd.s32 v38, v26;
	v27 =	vsel vm10, $0x2, v0  }
0x4e9: {  	v28 =	vadd.s32 $0x1, v26;
	v21 =	vadd.f32 $1.000000010e-01, v21;
	v22 =	vadd.s32 v27, v22  }
0x4ea: {  	v39 =	vld [tilespmem:s16+$0x81B0];
	vm11 =	vle.f32 v25, v18;
	v41 =	vadd.s32 $0x1, v22  }
0x4eb: {  	[tilespmem:s16+$0x181A0] =	vst v21;
	v40 =	vsel vm11, $0x2, v0  }
0x4ec: {  	vm12 =	vle.f32 v37, v17;
	v43 =	vld.idx.msk [tilespmem:v7+s10+$0x0], $0xffff;
	v42 =	vadd.s32 v40, v24  }
0x4ed: {  	v44 =	vsel vm12, $0x1, v0;
	v27 =	vadd.s32 $0x1, v42  }
0x4ee: {  	v24 =	vsub.s32 v44, v2;
	v28 =	vld.idx.msk [tilespmem:v28+s10+$0x0], $0xffff  }
0x4ef: {  	v24 =	vadd.s32 v16, v24;
	v16 =	vmul.f32 v39, v6;
	v17 =	vld.idx.msk [tilespmem:v41+s10+$0x0], $0xffff  }
0x4f0: {  	vm13 =	vlt.s32 v24, $0x7F  }
0x4f1: {  	v24 =	vnsel vm13, $0x7F, v24;
	vm14 =	vle.f32 v43, v16  }
0x4f2: {  	v45 =	vcvt.s32.f32 v24;
	v47 =	vsel vm14, $0x40, v0;
	v46 =	vld.idx.msk [tilespmem:v27+s10+$0x0], $0xffff  }
0x4f3: {  	vm15 =	vle.f32 v28, v20;
	v48 =	vadd.s32 s25, v47  }
0x4f4: {  	v23 =	vmul.f32 $4.645669460e-02, v45;
	v49 =	vsel vm15, $0x1, v0;
	vm4 =	vle.f32 v17, v19  }
0x4f5: {  	v50 =	vadd.s32 $0x20, v48;
	v25 =	vsub.s32 v49, v3;
	v19 =	vsel vm4, $0x1, v0  }
0x4f6: {  	v23 =	vadd.f32 $1.000000010e-01, v23;
	v25 =	vadd.s32 v26, v25;
	v19 =	vsub.s32 v19, v4  }
0x4f7: {  	v51 =	vld [tilespmem:s16+$0x8230];
	vm5 =	vlt.s32 v25, $0x7F;
	vm6 =	vle.f32 v46, v18;
	v19 =	vadd.s32 v22, v19  }
0x4f8: {  	[tilespmem:s16+$0x18220] =	vst v23;
	v52 =	vnsel vm5, $0x7F, v25;
	v53 =	vsel vm6, $0x1, v0;
	vm7 =	vlt.s32 v19, $0x7F  }
0x4f9: {  	v54 =	vld.idx.msk [tilespmem:v9+s10+$0x0], $0xffff;
	v18 =	vcvt.s32.f32 v52;
	v55 =	vsub.s32 v53, v5;
	v19 =	vnsel vm7, $0x7F, v19  }
0x4fa: {  	v21 =	vadd.s32 v42, v55;
	v19 =	vcvt.s32.f32 v19  }
0x4fb: {  	v56 =	vld.idx.msk [tilespmem:v50+s10+$0x0], $0xffff;
	v18 =	vmul.f32 $4.645669460e-02, v18;
	vm8 =	vlt.s32 v21, $0x7F  }
0x4fc: {  	v17 =	vmul.f32 v51, v8;
	v21 =	vnsel vm8, $0x7F, v21;
	v19 =	vmul.f32 $4.645669460e-02, v19  }
0x4fd: {  	v18 =	vadd.f32 $1.000000010e-01, v18;
	v21 =	vcvt.s32.f32 v21  }
0x4fe: {  	v57 =	vld [tilespmem:s16+$0x82B0];
	vm9 =	vle.f32 v54, v17;
	v19 =	vadd.f32 $1.000000010e-01, v19  }
0x4ff: {  	v32 =	vld [tilespmem:s16+$0x8330];
	v58 =	vsel vm9, $0x40, v0;
	[tilespmem:s16+$0x182A0] =	vst v18;
	v59 =	vmul.f32 $4.645669460e-02, v21  }
0x500: {  	vm10 =	vle.f32 v56, v16;
	v23 =	vadd.s32 s28, v58;
	v61 =	vld.idx.msk [tilespmem:v11+s10+$0x0], $0xffff;
	[tilespmem:s16+$0x18320] =	vst v19  }
0x501: {  	v60 =	vsel vm10, $0x20, v0;
	v62 =	vadd.s32 $0x20, v23;
	v18 =	vadd.f32 $1.000000010e-01, v59;
	v35 =	vld.idx.msk [tilespmem:v10+s10+$0x0], $0xffff  }
0x502: {  	v34 =	vld [tilespmem:s16+$0x83B0];
	v21 =	vadd.s32 v60, v48  }
0x503: {  	v20 =	vmul.f32 v57, v13;
	v33 =	vadd.s32 $0x10, v21;
	[tilespmem:s16+$0x183A0] =	vst v18  }
0x504: {  	v19 =	vmul.f32 v32, v14;
	v36 =	vld.idx.msk [tilespmem:v12+s10+$0x0], $0xffff  }
0x505: {  	vm11 =	vle.f32 v61, v20  }
0x506: {  	v37 =	vld.idx.msk [tilespmem:v62+s10+$0x0], $0xffff;
	v38 =	vsel vm11, $0x40, v0;
	vm12 =	vle.f32 v35, v19  }
0x507: {  	v18 =	vmul.f32 v34, v15;
	v40 =	vadd.s32 s29, v38;
	v22 =	vsel vm12, $0x40, v0  }
0x508: {  	v39 =	vld.idx.msk [tilespmem:v33+s10+$0x0], $0xffff;
	v41 =	vadd.s32 $0x20, v40;
	v22 =	vadd.s32 s21, v22  }
0x509: {  	vm13 =	vle.f32 v36, v18;
	v43 =	vadd.s32 $0x20, v22  }
0x50a: {  	v42 =	vsel vm13, $0x40, v0  }
0x50b: {  	vm14 =	vle.f32 v37, v17;
	v28 =	vadd.s32 s30, v42  }
0x50c: {  	v44 =	vsel vm14, $0x20, v0;
	v45 =	vadd.s32 $0x20, v28  }
0x50d: {  	vm15 =	vle.f32 v39, v16;
	v23 =	vadd.s32 v44, v23;
	v47 =	vld.idx.msk [tilespmem:v41+s10+$0x0], $0xffff  }
0x50e: {  	v46 =	vsel vm15, $0x10, v0;
	v48 =	vadd.s32 $0x10, v23;
	v24 =	vld.idx.msk [tilespmem:v43+s10+$0x0], $0xffff  }
0x50f: {  	v21 =	vadd.s32 v46, v21  }
0x510: {  	v30 =	vadd.s32 $0x8, v21  }
0x511: {  	v29 =	vld.idx.msk [tilespmem:v45+s10+$0x0], $0xffff  }
0x512: {  	vm4 =	vle.f32 v47, v20  }
0x513: {  	v49 =	vld.idx.msk [tilespmem:v48+s10+$0x0], $0xffff;
	v50 =	vsel vm4, $0x20, v0;
	vm5 =	vle.f32 v24, v19  }
0x514: {  	v26 =	vadd.s32 v50, v40;
	v24 =	vsel vm5, $0x20, v0  }
0x515: {  	v30 =	vld.idx.msk [tilespmem:v30+s10+$0x0], $0xffff;
	v27 =	vadd.s32 $0x10, v26;
	v22 =	vadd.s32 v24, v22  }
0x516: {  	vm6 =	vle.f32 v29, v18;
	v52 =	vadd.s32 $0x10, v22  }
0x517: {  	v51 =	vsel vm6, $0x20, v0  }
0x518: {  	vm7 =	vle.f32 v49, v17;
	v24 =	vadd.s32 v51, v28  }
0x519: {  	v53 =	vsel vm7, $0x10, v0;
	v54 =	vadd.s32 $0x10, v24  }
0x51a: {  	vm8 =	vle.f32 v30, v16;
	v23 =	vadd.s32 v53, v23;
	v27 =	vld.idx.msk [tilespmem:v27+s10+$0x0], $0xffff  }
0x51b: {  	v30 =	vsel vm8, $0x8, v0;
	v28 =	vadd.s32 $0x8, v23;
	v25 =	vld.idx.msk [tilespmem:v52+s10+$0x0], $0xffff  }
0x51c: {  	v21 =	vadd.s32 v30, v21  }
0x51d: {  	v30 =	vadd.s32 $0x4, v21  }
0x51e: {  	v29 =	vld.idx.msk [tilespmem:v54+s10+$0x0], $0xffff  }
0x51f: {  	vm9 =	vle.f32 v27, v20  }
0x520: {  	v55 =	vld.idx.msk [tilespmem:v28+s10+$0x0], $0xffff;
	v56 =	vsel vm9, $0x10, v0;
	vm10 =	vle.f32 v25, v19  }
0x521: {  	v26 =	vadd.s32 v56, v26;
	v25 =	vsel vm10, $0x10, v0  }
0x522: {  	v30 =	vld.idx.msk [tilespmem:v30+s10+$0x0], $0xffff;
	v28 =	vadd.s32 $0x8, v26;
	v22 =	vadd.s32 v25, v22  }
0x523: {  	vm11 =	vle.f32 v29, v18;
	v58 =	vadd.s32 $0x8, v22  }
0x524: {  	v57 =	vsel vm11, $0x10, v0  }
0x525: {  	vm12 =	vle.f32 v55, v17;
	v24 =	vadd.s32 v57, v24  }
0x526: {  	v59 =	vsel vm12, $0x8, v0;
	v60 =	vadd.s32 $0x8, v24  }
0x527: {  	vm13 =	vle.f32 v30, v16;
	v23 =	vadd.s32 v59, v23;
	v61 =	vld.idx.msk [tilespmem:v28+s10+$0x0], $0xffff  }
0x528: {  	v30 =	vsel vm13, $0x4, v0;
	v62 =	vadd.s32 $0x4, v23;
	v27 =	vld.idx.msk [tilespmem:v58+s10+$0x0], $0xffff  }
0x529: {  	v21 =	vadd.s32 v30, v21  }
0x52a: {  	v30 =	vadd.s32 $0x2, v21  }
0x52b: {  	v29 =	vld.idx.msk [tilespmem:v60+s10+$0x0], $0xffff  }
0x52c: {  	vm14 =	vle.f32 v61, v20  }
0x52d: {  	v33 =	vld.idx.msk [tilespmem:v62+s10+$0x0], $0xffff;
	v34 =	vsel vm14, $0x8, v0;
	vm15 =	vle.f32 v27, v19  }
0x52e: {  	v26 =	vadd.s32 v34, v26;
	v27 =	vsel vm15, $0x8, v0  }
0x52f: {  	v30 =	vld.idx.msk [tilespmem:v30+s10+$0x0], $0xffff;
	v28 =	vadd.s32 $0x4, v26;
	v22 =	vadd.s32 v27, v22  }
0x530: {  	vm4 =	vle.f32 v29, v18;
	v36 =	vadd.s32 $0x4, v22  }
0x531: {  	v35 =	vsel vm4, $0x8, v0  }
0x532: {  	vm5 =	vle.f32 v33, v17;
	v24 =	vadd.s32 v35, v24  }
0x533: {  	v37 =	vsel vm5, $0x4, v0;
	v38 =	vadd.s32 $0x4, v24  }
0x534: {  	vm6 =	vle.f32 v30, v16;
	v23 =	vadd.s32 v37, v23;
	v39 =	vld.idx.msk [tilespmem:v28+s10+$0x0], $0xffff  }
0x535: {  	v30 =	vsel vm6, $0x2, v0;
	v40 =	vadd.s32 $0x2, v23;
	v25 =	vld.idx.msk [tilespmem:v36+s10+$0x0], $0xffff  }
0x536: {  	v21 =	vadd.s32 v30, v21  }
0x537: {  	v30 =	vadd.s32 $0x1, v21  }
0x538: {  	v29 =	vld.idx.msk [tilespmem:v38+s10+$0x0], $0xffff  }
0x539: {  	vm7 =	vle.f32 v39, v20  }
0x53a: {  	v41 =	vld.idx.msk [tilespmem:v40+s10+$0x0], $0xffff;
	v42 =	vsel vm7, $0x4, v0;
	vm8 =	vle.f32 v25, v19  }
0x53b: {  	v26 =	vadd.s32 v42, v26;
	v25 =	vsel vm8, $0x4, v0  }
0x53c: {  	v30 =	vld.idx.msk [tilespmem:v30+s10+$0x0], $0xffff;
	v28 =	vadd.s32 $0x2, v26;
	v22 =	vadd.s32 v25, v22  }
0x53d: {  	vm9 =	vle.f32 v29, v18;
	v44 =	vadd.s32 $0x2, v22  }
0x53e: {  	v43 =	vsel vm9, $0x4, v0  }
0x53f: {  	vm10 =	vle.f32 v41, v17;
	v24 =	vadd.s32 v43, v24  }
0x540: {  	v45 =	vsel vm10, $0x2, v0;
	v25 =	vadd.s32 $0x2, v24  }
0x541: {  	vm11 =	vle.f32 v30, v16;
	v16 =	vadd.s32 v45, v23;
	v47 =	vld.idx.msk [tilespmem:v28+s10+$0x0], $0xffff  }
0x542: {  	v49 =	vadd.s32 $0x1, v16;
	v27 =	vld.idx.msk [tilespmem:v44+s10+$0x0], $0xffff;
	_ =	sdelay $0x2  }
0x543: {  	v25 =	vld.idx.msk [tilespmem:v25+s10+$0x0], $0xffff  }
0x544: {  	vm13 =	vle.f32 v47, v20  }
0x545: {  	v46 =	vsel vm11, $0x1, v0;
	v50 =	vld.idx.msk [tilespmem:v49+s10+$0x0], $0xffff;
	v51 =	vsel vm13, $0x2, v0;
	vm14 =	vle.f32 v27, v19  }
0x546: {  	v48 =	vsub.s32 v46, v1;
	v26 =	vadd.s32 v51, v26;
	v27 =	vsel vm14, $0x2, v0  }
0x547: {  	v21 =	vadd.s32 v21, v48;
	v28 =	vadd.s32 $0x1, v26;
	v22 =	vadd.s32 v27, v22  }
0x548: {  	vm12 =	vlt.s32 v21, $0x7F;
	vm15 =	vle.f32 v25, v18;
	v53 =	vadd.s32 $0x1, v22  }
0x549: {  	v21 =	vnsel vm12, $0x7F, v21;
	v25 =	vsel vm15, $0x2, v0  }
0x54a: {  	v21 =	vcvt.s32.f32 v21;
	vm4 =	vle.f32 v50, v17;
	v54 =	vadd.s32 v25, v24  }
0x54b: {  	v56 =	vsel vm4, $0x1, v0;
	v57 =	vadd.s32 $0x1, v54  }
0x54c: {  	v21 =	vmul.f32 $4.645669460e-02, v21;
	v25 =	vsub.s32 v56, v2;
	v28 =	vld.idx.msk [tilespmem:v28+s10+$0x0], $0xffff  }
0x54d: {  	v25 =	vadd.s32 v16, v25;
	v17 =	vld.idx.msk [tilespmem:v53+s10+$0x0], $0xffff  }
0x54e: {  	v52 =	vld [tilespmem:s16+$0x81C0];
	v21 =	vadd.f32 $1.000000010e-01, v21;
	vm5 =	vlt.s32 v25, $0x7F  }
0x54f: {  	v58 =	vnsel vm5, $0x7F, v25  }
0x550: {  	[tilespmem:s16+$0x181B0] =	vst v21;
	v21 =	vcvt.s32.f32 v58;
	v59 =	vld.idx.msk [tilespmem:v57+s10+$0x0], $0xffff  }
0x551: {  	vm7 =	vle.f32 v28, v20  }
0x552: {  	v21 =	vmul.f32 $4.645669460e-02, v21;
	v61 =	vsel vm7, $0x1, v0;
	vm8 =	vle.f32 v17, v19  }
0x553: {  	v55 =	vld.idx.msk [tilespmem:v7+s10+$0x0], $0xffff;
	v16 =	vmul.f32 v52, v6;
	v28 =	vsub.s32 v61, v3;
	v19 =	vsel vm8, $0x1, v0  }
0x554: {  	v21 =	vadd.f32 $1.000000010e-01, v21;
	v20 =	vadd.s32 v26, v28;
	v19 =	vsub.s32 v19, v4  }
0x555: {  	v29 =	vld [tilespmem:s16+$0x8240];
	vm9 =	vlt.s32 v20, $0x7F;
	vm10 =	vle.f32 v59, v18;
	v19 =	vadd.s32 v22, v19  }
0x556: {  	[tilespmem:s16+$0x18230] =	vst v21;
	v30 =	vnsel vm9, $0x7F, v20;
	v31 =	vsel vm10, $0x1, v0;
	vm11 =	vlt.s32 v19, $0x7F  }
0x557: {  	v21 =	vld.idx.msk [tilespmem:v9+s10+$0x0], $0xffff;
	v18 =	vcvt.s32.f32 v30;
	v20 =	vsub.s32 v31, v5;
	v19 =	vnsel vm11, $0x7F, v19  }
0x558: {  	vm6 =	vle.f32 v55, v16;
	v20 =	vadd.s32 v54, v20;
	v34 =	vcvt.s32.f32 v19  }
0x559: {  	v60 =	vsel vm6, $0x40, v0;
	v33 =	vmul.f32 $4.645669460e-02, v18;
	vm12 =	vlt.s32 v20, $0x7F  }
0x55a: {  	v18 =	vmul.f32 v29, v8;
	v35 =	vnsel vm12, $0x7F, v20;
	v17 =	vmul.f32 $4.645669460e-02, v34  }
0x55b: {  	v62 =	vadd.s32 s25, v60;
	v36 =	vadd.f32 $1.000000010e-01, v33;
	v19 =	vcvt.s32.f32 v35  }
0x55c: {  	v37 =	vld [tilespmem:s16+$0x82C0];
	v32 =	vadd.s32 $0x20, v62;
	vm13 =	vle.f32 v21, v18;
	v17 =	vadd.f32 $1.000000010e-01, v17  }
0x55d: {  	v41 =	vld [tilespmem:s16+$0x8340];
	v38 =	vsel vm13, $0x40, v0;
	[tilespmem:s16+$0x182B0] =	vst v36;
	v19 =	vmul.f32 $4.645669460e-02, v19  }
0x55e: {  	v23 =	vadd.s32 s28, v38;
	v39 =	vld.idx.msk [tilespmem:v11+s10+$0x0], $0xffff;
	[tilespmem:s16+$0x18330] =	vst v17  }
0x55f: {  	v40 =	vadd.s32 $0x20, v23;
	v19 =	vadd.f32 $1.000000010e-01, v19;
	v43 =	vld.idx.msk [tilespmem:v10+s10+$0x0], $0xffff  }
0x560: {  	v42 =	vld [tilespmem:s16+$0x83C0]  }
0x561: {  	v22 =	vld.idx.msk [tilespmem:v32+s10+$0x0], $0xffff;
	v20 =	vmul.f32 v37, v13;
	[tilespmem:s16+$0x183B0] =	vst v19  }
0x562: {  	v19 =	vmul.f32 v41, v14;
	v44 =	vld.idx.msk [tilespmem:v12+s10+$0x0], $0xffff  }
0x563: {  	vm14 =	vle.f32 v39, v20  }
0x564: {  	v45 =	vld.idx.msk [tilespmem:v40+s10+$0x0], $0xffff;
	v46 =	vsel vm14, $0x40, v0;
	vm4 =	vle.f32 v43, v19  }
0x565: {  	v17 =	vmul.f32 v42, v15;
	v47 =	vadd.s32 s29, v46;
	v51 =	vsel vm4, $0x40, v0  }
0x566: {  	vm15 =	vle.f32 v22, v16;
	v49 =	vadd.s32 $0x20, v47;
	v25 =	vadd.s32 s21, v51  }
0x567: {  	v48 =	vsel vm15, $0x20, v0;
	vm5 =	vle.f32 v44, v17;
	v52 =	vadd.s32 $0x20, v25  }
0x568: {  	v50 =	vadd.s32 v48, v62;
	v28 =	vsel vm5, $0x40, v0  }
0x569: {  	v27 =	vadd.s32 $0x10, v50;
	vm6 =	vle.f32 v45, v18;
	v28 =	vadd.s32 s30, v28  }
0x56a: {  	v53 =	vsel vm6, $0x20, v0;
	v54 =	vadd.s32 $0x20, v28  }
0x56b: {  	v23 =	vadd.s32 v53, v23;
	v26 =	vld.idx.msk [tilespmem:v49+s10+$0x0], $0xffff  }
0x56c: {  	v29 =	vadd.s32 $0x10, v23;
	v24 =	vld.idx.msk [tilespmem:v52+s10+$0x0], $0xffff;
	_ =	sdelay $0x1  }
0x56d: {  	v27 =	vld.idx.msk [tilespmem:v27+s10+$0x0], $0xffff  }
0x56e: {  	v30 =	vld.idx.msk [tilespmem:v54+s10+$0x0], $0xffff  }
0x56f: {  	vm7 =	vle.f32 v26, v20  }
0x570: {  	v55 =	vld.idx.msk [tilespmem:v29+s10+$0x0], $0xffff;
	v56 =	vsel vm7, $0x20, v0;
	vm9 =	vle.f32 v24, v19  }
0x571: {  	v22 =	vadd.s32 v56, v47;
	v24 =	vsel vm9, $0x20, v0  }
0x572: {  	vm8 =	vle.f32 v27, v16;
	v29 =	vadd.s32 $0x10, v22;
	v24 =	vadd.s32 v24, v25  }
0x573: {  	v27 =	vsel vm8, $0x10, v0;
	vm10 =	vle.f32 v30, v17;
	v58 =	vadd.s32 $0x10, v24  }
0x574: {  	v21 =	vadd.s32 v27, v50;
	v57 =	vsel vm10, $0x20, v0  }
0x575: {  	v27 =	vadd.s32 $0x8, v21;
	vm11 =	vle.f32 v55, v18;
	v25 =	vadd.s32 v57, v28  }
0x576: {  	v59 =	vsel vm11, $0x10, v0;
	v60 =	vadd.s32 $0x10, v25  }
0x577: {  	v23 =	vadd.s32 v59, v23;
	v61 =	vld.idx.msk [tilespmem:v29+s10+$0x0], $0xffff  }
0x578: {  	v62 =	vadd.s32 $0x8, v23;
	v26 =	vld.idx.msk [tilespmem:v58+s10+$0x0], $0xffff;
	_ =	sdelay $0x1  }
0x579: {  	v27 =	vld.idx.msk [tilespmem:v27+s10+$0x0], $0xffff  }
0x57a: {  	v30 =	vld.idx.msk [tilespmem:v60+s10+$0x0], $0xffff  }
0x57b: {  	vm12 =	vle.f32 v61, v20  }
0x57c: {  	v33 =	vld.idx.msk [tilespmem:v62+s10+$0x0], $0xffff;
	v34 =	vsel vm12, $0x10, v0;
	vm14 =	vle.f32 v26, v19  }
0x57d: {  	v22 =	vadd.s32 v34, v22;
	v26 =	vsel vm14, $0x10, v0  }
0x57e: {  	vm13 =	vle.f32 v27, v16;
	v29 =	vadd.s32 $0x8, v22;
	v24 =	vadd.s32 v26, v24  }
0x57f: {  	v27 =	vsel vm13, $0x8, v0;
	vm15 =	vle.f32 v30, v17;
	v36 =	vadd.s32 $0x8, v24  }
0x580: {  	v21 =	vadd.s32 v27, v21;
	v35 =	vsel vm15, $0x10, v0  }
0x581: {  	v27 =	vadd.s32 $0x4, v21;
	vm4 =	vle.f32 v33, v18;
	v25 =	vadd.s32 v35, v25  }
0x582: {  	v37 =	vsel vm4, $0x8, v0;
	v38 =	vadd.s32 $0x8, v25  }
0x583: {  	v23 =	vadd.s32 v37, v23;
	v39 =	vld.idx.msk [tilespmem:v29+s10+$0x0], $0xffff  }
0x584: {  	v40 =	vadd.s32 $0x4, v23;
	v28 =	vld.idx.msk [tilespmem:v36+s10+$0x0], $0xffff;
	_ =	sdelay $0x1  }
0x585: {  	v27 =	vld.idx.msk [tilespmem:v27+s10+$0x0], $0xffff  }
0x586: {  	v30 =	vld.idx.msk [tilespmem:v38+s10+$0x0], $0xffff  }
0x587: {  	vm5 =	vle.f32 v39, v20  }
0x588: {  	v41 =	vld.idx.msk [tilespmem:v40+s10+$0x0], $0xffff;
	v42 =	vsel vm5, $0x8, v0;
	vm7 =	vle.f32 v28, v19  }
0x589: {  	v22 =	vadd.s32 v42, v22;
	v43 =	vsel vm7, $0x8, v0  }
0x58a: {  	vm6 =	vle.f32 v27, v16;
	v29 =	vadd.s32 $0x4, v22;
	v24 =	vadd.s32 v43, v24  }
0x58b: {  	v27 =	vsel vm6, $0x4, v0;
	vm8 =	vle.f32 v30, v17;
	v46 =	vadd.s32 $0x4, v24  }
0x58c: {  	v21 =	vadd.s32 v27, v21;
	v45 =	vsel vm8, $0x8, v0  }
0x58d: {  	v44 =	vadd.s32 $0x2, v21;
	vm9 =	vle.f32 v41, v18;
	v25 =	vadd.s32 v45, v25  }
0x58e: {  	v47 =	vsel vm9, $0x4, v0;
	v48 =	vadd.s32 $0x4, v25  }
0x58f: {  	v23 =	vadd.s32 v47, v23;
	v49 =	vld.idx.msk [tilespmem:v29+s10+$0x0], $0xffff  }
0x590: {  	v50 =	vadd.s32 $0x2, v23;
	v26 =	vld.idx.msk [tilespmem:v46+s10+$0x0], $0xffff;
	_ =	sdelay $0x1  }
0x591: {  	v28 =	vld.idx.msk [tilespmem:v44+s10+$0x0], $0xffff  }
0x592: {  	v30 =	vld.idx.msk [tilespmem:v48+s10+$0x0], $0xffff  }
0x593: {  	vm10 =	vle.f32 v49, v20  }
0x594: {  	v51 =	vld.idx.msk [tilespmem:v50+s10+$0x0], $0xffff;
	v52 =	vsel vm10, $0x4, v0;
	vm12 =	vle.f32 v26, v19  }
0x595: {  	v22 =	vadd.s32 v52, v22;
	v26 =	vsel vm12, $0x4, v0  }
0x596: {  	vm11 =	vle.f32 v28, v16;
	v29 =	vadd.s32 $0x2, v22;
	v24 =	vadd.s32 v26, v24  }
0x597: {  	v28 =	vsel vm11, $0x2, v0;
	vm13 =	vle.f32 v30, v17;
	v54 =	vadd.s32 $0x2, v24  }
0x598: {  	v21 =	vadd.s32 v28, v21;
	v53 =	vsel vm13, $0x4, v0  }
0x599: {  	v28 =	vadd.s32 $0x1, v21;
	vm14 =	vle.f32 v51, v18;
	v25 =	vadd.s32 v53, v25  }
0x59a: {  	v55 =	vsel vm14, $0x2, v0;
	v56 =	vadd.s32 $0x2, v25  }
0x59b: {  	v23 =	vadd.s32 v55, v23;
	v57 =	vld.idx.msk [tilespmem:v29+s10+$0x0], $0xffff  }
0x59c: {  	v58 =	vadd.s32 $0x1, v23;
	v27 =	vld.idx.msk [tilespmem:v54+s10+$0x0], $0xffff;
	_ =	sdelay $0x1  }
0x59d: {  	v28 =	vld.idx.msk [tilespmem:v28+s10+$0x0], $0xffff  }
0x59e: {  	v30 =	vld.idx.msk [tilespmem:v56+s10+$0x0], $0xffff  }
0x59f: {  	vm15 =	vle.f32 v57, v20  }
0x5a0: {  	v59 =	vld.idx.msk [tilespmem:v58+s10+$0x0], $0xffff;
	v60 =	vsel vm15, $0x2, v0;
	vm4 =	vle.f32 v27, v19  }
0x5a1: {  	v22 =	vadd.s32 v60, v22;
	v61 =	vsel vm4, $0x2, v0  }
0x5a2: {  	vm5 =	vle.f32 v28, v16;
	v29 =	vadd.s32 $0x1, v22;
	v16 =	vadd.s32 v61, v24  }
0x5a3: {  	vm6 =	vle.f32 v30, v17;
	v30 =	vadd.s32 $0x1, v16  }
0x5a4: {  	v28 =	vsel vm6, $0x2, v0  }
0x5a5: {  	v62 =	vsel vm5, $0x1, v0;
	vm7 =	vle.f32 v59, v18;
	v24 =	vadd.s32 v28, v25  }
0x5a6: {  	v31 =	vsub.s32 v62, v1;
	v26 =	vsel vm7, $0x1, v0;
	v32 =	vadd.s32 $0x1, v24  }
0x5a7: {  	v21 =	vadd.s32 v21, v31;
	v33 =	vsub.s32 v26, v2;
	v34 =	vld.idx.msk [tilespmem:v29+s10+$0x0], $0xffff  }
0x5a8: {  	vm8 =	vlt.s32 v21, $0x7F;
	v23 =	vadd.s32 v23, v33;
	v18 =	vld.idx.msk [tilespmem:v30+s10+$0x0], $0xffff  }
0x5a9: {  	v21 =	vnsel vm8, $0x7F, v21;
	vm9 =	vlt.s32 v23, $0x7F  }
0x5aa: {  	v21 =	vcvt.s32.f32 v21;
	v23 =	vnsel vm9, $0x7F, v23  }
0x5ab: {  	v23 =	vcvt.s32.f32 v23;
	v35 =	vld.idx.msk [tilespmem:v32+s10+$0x0], $0xffff  }
0x5ac: {  	v21 =	vmul.f32 $4.645669460e-02, v21;
	vm10 =	vle.f32 v34, v20  }
0x5ad: {  	v36 =	vmul.f32 $4.645669460e-02, v23;
	v37 =	vsel vm10, $0x1, v0;
	vm11 =	vle.f32 v18, v19  }
0x5ae: {  	v21 =	vadd.f32 $1.000000010e-01, v21;
	v23 =	vsub.s32 v37, v3;
	v18 =	vsel vm11, $0x1, v0  }
0x5af: {  	v38 =	vld [tilespmem:s16+$0x81D0];
	v20 =	vadd.f32 $1.000000010e-01, v36;
	v22 =	vadd.s32 v22, v23;
	v18 =	vsub.s32 v18, v4  }
0x5b0: {  	v42 =	vld [tilespmem:s16+$0x8250];
	[tilespmem:s16+$0x181C0] =	vst v21;
	vm12 =	vlt.s32 v22, $0x7F;
	vm13 =	vle.f32 v35, v17;
	v18 =	vadd.s32 v16, v18  }
0x5b1: {  	v39 =	vld.idx.msk [tilespmem:v7+s10+$0x0], $0xffff;
	v40 =	vnsel vm12, $0x7F, v22;
	[tilespmem:s16+$0x18240] =	vst v20;
	v41 =	vsel vm13, $0x1, v0;
	vm14 =	vlt.s32 v18, $0x7F  }
0x5b2: {  	v19 =	vcvt.s32.f32 v40;
	v44 =	vld.idx.msk [tilespmem:v9+s10+$0x0], $0xffff;
	v21 =	vsub.s32 v41, v5;
	v18 =	vnsel vm14, $0x7F, v18  }
0x5b3: {  	v43 =	vadd.s32 v24, v21;
	v18 =	vcvt.s32.f32 v18  }
0x5b4: {  	v16 =	vmul.f32 v38, v6;
	v19 =	vmul.f32 $4.645669460e-02, v19;
	vm15 =	vlt.s32 v43, $0x7F  }
0x5b5: {  	v17 =	vmul.f32 v42, v8;
	v20 =	vnsel vm15, $0x7F, v43;
	v18 =	vmul.f32 $4.645669460e-02, v18  }
0x5b6: {  	vm4 =	vle.f32 v39, v16;
	v19 =	vadd.f32 $1.000000010e-01, v19;
	v20 =	vcvt.s32.f32 v20  }
0x5b7: {  	v46 =	vld [tilespmem:s16+$0x82D0];
	v45 =	vsel vm4, $0x40, v0;
	vm5 =	vle.f32 v44, v17;
	v18 =	vadd.f32 $1.000000010e-01, v18  }
0x5b8: {  	v51 =	vld [tilespmem:s16+$0x8350];
	v23 =	vadd.s32 s25, v45;
	[tilespmem:s16+$0x182C0] =	vst v19;
	v50 =	vsel vm5, $0x40, v0;
	v47 =	vmul.f32 $4.645669460e-02, v20  }
0x5b9: {  	v48 =	vadd.s32 $0x20, v23;
	v49 =	vld.idx.msk [tilespmem:v11+s10+$0x0], $0xffff;
	v24 =	vadd.s32 s28, v50;
	[tilespmem:s16+$0x18340] =	vst v18  }
0x5ba: {  	v54 =	vadd.s32 $0x20, v24;
	v52 =	vadd.f32 $1.000000010e-01, v47;
	v55 =	vld.idx.msk [tilespmem:v10+s10+$0x0], $0xffff  }
0x5bb: {  	v53 =	vld [tilespmem:s16+$0x83D0]  }
0x5bc: {  	v19 =	vmul.f32 v46, v13;
	[tilespmem:s16+$0x183C0] =	vst v52  }
0x5bd: {  	v20 =	vmul.f32 v51, v14;
	v26 =	vld.idx.msk [tilespmem:v12+s10+$0x0], $0xffff  }
0x5be: {  	v56 =	vld.idx.msk [tilespmem:v48+s10+$0x0], $0xffff;
	vm6 =	vle.f32 v49, v19  }
0x5bf: {  	v21 =	vsel vm6, $0x40, v0;
	v57 =	vld.idx.msk [tilespmem:v54+s10+$0x0], $0xffff;
	vm7 =	vle.f32 v55, v20  }
0x5c0: {  	v18 =	vmul.f32 v53, v15;
	v21 =	vadd.s32 s29, v21;
	v22 =	vsel vm7, $0x40, v0  }
0x5c1: {  	v58 =	vadd.s32 $0x20, v21;
	v22 =	vadd.s32 s21, v22  }
0x5c2: {  	vm8 =	vle.f32 v26, v18;
	v59 =	vadd.s32 $0x20, v22  }
0x5c3: {  	vm9 =	vle.f32 v56, v16;
	v26 =	vsel vm8, $0x40, v0  }
0x5c4: {  	v28 =	vsel vm9, $0x20, v0;
	vm10 =	vle.f32 v57, v17;
	v26 =	vadd.s32 s30, v26  }
0x5c5: {  	v23 =	vadd.s32 v28, v23;
	v33 =	vsel vm10, $0x20, v0;
	v60 =	vadd.s32 $0x20, v26  }
0x5c6: {  	v61 =	vadd.s32 $0x10, v23;
	v62 =	vld.idx.msk [tilespmem:v58+s10+$0x0], $0xffff;
	v24 =	vadd.s32 v33, v24  }
0x5c7: {  	v27 =	vadd.s32 $0x10, v24;
	v29 =	vld.idx.msk [tilespmem:v59+s10+$0x0], $0xffff;
	_ =	sdelay $0x2  }
0x5c8: {  	v28 =	vld.idx.msk [tilespmem:v60+s10+$0x0], $0xffff  }
0x5c9: {  	v30 =	vld.idx.msk [tilespmem:v61+s10+$0x0], $0xffff;
	vm11 =	vle.f32 v62, v19  }
0x5ca: {  	v25 =	vsel vm11, $0x20, v0;
	v34 =	vld.idx.msk [tilespmem:v27+s10+$0x0], $0xffff;
	vm12 =	vle.f32 v29, v20  }
0x5cb: {  	v21 =	vadd.s32 v25, v21;
	v29 =	vsel vm12, $0x20, v0  }
0x5cc: {  	v35 =	vadd.s32 $0x10, v21;
	v22 =	vadd.s32 v29, v22  }
0x5cd: {  	vm13 =	vle.f32 v28, v18;
	v37 =	vadd.s32 $0x10, v22  }
0x5ce: {  	vm14 =	vle.f32 v30, v16;
	v28 =	vsel vm13, $0x20, v0  }
0x5cf: {  	v36 =	vsel vm14, $0x10, v0;
	vm15 =	vle.f32 v34, v17;
	v26 =	vadd.s32 v28, v26  }
0x5d0: {  	v23 =	vadd.s32 v36, v23;
	v39 =	vsel vm15, $0x10, v0;
	v28 =	vadd.s32 $0x10, v26  }
0x5d1: {  	v29 =	vadd.s32 $0x8, v23;
	v38 =	vld.idx.msk [tilespmem:v35+s10+$0x0], $0xffff;
	v24 =	vadd.s32 v39, v24  }
0x5d2: {  	v27 =	vadd.s32 $0x8, v24;
	v30 =	vld.idx.msk [tilespmem:v37+s10+$0x0], $0xffff;
	_ =	sdelay $0x2  }
0x5d3: {  	v28 =	vld.idx.msk [tilespmem:v28+s10+$0x0], $0xffff  }
0x5d4: {  	v29 =	vld.idx.msk [tilespmem:v29+s10+$0x0], $0xffff;
	vm4 =	vle.f32 v38, v19  }
0x5d5: {  	v25 =	vsel vm4, $0x10, v0;
	v40 =	vld.idx.msk [tilespmem:v27+s10+$0x0], $0xffff;
	vm5 =	vle.f32 v30, v20  }
0x5d6: {  	v21 =	vadd.s32 v25, v21;
	v30 =	vsel vm5, $0x10, v0  }
0x5d7: {  	v41 =	vadd.s32 $0x8, v21;
	v22 =	vadd.s32 v30, v22  }
0x5d8: {  	vm6 =	vle.f32 v28, v18;
	v30 =	vadd.s32 $0x8, v22  }
0x5d9: {  	vm7 =	vle.f32 v29, v16;
	v28 =	vsel vm6, $0x10, v0  }
0x5da: {  	v29 =	vsel vm7, $0x8, v0;
	vm8 =	vle.f32 v40, v17;
	v26 =	vadd.s32 v28, v26  }
0x5db: {  	v23 =	vadd.s32 v29, v23;
	v43 =	vsel vm8, $0x8, v0;
	v28 =	vadd.s32 $0x8, v26  }
0x5dc: {  	v29 =	vadd.s32 $0x4, v23;
	v42 =	vld.idx.msk [tilespmem:v41+s10+$0x0], $0xffff;
	v24 =	vadd.s32 v43, v24  }
0x5dd: {  	v27 =	vadd.s32 $0x4, v24;
	v30 =	vld.idx.msk [tilespmem:v30+s10+$0x0], $0xffff;
	_ =	sdelay $0x2  }
0x5de: {  	v28 =	vld.idx.msk [tilespmem:v28+s10+$0x0], $0xffff  }
0x5df: {  	v29 =	vld.idx.msk [tilespmem:v29+s10+$0x0], $0xffff;
	vm9 =	vle.f32 v42, v19  }
0x5e0: {  	v25 =	vsel vm9, $0x8, v0;
	v44 =	vld.idx.msk [tilespmem:v27+s10+$0x0], $0xffff;
	vm10 =	vle.f32 v30, v20  }
0x5e1: {  	v21 =	vadd.s32 v25, v21;
	v30 =	vsel vm10, $0x8, v0  }
0x5e2: {  	v45 =	vadd.s32 $0x4, v21;
	v22 =	vadd.s32 v30, v22  }
0x5e3: {  	vm11 =	vle.f32 v28, v18;
	v30 =	vadd.s32 $0x4, v22  }
0x5e4: {  	vm12 =	vle.f32 v29, v16;
	v28 =	vsel vm11, $0x8, v0  }
0x5e5: {  	v29 =	vsel vm12, $0x4, v0;
	vm13 =	vle.f32 v44, v17;
	v26 =	vadd.s32 v28, v26  }
0x5e6: {  	v23 =	vadd.s32 v29, v23;
	v47 =	vsel vm13, $0x4, v0;
	v28 =	vadd.s32 $0x4, v26  }
0x5e7: {  	v29 =	vadd.s32 $0x2, v23;
	v46 =	vld.idx.msk [tilespmem:v45+s10+$0x0], $0xffff;
	v24 =	vadd.s32 v47, v24  }
0x5e8: {  	v27 =	vadd.s32 $0x2, v24;
	v30 =	vld.idx.msk [tilespmem:v30+s10+$0x0], $0xffff;
	_ =	sdelay $0x2  }
0x5e9: {  	v28 =	vld.idx.msk [tilespmem:v28+s10+$0x0], $0xffff  }
0x5ea: {  	v29 =	vld.idx.msk [tilespmem:v29+s10+$0x0], $0xffff;
	vm14 =	vle.f32 v46, v19  }
0x5eb: {  	v25 =	vsel vm14, $0x4, v0;
	v48 =	vld.idx.msk [tilespmem:v27+s10+$0x0], $0xffff;
	vm15 =	vle.f32 v30, v20  }
0x5ec: {  	v21 =	vadd.s32 v25, v21;
	v30 =	vsel vm15, $0x4, v0  }
0x5ed: {  	v49 =	vadd.s32 $0x2, v21;
	v22 =	vadd.s32 v30, v22  }
0x5ee: {  	vm4 =	vle.f32 v28, v18;
	v30 =	vadd.s32 $0x2, v22  }
0x5ef: {  	vm5 =	vle.f32 v29, v16;
	v28 =	vsel vm4, $0x4, v0  }
0x5f0: {  	v29 =	vsel vm5, $0x2, v0;
	vm6 =	vle.f32 v48, v17;
	v26 =	vadd.s32 v28, v26  }
0x5f1: {  	v23 =	vadd.s32 v29, v23;
	v51 =	vsel vm6, $0x2, v0;
	v28 =	vadd.s32 $0x2, v26  }
0x5f2: {  	v29 =	vadd.s32 $0x1, v23;
	v50 =	vld.idx.msk [tilespmem:v49+s10+$0x0], $0xffff;
	v24 =	vadd.s32 v51, v24  }
0x5f3: {  	v27 =	vadd.s32 $0x1, v24;
	v30 =	vld.idx.msk [tilespmem:v30+s10+$0x0], $0xffff;
	_ =	sdelay $0x2  }
0x5f4: {  	v28 =	vld.idx.msk [tilespmem:v28+s10+$0x0], $0xffff  }
0x5f5: {  	v29 =	vld.idx.msk [tilespmem:v29+s10+$0x0], $0xffff;
	vm7 =	vle.f32 v50, v19  }
0x5f6: {  	v25 =	vsel vm7, $0x2, v0;
	v52 =	vld.idx.msk [tilespmem:v27+s10+$0x0], $0xffff;
	vm8 =	vle.f32 v30, v20  }
0x5f7: {  	v21 =	vadd.s32 v25, v21;
	v30 =	vsel vm8, $0x2, v0  }
0x5f8: {  	v53 =	vadd.s32 $0x1, v21;
	v54 =	vadd.s32 v30, v22  }
0x5f9: {  	vm9 =	vle.f32 v28, v18;
	v57 =	vadd.s32 $0x1, v54  }
0x5fa: {  	vm10 =	vle.f32 v29, v16;
	v55 =	vsel vm9, $0x2, v0  }
0x5fb: {  	v56 =	vsel vm10, $0x1, v0;
	vm11 =	vle.f32 v52, v17;
	v22 =	vadd.s32 v55, v26  }
0x5fc: {  	v58 =	vsub.s32 v56, v1;
	v25 =	vsel vm11, $0x1, v0;
	v59 =	vadd.s32 $0x1, v22  }
0x5fd: {  	v23 =	vadd.s32 v23, v58;
	v60 =	vld.idx.msk [tilespmem:v53+s10+$0x0], $0xffff;
	v25 =	vsub.s32 v25, v2  }
0x5fe: {  	vm12 =	vlt.s32 v23, $0x7F;
	v24 =	vadd.s32 v24, v25;
	v61 =	vld.idx.msk [tilespmem:v57+s10+$0x0], $0xffff  }
0x5ff: {  	v23 =	vnsel vm12, $0x7F, v23;
	vm13 =	vlt.s32 v24, $0x7F  }
0x600: {  	v23 =	vcvt.s32.f32 v23;
	v24 =	vnsel vm13, $0x7F, v24  }
0x601: {  	v24 =	vcvt.s32.f32 v24;
	v62 =	vld.idx.msk [tilespmem:v59+s10+$0x0], $0xffff  }
0x602: {  	v23 =	vmul.f32 $4.645669460e-02, v23;
	vm14 =	vle.f32 v60, v19  }
0x603: {  	v19 =	vsel vm14, $0x1, v0;
	v17 =	vmul.f32 $4.645669460e-02, v24;
	vm15 =	vle.f32 v61, v20  }
0x604: {  	v23 =	vadd.f32 $1.000000010e-01, v23;
	v19 =	vsub.s32 v19, v3;
	v20 =	vsel vm15, $0x1, v0  }
0x605: {  	v19 =	vadd.s32 v21, v19;
	v17 =	vadd.f32 $1.000000010e-01, v17;
	v26 =	vsub.s32 v20, v4  }
0x606: {  	vm4 =	vlt.s32 v19, $0x7F;
	vm5 =	vle.f32 v62, v18;
	v16 =	vadd.s32 v54, v26  }
0x607: {  	v29 =	vld [tilespmem:s16+$0x81E0];
	v25 =	vnsel vm4, $0x7F, v19;
	v27 =	vsel vm5, $0x1, v0;
	vm6 =	vlt.s32 v16, $0x7F  }
0x608: {  	v30 =	vld [tilespmem:s16+$0x8260];
	[tilespmem:s16+$0x181D0] =	vst v23;
	v18 =	vcvt.s32.f32 v25;
	v28 =	vsub.s32 v27, v5;
	v16 =	vnsel vm6, $0x7F, v16  }
0x609: {  	v31 =	vld.idx.msk [tilespmem:v7+s10+$0x0], $0xffff;
	[tilespmem:s16+$0x18250] =	vst v17;
	v19 =	vadd.s32 v22, v28;
	v16 =	vcvt.s32.f32 v16  }
0x60a: {  	v34 =	vld.idx.msk [tilespmem:v9+s10+$0x0], $0xffff;
	v18 =	vmul.f32 $4.645669460e-02, v18;
	vm7 =	vlt.s32 v19, $0x7F  }
0x60b: {  	v19 =	vnsel vm7, $0x7F, v19;
	v35 =	vmul.f32 $4.645669460e-02, v16  }
0x60c: {  	v32 =	vadd.f32 $1.000000010e-01, v18;
	v16 =	vmul.f32 v29, v6;
	v33 =	vcvt.s32.f32 v19  }
0x60d: {  	v36 =	vld [tilespmem:s16+$0x82E0];
	v17 =	vmul.f32 v30, v8  }
0x60e: {  	v38 =	vld [tilespmem:s16+$0x8360];
	[tilespmem:s16+$0x182D0] =	vst v32;
	v23 =	vadd.f32 $1.000000010e-01, v35;
	vm8 =	vle.f32 v31, v16;
	v18 =	vmul.f32 $4.645669460e-02, v33  }
0x60f: {  	vm9 =	vle.f32 v34, v17;
	v37 =	vld.idx.msk [tilespmem:v11+s10+$0x0], $0xffff;
	v40 =	vsel vm8, $0x40, v0  }
0x610: {  	v39 =	vld [tilespmem:s16+$0x83E0];
	v42 =	vsel vm9, $0x40, v0;
	[tilespmem:s16+$0x18350] =	vst v23;
	v23 =	vadd.s32 s25, v40;
	v18 =	vadd.f32 $1.000000010e-01, v18  }
0x611: {  	v45 =	vadd.s32 s28, v42;
	v41 =	vld.idx.msk [tilespmem:v10+s10+$0x0], $0xffff;
	v44 =	vadd.s32 $0x20, v23  }
0x612: {  	v19 =	vmul.f32 v36, v13;
	v46 =	vadd.s32 $0x20, v45;
	[tilespmem:s16+$0x183D0] =	vst v18  }
0x613: {  	v43 =	vld.idx.msk [tilespmem:v12+s10+$0x0], $0xffff  }
0x614: {  	v20 =	vmul.f32 v38, v14;
	vm10 =	vle.f32 v37, v19  }
0x615: {  	v47 =	vsel vm10, $0x40, v0  }
0x616: {  	v18 =	vmul.f32 v39, v15;
	v21 =	vadd.s32 s29, v47;
	vm11 =	vle.f32 v41, v20;
	v49 =	vld.idx.msk [tilespmem:v44+s10+$0x0], $0xffff  }
0x617: {  	v28 =	vld.idx.msk [tilespmem:v46+s10+$0x0], $0xffff;
	v48 =	vadd.s32 $0x20, v21;
	v25 =	vsel vm11, $0x40, v0  }
0x618: {  	v25 =	vadd.s32 s21, v25;
	vm12 =	vle.f32 v43, v18  }
0x619: {  	v51 =	vadd.s32 $0x20, v25;
	v50 =	vsel vm12, $0x40, v0  }
0x61a: {  	v26 =	vadd.s32 s30, v50  }
0x61b: {  	vm13 =	vle.f32 v49, v16;
	v52 =	vadd.s32 $0x20, v26  }
0x61c: {  	vm14 =	vle.f32 v28, v17;
	v22 =	vld.idx.msk [tilespmem:v48+s10+$0x0], $0xffff;
	v24 =	vsel vm13, $0x20, v0  }
0x61d: {  	v54 =	vsel vm14, $0x20, v0;
	v23 =	vadd.s32 v24, v23  }
0x61e: {  	v24 =	vadd.s32 v54, v45;
	v53 =	vld.idx.msk [tilespmem:v51+s10+$0x0], $0xffff;
	v56 =	vadd.s32 $0x10, v23  }
0x61f: {  	v27 =	vadd.s32 $0x10, v24  }
0x620: {  	v55 =	vld.idx.msk [tilespmem:v52+s10+$0x0], $0xffff  }
0x621: {  	vm15 =	vle.f32 v22, v19  }
0x622: {  	v22 =	vsel vm15, $0x20, v0  }
0x623: {  	v21 =	vadd.s32 v22, v21;
	vm4 =	vle.f32 v53, v20;
	v57 =	vld.idx.msk [tilespmem:v56+s10+$0x0], $0xffff  }
0x624: {  	v22 =	vadd.s32 $0x10, v21;
	v27 =	vld.idx.msk [tilespmem:v27+s10+$0x0], $0xffff;
	v28 =	vsel vm4, $0x20, v0  }
0x625: {  	v25 =	vadd.s32 v28, v25;
	vm5 =	vle.f32 v55, v18  }
0x626: {  	v59 =	vadd.s32 $0x10, v25;
	v58 =	vsel vm5, $0x20, v0  }
0x627: {  	v26 =	vadd.s32 v58, v26  }
0x628: {  	vm6 =	vle.f32 v57, v16;
	v28 =	vadd.s32 $0x10, v26  }
0x629: {  	v22 =	vld.idx.msk [tilespmem:v22+s10+$0x0], $0xffff;
	vm7 =	vle.f32 v27, v17;
	v29 =	vsel vm6, $0x10, v0  }
0x62a: {  	v61 =	vsel vm7, $0x10, v0;
	v23 =	vadd.s32 v29, v23  }
0x62b: {  	v24 =	vadd.s32 v61, v24;
	v60 =	vld.idx.msk [tilespmem:v59+s10+$0x0], $0xffff;
	v62 =	vadd.s32 $0x8, v23  }
0x62c: {  	v29 =	vadd.s32 $0x8, v24  }
0x62d: {  	v28 =	vld.idx.msk [tilespmem:v28+s10+$0x0], $0xffff  }
0x62e: {  	vm8 =	vle.f32 v22, v19  }
0x62f: {  	v22 =	vsel vm8, $0x10, v0  }
0x630: {  	v21 =	vadd.s32 v22, v21;
	vm9 =	vle.f32 v60, v20;
	v33 =	vld.idx.msk [tilespmem:v62+s10+$0x0], $0xffff  }
0x631: {  	v22 =	vadd.s32 $0x8, v21;
	v29 =	vld.idx.msk [tilespmem:v29+s10+$0x0], $0xffff;
	v27 =	vsel vm9, $0x10, v0  }
0x632: {  	v25 =	vadd.s32 v27, v25;
	vm10 =	vle.f32 v28, v18  }
0x633: {  	v35 =	vadd.s32 $0x8, v25;
	v34 =	vsel vm10, $0x10, v0  }
0x634: {  	v26 =	vadd.s32 v34, v26  }
0x635: {  	vm11 =	vle.f32 v33, v16;
	v27 =	vadd.s32 $0x8, v26  }
0x636: {  	v22 =	vld.idx.msk [tilespmem:v22+s10+$0x0], $0xffff;
	vm12 =	vle.f32 v29, v17;
	v28 =	vsel vm11, $0x8, v0  }
0x637: {  	v37 =	vsel vm12, $0x8, v0;
	v23 =	vadd.s32 v28, v23  }
0x638: {  	v24 =	vadd.s32 v37, v24;
	v36 =	vld.idx.msk [tilespmem:v35+s10+$0x0], $0xffff;
	v38 =	vadd.s32 $0x4, v23  }
0x639: {  	v28 =	vadd.s32 $0x4, v24  }
0x63a: {  	v27 =	vld.idx.msk [tilespmem:v27+s10+$0x0], $0xffff  }
0x63b: {  	vm13 =	vle.f32 v22, v19  }
0x63c: {  	v22 =	vsel vm13, $0x8, v0  }
0x63d: {  	v21 =	vadd.s32 v22, v21;
	vm14 =	vle.f32 v36, v20;
	v39 =	vld.idx.msk [tilespmem:v38+s10+$0x0], $0xffff  }
0x63e: {  	v22 =	vadd.s32 $0x4, v21;
	v28 =	vld.idx.msk [tilespmem:v28+s10+$0x0], $0xffff;
	v29 =	vsel vm14, $0x8, v0  }
0x63f: {  	v25 =	vadd.s32 v29, v25;
	vm15 =	vle.f32 v27, v18  }
0x640: {  	v41 =	vadd.s32 $0x4, v25;
	v40 =	vsel vm15, $0x8, v0  }
0x641: {  	v26 =	vadd.s32 v40, v26  }
0x642: {  	vm4 =	vle.f32 v39, v16;
	v29 =	vadd.s32 $0x4, v26  }
0x643: {  	v22 =	vld.idx.msk [tilespmem:v22+s10+$0x0], $0xffff;
	vm5 =	vle.f32 v28, v17;
	v27 =	vsel vm4, $0x4, v0  }
0x644: {  	v43 =	vsel vm5, $0x4, v0;
	v23 =	vadd.s32 v27, v23  }
0x645: {  	v24 =	vadd.s32 v43, v24;
	v42 =	vld.idx.msk [tilespmem:v41+s10+$0x0], $0xffff;
	v44 =	vadd.s32 $0x2, v23  }
0x646: {  	v27 =	vadd.s32 $0x2, v24  }
0x647: {  	v29 =	vld.idx.msk [tilespmem:v29+s10+$0x0], $0xffff  }
0x648: {  	vm6 =	vle.f32 v22, v19  }
0x649: {  	v22 =	vsel vm6, $0x4, v0  }
0x64a: {  	v21 =	vadd.s32 v22, v21;
	vm7 =	vle.f32 v42, v20;
	v45 =	vld.idx.msk [tilespmem:v44+s10+$0x0], $0xffff  }
0x64b: {  	v22 =	vadd.s32 $0x2, v21;
	v27 =	vld.idx.msk [tilespmem:v27+s10+$0x0], $0xffff;
	v28 =	vsel vm7, $0x4, v0  }
0x64c: {  	v25 =	vadd.s32 v28, v25;
	vm8 =	vle.f32 v29, v18  }
0x64d: {  	v47 =	vadd.s32 $0x2, v25;
	v46 =	vsel vm8, $0x4, v0  }
0x64e: {  	v26 =	vadd.s32 v46, v26  }
0x64f: {  	vm9 =	vle.f32 v45, v16;
	v28 =	vadd.s32 $0x2, v26  }
0x650: {  	v22 =	vld.idx.msk [tilespmem:v22+s10+$0x0], $0xffff;
	vm10 =	vle.f32 v27, v17;
	v29 =	vsel vm9, $0x2, v0  }
0x651: {  	v49 =	vsel vm10, $0x2, v0;
	v23 =	vadd.s32 v29, v23  }
0x652: {  	v24 =	vadd.s32 v49, v24;
	v48 =	vld.idx.msk [tilespmem:v47+s10+$0x0], $0xffff;
	v50 =	vadd.s32 $0x1, v23  }
0x653: {  	v29 =	vadd.s32 $0x1, v24  }
0x654: {  	v28 =	vld.idx.msk [tilespmem:v28+s10+$0x0], $0xffff  }
0x655: {  	vm11 =	vle.f32 v22, v19  }
0x656: {  	v22 =	vsel vm11, $0x2, v0  }
0x657: {  	v21 =	vadd.s32 v22, v21;
	vm12 =	vle.f32 v48, v20;
	v51 =	vld.idx.msk [tilespmem:v50+s10+$0x0], $0xffff  }
0x658: {  	v22 =	vadd.s32 $0x1, v21;
	v29 =	vld.idx.msk [tilespmem:v29+s10+$0x0], $0xffff;
	v27 =	vsel vm12, $0x2, v0  }
0x659: {  	v25 =	vadd.s32 v27, v25;
	vm13 =	vle.f32 v28, v18  }
0x65a: {  	v53 =	vadd.s32 $0x1, v25;
	v52 =	vsel vm13, $0x2, v0  }
0x65b: {  	v26 =	vadd.s32 v52, v26  }
0x65c: {  	vm14 =	vle.f32 v51, v16;
	v27 =	vadd.s32 $0x1, v26  }
0x65d: {  	v22 =	vld.idx.msk [tilespmem:v22+s10+$0x0], $0xffff;
	vm15 =	vle.f32 v29, v17;
	v16 =	vsel vm14, $0x1, v0  }
0x65e: {  	v55 =	vsel vm15, $0x1, v0;
	v16 =	vsub.s32 v16, v1  }
0x65f: {  	v56 =	vsub.s32 v55, v2;
	v54 =	vld.idx.msk [tilespmem:v53+s10+$0x0], $0xffff;
	v16 =	vadd.s32 v23, v16  }
0x660: {  	v57 =	vadd.s32 v24, v56;
	vm5 =	vlt.s32 v16, $0x7F  }
0x661: {  	vm6 =	vlt.s32 v57, $0x7F;
	v16 =	vnsel vm5, $0x7F, v16;
	v27 =	vld.idx.msk [tilespmem:v27+s10+$0x0], $0xffff  }
0x662: {  	vm4 =	vle.f32 v22, v19;
	v58 =	vnsel vm6, $0x7F, v57;
	v16 =	vcvt.s32.f32 v16  }
0x663: {  	v22 =	vsel vm4, $0x1, v0;
	v17 =	vcvt.s32.f32 v58  }
0x664: {  	v59 =	vsub.s32 v22, v3;
	vm7 =	vle.f32 v54, v20;
	v16 =	vmul.f32 $4.645669460e-02, v16  }
0x665: {  	v60 =	vadd.s32 v21, v59;
	v17 =	vmul.f32 $4.645669460e-02, v17;
	v61 =	vsel vm7, $0x1, v0  }
0x666: {  	vm9 =	vlt.s32 v60, $0x7F;
	v16 =	vadd.f32 $1.000000010e-01, v16;
	vm8 =	vle.f32 v27, v18  }
0x667: {  	v19 =	vsub.s32 v61, v4;
	v17 =	vadd.f32 $1.000000010e-01, v17;
	v62 =	vsel vm8, $0x1, v0  }
0x668: {  	v24 =	vld [tilespmem:s16+$0x81F0];
	v18 =	vnsel vm9, $0x7F, v60;
	v19 =	vadd.s32 v25, v19;
	[tilespmem:s16+$0x181E0] =	vst v16;
	v20 =	vsub.s32 v62, v5  }
0x669: {  	v18 =	vcvt.s32.f32 v18;
	vm10 =	vlt.s32 v19, $0x7F;
	v27 =	vld.idx.msk [tilespmem:v7+s10+$0x0], $0xffff;
	v20 =	vadd.s32 v26, v20  }
0x66a: {  	v19 =	vnsel vm10, $0x7F, v19;
	v26 =	vld [tilespmem:s16+$0x8270];
	vm11 =	vlt.s32 v20, $0x7F  }
0x66b: {  	[tilespmem:s16+$0x18260] =	vst v17;
	v18 =	vmul.f32 $4.645669460e-02, v18;
	v19 =	vcvt.s32.f32 v19;
	v25 =	vnsel vm11, $0x7F, v20  }
0x66c: {  	v9 =	vld.idx.msk [tilespmem:v9+s10+$0x0], $0xffff;
	v16 =	vcvt.s32.f32 v25  }
0x66d: {  	v6 =	vmul.f32 v24, v6;
	v28 =	vadd.f32 $1.000000010e-01, v18;
	v29 =	vmul.f32 $4.645669460e-02, v19  }
0x66e: {  	v30 =	vld [tilespmem:s16+$0x82F0];
	v16 =	vmul.f32 $4.645669460e-02, v16  }
0x66f: {  	v31 =	vld [tilespmem:s16+$0x8370];
	[tilespmem:s16+$0x182E0] =	vst v28;
	v18 =	vadd.f32 $1.000000010e-01, v29;
	vm12 =	vle.f32 v27, v6;
	v7 =	vmul.f32 v26, v8  }
0x670: {  	v11 =	vld.idx.msk [tilespmem:v11+s10+$0x0], $0xffff;
	v33 =	vsel vm12, $0x40, v0;
	v16 =	vadd.f32 $1.000000010e-01, v16  }
0x671: {  	v32 =	vld [tilespmem:s16+$0x83F0];
	[tilespmem:s16+$0x18360] =	vst v18;
	v35 =	vadd.s32 s25, v33;
	vm13 =	vle.f32 v9, v7  }
0x672: {  	v34 =	vld.idx.msk [tilespmem:v10+s10+$0x0], $0xffff;
	v37 =	vadd.s32 $0x20, v35;
	v9 =	vsel vm13, $0x40, v0;
	[tilespmem:s16+$0x183E0] =	vst v16  }
0x673: {  	v10 =	vmul.f32 v30, v13;
	v36 =	vadd.s32 s28, v9;
	v12 =	vld.idx.msk [tilespmem:v12+s10+$0x0], $0xffff  }
0x674: {  	v38 =	vadd.s32 $0x20, v36  }
0x675: {  	v8 =	vmul.f32 v31, v14;
	vm14 =	vle.f32 v11, v10  }
0x676: {  	v9 =	vmul.f32 v32, v15;
	v11 =	vsel vm14, $0x40, v0  }
0x677: {  	vm15 =	vle.f32 v34, v8;
	v11 =	vadd.s32 s29, v11;
	v41 =	vld.idx.msk [tilespmem:v37+s10+$0x0], $0xffff  }
0x678: {  	v39 =	vsel vm15, $0x40, v0;
	v42 =	vadd.s32 $0x20, v11;
	vm4 =	vle.f32 v12, v9  }
0x679: {  	v40 =	vadd.s32 s21, v39;
	v13 =	vld.idx.msk [tilespmem:v38+s10+$0x0], $0xffff;
	v43 =	vsel vm4, $0x40, v0  }
0x67a: {  	v44 =	vadd.s32 $0x20, v40;
	v17 =	vadd.s32 s30, v43  }
0x67b: {  	v45 =	vadd.s32 $0x20, v17  }
0x67c: {  	vm5 =	vle.f32 v41, v6  }
0x67d: {  	v46 =	vld.idx.msk [tilespmem:v42+s10+$0x0], $0xffff;
	v47 =	vsel vm5, $0x20, v0  }
0x67e: {  	v15 =	vadd.s32 v47, v35;
	vm6 =	vle.f32 v13, v7  }
0x67f: {  	v48 =	vld.idx.msk [tilespmem:v44+s10+$0x0], $0xffff;
	v51 =	vadd.s32 $0x10, v15;
	v49 =	vsel vm6, $0x20, v0  }
0x680: {  	v16 =	vadd.s32 v49, v36;
	v50 =	vld.idx.msk [tilespmem:v45+s10+$0x0], $0xffff  }
0x681: {  	v18 =	vadd.s32 $0x10, v16  }
0x682: {  	vm7 =	vle.f32 v46, v10  }
0x683: {  	v14 =	vsel vm7, $0x20, v0  }
0x684: {  	vm8 =	vle.f32 v48, v8;
	v11 =	vadd.s32 v14, v11;
	v52 =	vld.idx.msk [tilespmem:v51+s10+$0x0], $0xffff  }
0x685: {  	v13 =	vsel vm8, $0x20, v0;
	v53 =	vadd.s32 $0x10, v11;
	vm9 =	vle.f32 v50, v9  }
0x686: {  	v12 =	vadd.s32 v13, v40;
	v18 =	vld.idx.msk [tilespmem:v18+s10+$0x0], $0xffff;
	v54 =	vsel vm9, $0x20, v0  }
0x687: {  	v55 =	vadd.s32 $0x10, v12;
	v13 =	vadd.s32 v54, v17  }
0x688: {  	v17 =	vadd.s32 $0x10, v13  }
0x689: {  	vm10 =	vle.f32 v52, v6  }
0x68a: {  	v56 =	vld.idx.msk [tilespmem:v53+s10+$0x0], $0xffff;
	v57 =	vsel vm10, $0x10, v0  }
0x68b: {  	v15 =	vadd.s32 v57, v15;
	vm11 =	vle.f32 v18, v7  }
0x68c: {  	v58 =	vld.idx.msk [tilespmem:v55+s10+$0x0], $0xffff;
	v60 =	vadd.s32 $0x8, v15;
	v59 =	vsel vm11, $0x10, v0  }
0x68d: {  	v16 =	vadd.s32 v59, v16;
	v17 =	vld.idx.msk [tilespmem:v17+s10+$0x0], $0xffff  }
0x68e: {  	v19 =	vadd.s32 $0x8, v16  }
0x68f: {  	vm12 =	vle.f32 v56, v10  }
0x690: {  	v14 =	vsel vm12, $0x10, v0  }
0x691: {  	vm13 =	vle.f32 v58, v8;
	v11 =	vadd.s32 v14, v11;
	v62 =	vld.idx.msk [tilespmem:v60+s10+$0x0], $0xffff  }
0x692: {  	v61 =	vsel vm13, $0x10, v0;
	v24 =	vadd.s32 $0x8, v11;
	vm14 =	vle.f32 v17, v9  }
0x693: {  	v12 =	vadd.s32 v61, v12;
	v19 =	vld.idx.msk [tilespmem:v19+s10+$0x0], $0xffff;
	v25 =	vsel vm14, $0x10, v0  }
0x694: {  	v26 =	vadd.s32 $0x8, v12;
	v13 =	vadd.s32 v25, v13  }
0x695: {  	v14 =	vadd.s32 $0x8, v13  }
0x696: {  	vm15 =	vle.f32 v62, v6  }
0x697: {  	v27 =	vld.idx.msk [tilespmem:v24+s10+$0x0], $0xffff;
	v28 =	vsel vm15, $0x8, v0  }
0x698: {  	v15 =	vadd.s32 v28, v15;
	vm4 =	vle.f32 v19, v7  }
0x699: {  	v29 =	vld.idx.msk [tilespmem:v26+s10+$0x0], $0xffff;
	v31 =	vadd.s32 $0x4, v15;
	v30 =	vsel vm4, $0x8, v0  }
0x69a: {  	v16 =	vadd.s32 v30, v16;
	v14 =	vld.idx.msk [tilespmem:v14+s10+$0x0], $0xffff  }
0x69b: {  	v18 =	vadd.s32 $0x4, v16  }
0x69c: {  	vm5 =	vle.f32 v27, v10  }
0x69d: {  	v17 =	vsel vm5, $0x8, v0  }
0x69e: {  	vm6 =	vle.f32 v29, v8;
	v11 =	vadd.s32 v17, v11;
	v33 =	vld.idx.msk [tilespmem:v31+s10+$0x0], $0xffff  }
0x69f: {  	v32 =	vsel vm6, $0x8, v0;
	v34 =	vadd.s32 $0x4, v11;
	vm7 =	vle.f32 v14, v9  }
0x6a0: {  	v12 =	vadd.s32 v32, v12;
	v18 =	vld.idx.msk [tilespmem:v18+s10+$0x0], $0xffff;
	v35 =	vsel vm7, $0x8, v0  }
0x6a1: {  	v36 =	vadd.s32 $0x4, v12;
	v13 =	vadd.s32 v35, v13  }
0x6a2: {  	v17 =	vadd.s32 $0x4, v13  }
0x6a3: {  	vm8 =	vle.f32 v33, v6  }
0x6a4: {  	v37 =	vld.idx.msk [tilespmem:v34+s10+$0x0], $0xffff;
	v38 =	vsel vm8, $0x4, v0  }
0x6a5: {  	v15 =	vadd.s32 v38, v15;
	vm9 =	vle.f32 v18, v7  }
0x6a6: {  	v39 =	vld.idx.msk [tilespmem:v36+s10+$0x0], $0xffff;
	v41 =	vadd.s32 $0x2, v15;
	v40 =	vsel vm9, $0x4, v0  }
0x6a7: {  	v16 =	vadd.s32 v40, v16;
	v17 =	vld.idx.msk [tilespmem:v17+s10+$0x0], $0xffff  }
0x6a8: {  	v19 =	vadd.s32 $0x2, v16  }
0x6a9: {  	vm10 =	vle.f32 v37, v10  }
0x6aa: {  	v14 =	vsel vm10, $0x4, v0  }
0x6ab: {  	vm11 =	vle.f32 v39, v8;
	v11 =	vadd.s32 v14, v11;
	v43 =	vld.idx.msk [tilespmem:v41+s10+$0x0], $0xffff  }
0x6ac: {  	v42 =	vsel vm11, $0x4, v0;
	v44 =	vadd.s32 $0x2, v11;
	vm12 =	vle.f32 v17, v9  }
0x6ad: {  	v12 =	vadd.s32 v42, v12;
	v19 =	vld.idx.msk [tilespmem:v19+s10+$0x0], $0xffff;
	v45 =	vsel vm12, $0x4, v0  }
0x6ae: {  	v46 =	vadd.s32 $0x2, v12;
	v13 =	vadd.s32 v45, v13  }
0x6af: {  	v14 =	vadd.s32 $0x2, v13  }
0x6b0: {  	vm13 =	vle.f32 v43, v6  }
0x6b1: {  	v47 =	vld.idx.msk [tilespmem:v44+s10+$0x0], $0xffff;
	v48 =	vsel vm13, $0x2, v0  }
0x6b2: {  	v15 =	vadd.s32 v48, v15;
	vm14 =	vle.f32 v19, v7  }
0x6b3: {  	v49 =	vld.idx.msk [tilespmem:v46+s10+$0x0], $0xffff;
	v51 =	vadd.s32 $0x1, v15;
	v50 =	vsel vm14, $0x2, v0  }
0x6b4: {  	v16 =	vadd.s32 v50, v16;
	v14 =	vld.idx.msk [tilespmem:v14+s10+$0x0], $0xffff  }
0x6b5: {  	v18 =	vadd.s32 $0x1, v16  }
0x6b6: {  	vm15 =	vle.f32 v47, v10  }
0x6b7: {  	v17 =	vsel vm15, $0x2, v0  }
0x6b8: {  	vm4 =	vle.f32 v49, v8;
	v11 =	vadd.s32 v17, v11;
	v53 =	vld.idx.msk [tilespmem:v51+s10+$0x0], $0xffff  }
0x6b9: {  	v52 =	vsel vm4, $0x2, v0;
	v54 =	vadd.s32 $0x1, v11;
	vm5 =	vle.f32 v14, v9  }
0x6ba: {  	v12 =	vadd.s32 v52, v12;
	v18 =	vld.idx.msk [tilespmem:v18+s10+$0x0], $0xffff;
	v55 =	vsel vm5, $0x2, v0  }
0x6bb: {  	v56 =	vadd.s32 $0x1, v12;
	v13 =	vadd.s32 v55, v13  }
0x6bc: {  	v17 =	vadd.s32 $0x1, v13  }
0x6bd: {  	vm6 =	vle.f32 v53, v6  }
0x6be: {  	v57 =	vld.idx.msk [tilespmem:v54+s10+$0x0], $0xffff;
	v58 =	vsel vm6, $0x1, v0  }
0x6bf: {  	v1 =	vsub.s32 v58, v1;
	vm7 =	vle.f32 v18, v7  }
0x6c0: {  	v59 =	vld.idx.msk [tilespmem:v56+s10+$0x0], $0xffff;
	v1 =	vadd.s32 v15, v1;
	v60 =	vsel vm7, $0x1, v0  }
0x6c1: {  	vm8 =	vlt.s32 v1, $0x7F;
	v2 =	vsub.s32 v60, v2;
	v17 =	vld.idx.msk [tilespmem:v17+s10+$0x0], $0xffff  }
0x6c2: {  	v1 =	vnsel vm8, $0x7F, v1;
	v2 =	vadd.s32 v16, v2  }
0x6c3: {  	vm9 =	vle.f32 v57, v10;
	v1 =	vcvt.s32.f32 v1;
	vm10 =	vlt.s32 v2, $0x7F  }
0x6c4: {  	v6 =	vsel vm9, $0x1, v0;
	v2 =	vnsel vm10, $0x7F, v2  }
0x6c5: {  	vm11 =	vle.f32 v59, v8;
	v3 =	vsub.s32 v6, v3;
	v1 =	vmul.f32 $4.645669460e-02, v1  }
0x6c6: {  	v61 =	vsel vm11, $0x1, v0;
	v3 =	vadd.s32 v11, v3;
	vm12 =	vle.f32 v17, v9  }
0x6c7: {  	v2 =	vcvt.s32.f32 v2;
	v4 =	vsub.s32 v61, v4;
	v62 =	vsel vm12, $0x1, v0  }
0x6c8: {  	vm13 =	vlt.s32 v3, $0x7F;
	v4 =	vadd.s32 v12, v4;
	v5 =	vsub.s32 v62, v5  }
0x6c9: {  	v3 =	vnsel vm13, $0x7F, v3;
	vm14 =	vlt.s32 v4, $0x7F;
	v5 =	vadd.s32 v13, v5  }
0x6ca: {  	v3 =	vcvt.s32.f32 v3;
	v4 =	vnsel vm14, $0x7F, v4;
	vm15 =	vlt.s32 v5, $0x7F  }
0x6cb: {  	v2 =	vmul.f32 $4.645669460e-02, v2;
	v4 =	vcvt.s32.f32 v4;
	v5 =	vnsel vm15, $0x7F, v5  }
0x6cc: {  	v1 =	vadd.f32 $1.000000010e-01, v1;
	v3 =	vmul.f32 $4.645669460e-02, v3;
	v5 =	vcvt.s32.f32 v5  }
0x6cd: {  	p0 =	slt.u32 s15, $0xF8;
	v2 =	vadd.f32 $1.000000010e-01, v2;
	v4 =	vmul.f32 $4.645669460e-02, v4  }
.Ltmp0:
0x6ce: {  	[tilespmem:s16+$0x181F0] =	vst v1;
	v1 =	vadd.f32 $1.000000010e-01, v3;
	v3 =	vmul.f32 $4.645669460e-02, v5;
	(pc) =	sbr.rel @p0 .LBB2_3-.Ltmp0, $4  }
0x6cf: {  	[tilespmem:s16+$0x18270] =	vst v2;
	v2 =	vadd.f32 $1.000000010e-01, v4  }
0x6d0: {  	[tilespmem:s16+$0x182F0] =	vst v1;
	v1 =	vadd.f32 $1.000000010e-01, v3  }
0x6d1: {  	s31 =	sadd.s32 $0x8, s15;
	[tilespmem:s16+$0x18370] =	vst v2  }
0x6d2: {  	s15 =	smov.u32 s31;
	[tilespmem:s16+$0x183F0] =	vst v1  }
0x6d3: {  	s13 =	sadd.s32 $0x1, s13  }
0x6d4: {  	p0 =	sne.s32 s13, $0x8  }
.Ltmp1:
0x6d5: {  	s14 =	sadd.s32 s3, s14;
	(pc) =	sbr.rel @p0 .LBB2_2-.Ltmp1, $4  }
0x6d6: {  	[hbm4b:s14+s5] =	stream.linear.scatter [tilespmem:s11], [sflag:$0x1], $0x8000, $0x38;
	v63 =	vld [tilespmem:$0x0]  }
0x6d7: {  	_ =	swait.ge [sflag:s8], $0x8000  }
0x6d8: {  	[sflag:s8] =	ssyncset.done $0x0  }
0x6d9: {  	[sflag:s8] =	ssyncadd.s32 $0xFFFF8000  }
0x6da: {  	s12 =	sadd.s32 $0x1, s12  }
0x6db: {  	p0 =	sne.s32 s12, s7  }
.Ltmp2:
0x6dc: {  	_ = 	snop;
	(pc) =	sbr.rel @p0 .LBB2_1-.Ltmp2, $1  }
0x6dd: {  	_ =	sdelay $0x3  }
0x6de: {  	_ =	sfence.sel $0x180000  }
0x6df: {  	[bflag:$0x0] =	sbarrier.arrive $0xFFFF  }
0x6e0: {  	p0 =	sne.s32 s4, $0x0;
	_ =	strace $0x90000047  }
0x6e1: {  	s0 =	sadd.s32 @!p0 $0x100000, s0;
	[bflag:$0x2] =	sbarrier.arrive $0xFFFF  }
0x6e2: {  	[sflag:s0] =	ssyncadd.tile.s32 @!p0 $0x1;
	_ =	shalt  }
.Lfunc_end2:
_tile_overlayer_lowered:
.L_overlay_start_2:
0x6e3: {  	(tag) =	ssettag $0x2  }
0x6e4: {  	s0 =	rddreg [dreg:$0x0];
	s2 =	stileid.u32  }
0x6e5: {  	s1 =	rddreg [dreg:$0x1];
	p0 =	sne.s32 s2, $0x0  }
0x6e6: {  	s3 =	rddreg [dreg:$0x2];
	[bflag:$0x3] =	sbarrier.arrive $0xFFFF;
	s2 =	simm.s32 @!p0 $0x1C01  }
0x6e7: {  	[timem:s3], [sflag:s2] =	dma.local @!p0 [hbm:s0], s1  }
0x6e8: {  	s0 =	simm.s32 @!p0 $0x1  }
0x6e9: {  	_ =	swait.ge @!p0 [sflag:s0], s1  }
0x6ea: {  	s1 =	ssub.s32 @!p0 $0x0, s1;
	[sflag:s0] =	ssyncset.done @!p0 $0x0  }
0x6eb: {  	[sflag:s0] =	ssyncadd.s32 @!p0 s1  }
0x6ec: {  	[bflag:$0x3] =	sbarrier.arrive $0xFFFF  }
0x6ed: {  	_ =	shalt  }

</sc_bundles>
